<compile_context>
chip_gen: v7x
topology: tpu7x:2x2x1
jax: 0.10.2.dev20260603
libtpu: 0.0.44.dev20260713+nightly
codegen_flags: <defaults>
</compile_context>

<pallas_src>
import functools

import jax
import jax.numpy as jnp
from jax import lax
from jax.experimental import pallas as pl
from jax.experimental.pallas import tpu as pltpu
from jax.experimental.pallas import tpu_sc as plsc

_NORMALIZATION_FACTOR = 9.48933
_N = 50000
_NTYPES = 10
_L = 16
_NT = 16
_VECS = 196
_E = _VECS * _L
_LAST_BASE = _N - _E
_CHV = 28
_CHE = _CHV * _L

_mesh = plsc.VectorSubcoreMesh(
    core_axis_name="c", subcore_axis_name="s", num_cores=1
)


@functools.partial(
    pl.kernel,
    out_type=jax.ShapeDtypeStruct((_N,), jnp.float32),
    mesh=_mesh,
    scratch_types=[
        pltpu.VMEM((_L,), jnp.float32),
        pltpu.VMEM((_E,), jnp.int32),
        pltpu.VMEM((_E,), jnp.float32),
        pltpu.SemaphoreType.DMA,
        pltpu.SemaphoreType.DMA,
        pltpu.SemaphoreType.DMA,
        pltpu.SemaphoreType.DMA,
    ],
)
def _fixed_charge_sc(
    an_hbm, table_hbm, out_hbm, table_v, idx_v, out_v, sem_t, sem_a, sem_b, sem_o
):
    wid = lax.axis_index("s")
    base = jnp.where(wid == _NT - 1, _LAST_BASE, wid * _E)
    half = _E // 2

    ct = pltpu.async_copy(table_hbm, table_v.at[pl.ds(0, _NTYPES)], sem_t)
    ca = pltpu.async_copy(
        an_hbm.at[pl.ds(base, half)], idx_v.at[pl.ds(0, half)], sem_a
    )
    cb = pltpu.async_copy(
        an_hbm.at[pl.ds(base + half, half)], idx_v.at[pl.ds(half, half)], sem_b
    )
    ct.wait()
    tv = table_v[...] * _NORMALIZATION_FACTOR

    dnums = lax.GatherDimensionNumbers(
        offset_dims=(), collapsed_slice_dims=(0,), start_index_map=(0,)
    )

    def lookup(lo, hi):
        for i in range(lo, hi):
            iv = idx_v[pl.ds(i * _L, _L)]
            out_v[pl.ds(i * _L, _L)] = lax.gather(
                tv,
                iv[:, None],
                dnums,
                slice_sizes=(1,),
                mode=lax.GatherScatterMode.PROMISE_IN_BOUNDS,
            )

    outs = []
    ca.wait()
    for q in range(3):
        lookup(q * _CHV, (q + 1) * _CHV)
        outs.append(
            pltpu.async_copy(
                out_v.at[pl.ds(q * _CHE, _CHE)],
                out_hbm.at[pl.ds(base + q * _CHE, _CHE)],
                sem_o,
            )
        )
    cb.wait()
    for q in range(3, 7):
        lookup(q * _CHV, (q + 1) * _CHV)
        outs.append(
            pltpu.async_copy(
                out_v.at[pl.ds(q * _CHE, _CHE)],
                out_hbm.at[pl.ds(base + q * _CHE, _CHE)],
                sem_o,
            )
        )
    for c in outs:
        c.wait()


def kernel(atomic_numbers, charge_table):
    an = atomic_numbers.astype(jnp.int32)
    out = _fixed_charge_sc(an, charge_table.astype(jnp.float32))
    return out[:, None]

# --- scband reference (transcript-rebuilt; emitter-appended) ---
"""Pipeline reference for scband-fixed-charge-6674379178078 (READ-ONLY COPY).

The authoritative reference and input builder live on the scoring server;
editing this copy changes nothing except your own understanding.
"""

import jax, jax.numpy as jnp
import numpy as np

CHARGE_DICT = {0: 0.0, 1: 0.417, 2: 0.0, 3: 1.0, 4: 2.0, 5: 0.3, 6: -0.18, 7: -0.47, 8: -0.834, 9: -0.22}
NORMALIZATION_FACTOR = 9.48933
N_ATOMS = 50000
N_TYPES = 10


def setup_inputs(seed: int = 0) -> dict:
    key = jax.random.key(seed)
    atomic_numbers = jax.random.randint(key, (N_ATOMS,), 0, N_TYPES)
    # Materialize the charge_dict as a dense lookup table (learned/fixed param)
    charge_table = jnp.asarray(
        np.array([CHARGE_DICT[i] for i in range(N_TYPES)], dtype=np.float32)
    )
    return {"atomic_numbers": atomic_numbers, "charge_table": charge_table}


def reference(atomic_numbers, charge_table):
    # Faithful translation of FixedCharge.forward:
    # per-atom gather from charge table, scaled by normalization factor,
    # output shape [N, 1] (the tensor stored at data[output_key]).
    charge = jnp.take(charge_table, atomic_numbers, axis=0)
    charge = charge * NORMALIZATION_FACTOR
    return charge[:, None]

if __name__ == "__main__":
    import jax
    _d = setup_inputs()
    print(jax.jit(kernel)(*tuple(_d.values())))

</pallas_src>

<mosaic_0001>
#map = affine_map<(d0, d1) -> (0)>
module attributes {stable_mosaic.version = 14 : i64} {
  func.func @_fixed_charge_sc(%arg0: i32, %arg1: i32, %arg2: memref<50000xi32, #tpu.memory_space<hbm>>, %arg3: memref<10xf32, #tpu.memory_space<hbm>>, %arg4: memref<50000xf32, #tpu.memory_space<hbm>>, %arg5: memref<16xf32, #tpu.memory_space<vmem>>, %arg6: memref<3136xi32, #tpu.memory_space<vmem>>, %arg7: memref<3136xf32, #tpu.memory_space<vmem>>, %arg8: memref<!tpu.dma_semaphore, #tpu.memory_space<semaphore_mem>>, %arg9: memref<!tpu.dma_semaphore, #tpu.memory_space<semaphore_mem>>, %arg10: memref<!tpu.dma_semaphore, #tpu.memory_space<semaphore_mem>>, %arg11: memref<!tpu.dma_semaphore, #tpu.memory_space<semaphore_mem>>) attributes {dimension_semantics = [#tpu.dimension_semantics<core_parallel>, #tpu.dimension_semantics<subcore_parallel>], iteration_bounds = array<i64: 1, 16>, scalar_prefetch = 0 : i64, scratch_operands = 7 : i64, tpu.core_type = #tpu.core_type<sc_vector_subcore>, window_params = [{transform_indices = #map}, {transform_indices = #map}, {transform_indices = #map}]} {
    %eq3A = arith.constant 15 : i32
    %eq3A_0 = arith.cmpi eq, %arg1, %eq3A : i32
    %mul3A = arith.constant 3136 : i32
    %mul3A_1 = arith.muli %arg1, %mul3A : i32
    %jit3A = arith.constant 46864 : i32
    %select_n3A = arith.select %eq3A_0, %jit3A, %mul3A_1 : i32
    %dma_start3A = arith.constant 0 : i32
    %dma_start3A_2 = tpu.memref_slice %arg5[%dma_start3A] : memref<16xf32, #tpu.memory_space<vmem>> -> memref<10xf32, #tpu.memory_space<vmem>>
    %dma_start3A_3 = arith.constant 0 : i32
    %dma_start3A_4 = tpu.memref_slice %arg5[%dma_start3A_3] : memref<16xf32, #tpu.memory_space<vmem>> -> memref<10xf32, #tpu.memory_space<vmem>>
    tpu.enqueue_dma source(%arg3 : memref<10xf32, #tpu.memory_space<hbm>>) target(%dma_start3A_4 : memref<10xf32, #tpu.memory_space<vmem>>) target_semaphore(%arg8 : memref<!tpu.dma_semaphore, #tpu.memory_space<semaphore_mem>>)
    %dma_start3A_5 = arith.constant 0 : i32
    %dma_start3A_6 = tpu.memref_slice %arg6[%dma_start3A_5] : memref<3136xi32, #tpu.memory_space<vmem>> -> memref<1568xi32, #tpu.memory_space<vmem>>
    %dma_start3A_7 = tpu.memref_slice %arg2[%select_n3A] : memref<50000xi32, #tpu.memory_space<hbm>> -> memref<1568xi32, #tpu.memory_space<hbm>>
    %dma_start3A_8 = arith.constant 0 : i32
    %dma_start3A_9 = tpu.memref_slice %arg6[%dma_start3A_8] : memref<3136xi32, #tpu.memory_space<vmem>> -> memref<1568xi32, #tpu.memory_space<vmem>>
    %dma_start3A_10 = tpu.memref_slice %arg2[%select_n3A] : memref<50000xi32, #tpu.memory_space<hbm>> -> memref<1568xi32, #tpu.memory_space<hbm>>
    tpu.enqueue_dma source(%dma_start3A_10 : memref<1568xi32, #tpu.memory_space<hbm>>) target(%dma_start3A_9 : memref<1568xi32, #tpu.memory_space<vmem>>) target_semaphore(%arg9 : memref<!tpu.dma_semaphore, #tpu.memory_space<semaphore_mem>>)
    %add3A = arith.constant 1568 : i32
    %add3A_11 = arith.addi %select_n3A, %add3A : i32
    %dma_start3A_12 = arith.constant 1568 : i32
    %dma_start3A_13 = tpu.memref_slice %arg6[%dma_start3A_12] : memref<3136xi32, #tpu.memory_space<vmem>> -> memref<1568xi32, #tpu.memory_space<vmem>>
    %dma_start3A_14 = tpu.memref_slice %arg2[%add3A_11] : memref<50000xi32, #tpu.memory_space<hbm>> -> memref<1568xi32, #tpu.memory_space<hbm>>
    %dma_start3A_15 = arith.constant 1568 : i32
    %dma_start3A_16 = tpu.memref_slice %arg6[%dma_start3A_15] : memref<3136xi32, #tpu.memory_space<vmem>> -> memref<1568xi32, #tpu.memory_space<vmem>>
    %dma_start3A_17 = tpu.memref_slice %arg2[%add3A_11] : memref<50000xi32, #tpu.memory_space<hbm>> -> memref<1568xi32, #tpu.memory_space<hbm>>
    tpu.enqueue_dma source(%dma_start3A_17 : memref<1568xi32, #tpu.memory_space<hbm>>) target(%dma_start3A_16 : memref<1568xi32, #tpu.memory_space<vmem>>) target_semaphore(%arg10 : memref<!tpu.dma_semaphore, #tpu.memory_space<semaphore_mem>>)
    %dma_wait3A = arith.constant 0 : i32
    %dma_wait3A_18 = tpu.memref_slice %arg5[%dma_wait3A] : memref<16xf32, #tpu.memory_space<vmem>> -> memref<10xf32, #tpu.memory_space<vmem>>
    %dma_wait3A_19 = arith.constant 0 : i32
    %dma_wait3A_20 = tpu.memref_slice %arg5[%dma_wait3A_19] : memref<16xf32, #tpu.memory_space<vmem>> -> memref<10xf32, #tpu.memory_space<vmem>>
    tpu.wait_dma2 semaphore(%arg8 : memref<!tpu.dma_semaphore, #tpu.memory_space<semaphore_mem>>) src(%arg3 : memref<10xf32, #tpu.memory_space<hbm>>) dst(%dma_wait3A_20 : memref<10xf32, #tpu.memory_space<vmem>>)
    %get3A = arith.constant 0 : index
    %get3A_21 = tpu.vector_load %arg5[%get3A] {strides = array<i32>} : memref<16xf32, #tpu.memory_space<vmem>>, vector<16xf32>,
    %get3A_22 = vector.shape_cast %get3A_21 : vector<16xf32> to vector<16xf32>
    %mul3A_23 = arith.constant 9.489330e+00 : f32
    %mul3A_24 = vector.broadcast %mul3A_23 : f32 to vector<16xf32>
    %mul3A_25 = arith.mulf %get3A_22, %mul3A_24 : vector<16xf32>
    %dma_wait3A_26 = arith.constant 0 : i32
    %dma_wait3A_27 = tpu.memref_slice %arg6[%dma_wait3A_26] : memref<3136xi32, #tpu.memory_space<vmem>> -> memref<1568xi32, #tpu.memory_space<vmem>>
    %dma_wait3A_28 = tpu.memref_slice %arg2[%select_n3A] : memref<50000xi32, #tpu.memory_space<hbm>> -> memref<1568xi32, #tpu.memory_space<hbm>>
    %dma_wait3A_29 = arith.constant 0 : i32
    %dma_wait3A_30 = tpu.memref_slice %arg6[%dma_wait3A_29] : memref<3136xi32, #tpu.memory_space<vmem>> -> memref<1568xi32, #tpu.memory_space<vmem>>
    %dma_wait3A_31 = tpu.memref_slice %arg2[%select_n3A] : memref<50000xi32, #tpu.memory_space<hbm>> -> memref<1568xi32, #tpu.memory_space<hbm>>
    tpu.wait_dma2 semaphore(%arg9 : memref<!tpu.dma_semaphore, #tpu.memory_space<semaphore_mem>>) src(%dma_wait3A_31 : memref<1568xi32, #tpu.memory_space<hbm>>) dst(%dma_wait3A_30 : memref<1568xi32, #tpu.memory_space<vmem>>)
    %get3A_32 = arith.constant 0 : index
    %get3A_33 = tpu.vector_load %arg6[%get3A_32] {strides = array<i32>} : memref<3136xi32, #tpu.memory_space<vmem>>, vector<16xi32>,
    %get3A_34 = vector.shape_cast %get3A_33 : vector<16xi32> to vector<16xi32>
    %broadcast_in_dim3A = vector.shape_cast %get3A_34 : vector<16xi32> to vector<16x1xi32>
    %gather3A = vector.shape_cast %broadcast_in_dim3A : vector<16x1xi32> to vector<16xi32>
    %gather3A_35 = tpu.dynamic_gather %mul3A_25[%gather3A] in [0] : vector<16xf32>, vector<16xi32> -> vector<16xf32>
    %swap3A = arith.constant 0 : index
    %swap3A_36 = tpu.vector_load %arg7[%swap3A] {strides = array<i32>} : memref<3136xf32, #tpu.memory_space<vmem>>, vector<16xf32>,
    %swap3A_37 = vector.shape_cast %swap3A_36 : vector<16xf32> to vector<16xf32>
    %swap3A_38 = vector.shape_cast %gather3A_35 : vector<16xf32> to vector<16xf32>
    tpu.vector_store %arg7[%swap3A], %swap3A_38 {strides = array<i32>} : memref<3136xf32, #tpu.memory_space<vmem>>, vector<16xf32>,
    %get3A_39 = arith.constant 16 : index
    %get3A_40 = tpu.vector_load %arg6[%get3A_39] {strides = array<i32>} : memref<3136xi32, #tpu.memory_space<vmem>>, vector<16xi32>,
    %get3A_41 = vector.shape_cast %get3A_40 : vector<16xi32> to vector<16xi32>
    %broadcast_in_dim3A_42 = vector.shape_cast %get3A_41 : vector<16xi32> to vector<16x1xi32>
    %gather3A_43 = vector.shape_cast %broadcast_in_dim3A_42 : vector<16x1xi32> to vector<16xi32>
    %gather3A_44 = tpu.dynamic_gather %mul3A_25[%gather3A_43] in [0] : vector<16xf32>, vector<16xi32> -> vector<16xf32>
    %swap3A_45 = arith.constant 16 : index
    %swap3A_46 = tpu.vector_load %arg7[%swap3A_45] {strides = array<i32>} : memref<3136xf32, #tpu.memory_space<vmem>>, vector<16xf32>,
    %swap3A_47 = vector.shape_cast %swap3A_46 : vector<16xf32> to vector<16xf32>
    %swap3A_48 = vector.shape_cast %gather3A_44 : vector<16xf32> to vector<16xf32>
    tpu.vector_store %arg7[%swap3A_45], %swap3A_48 {strides = array<i32>} : memref<3136xf32, #tpu.memory_space<vmem>>, vector<16xf32>,
    %get3A_49 = arith.constant 32 : index
    %get3A_50 = tpu.vector_load %arg6[%get3A_49] {strides = array<i32>} : memref<3136xi32, #tpu.memory_space<vmem>>, vector<16xi32>,
    %get3A_51 = vector.shape_cast %get3A_50 : vector<16xi32> to vector<16xi32>
    %broadcast_in_dim3A_52 = vector.shape_cast %get3A_51 : vector<16xi32> to vector<16x1xi32>
    %gather3A_53 = vector.shape_cast %broadcast_in_dim3A_52 : vector<16x1xi32> to vector<16xi32>
    %gather3A_54 = tpu.dynamic_gather %mul3A_25[%gather3A_53] in [0] : vector<16xf32>, vector<16xi32> -> vector<16xf32>
    %swap3A_55 = arith.constant 32 : index
    %swap3A_56 = tpu.vector_load %arg7[%swap3A_55] {strides = array<i32>} : memref<3136xf32, #tpu.memory_space<vmem>>, vector<16xf32>,
    %swap3A_57 = vector.shape_cast %swap3A_56 : vector<16xf32> to vector<16xf32>
    %swap3A_58 = vector.shape_cast %gather3A_54 : vector<16xf32> to vector<16xf32>
    tpu.vector_store %arg7[%swap3A_55], %swap3A_58 {strides = array<i32>} : memref<3136xf32, #tpu.memory_space<vmem>>, vector<16xf32>,
    %get3A_59 = arith.constant 48 : index
    %get3A_60 = tpu.vector_load %arg6[%get3A_59] {strides = array<i32>} : memref<3136xi32, #tpu.memory_space<vmem>>, vector<16xi32>,
    %get3A_61 = vector.shape_cast %get3A_60 : vector<16xi32> to vector<16xi32>
    %broadcast_in_dim3A_62 = vector.shape_cast %get3A_61 : vector<16xi32> to vector<16x1xi32>
    %gather3A_63 = vector.shape_cast %broadcast_in_dim3A_62 : vector<16x1xi32> to vector<16xi32>
    %gather3A_64 = tpu.dynamic_gather %mul3A_25[%gather3A_63] in [0] : vector<16xf32>, vector<16xi32> -> vector<16xf32>
    %swap3A_65 = arith.constant 48 : index
    %swap3A_66 = tpu.vector_load %arg7[%swap3A_65] {strides = array<i32>} : memref<3136xf32, #tpu.memory_space<vmem>>, vector<16xf32>,
    %swap3A_67 = vector.shape_cast %swap3A_66 : vector<16xf32> to vector<16xf32>
    %swap3A_68 = vector.shape_cast %gather3A_64 : vector<16xf32> to vector<16xf32>
    tpu.vector_store %arg7[%swap3A_65], %swap3A_68 {strides = array<i32>} : memref<3136xf32, #tpu.memory_space<vmem>>, vector<16xf32>,
    %get3A_69 = arith.constant 64 : index
    %get3A_70 = tpu.vector_load %arg6[%get3A_69] {strides = array<i32>} : memref<3136xi32, #tpu.memory_space<vmem>>, vector<16xi32>,
    %get3A_71 = vector.shape_cast %get3A_70 : vector<16xi32> to vector<16xi32>
    %broadcast_in_dim3A_72 = vector.shape_cast %get3A_71 : vector<16xi32> to vector<16x1xi32>
    %gather3A_73 = vector.shape_cast %broadcast_in_dim3A_72 : vector<16x1xi32> to vector<16xi32>
    %gather3A_74 = tpu.dynamic_gather %mul3A_25[%gather3A_73] in [0] : vector<16xf32>, vector<16xi32> -> vector<16xf32>
    %swap3A_75 = arith.constant 64 : index
    %swap3A_76 = tpu.vector_load %arg7[%swap3A_75] {strides = array<i32>} : memref<3136xf32, #tpu.memory_space<vmem>>, vector<16xf32>,
    %swap3A_77 = vector.shape_cast %swap3A_76 : vector<16xf32> to vector<16xf32>
    %swap3A_78 = vector.shape_cast %gather3A_74 : vector<16xf32> to vector<16xf32>
    tpu.vector_store %arg7[%swap3A_75], %swap3A_78 {strides = array<i32>} : memref<3136xf32, #tpu.memory_space<vmem>>, vector<16xf32>,
    %get3A_79 = arith.constant 80 : index
    %get3A_80 = tpu.vector_load %arg6[%get3A_79] {strides = array<i32>} : memref<3136xi32, #tpu.memory_space<vmem>>, vector<16xi32>,
    %get3A_81 = vector.shape_cast %get3A_80 : vector<16xi32> to vector<16xi32>
    %broadcast_in_dim3A_82 = vector.shape_cast %get3A_81 : vector<16xi32> to vector<16x1xi32>
    %gather3A_83 = vector.shape_cast %broadcast_in_dim3A_82 : vector<16x1xi32> to vector<16xi32>
    %gather3A_84 = tpu.dynamic_gather %mul3A_25[%gather3A_83] in [0] : vector<16xf32>, vector<16xi32> -> vector<16xf32>
    %swap3A_85 = arith.constant 80 : index
    %swap3A_86 = tpu.vector_load %arg7[%swap3A_85] {strides = array<i32>} : memref<3136xf32, #tpu.memory_space<vmem>>, vector<16xf32>,
    %swap3A_87 = vector.shape_cast %swap3A_86 : vector<16xf32> to vector<16xf32>
    %swap3A_88 = vector.shape_cast %gather3A_84 : vector<16xf32> to vector<16xf32>
    tpu.vector_store %arg7[%swap3A_85], %swap3A_88 {strides = array<i32>} : memref<3136xf32, #tpu.memory_space<vmem>>, vector<16xf32>,
    %get3A_89 = arith.constant 96 : index
    %get3A_90 = tpu.vector_load %arg6[%get3A_89] {strides = array<i32>} : memref<3136xi32, #tpu.memory_space<vmem>>, vector<16xi32>,
    %get3A_91 = vector.shape_cast %get3A_90 : vector<16xi32> to vector<16xi32>
    %broadcast_in_dim3A_92 = vector.shape_cast %get3A_91 : vector<16xi32> to vector<16x1xi32>
    %gather3A_93 = vector.shape_cast %broadcast_in_dim3A_92 : vector<16x1xi32> to vector<16xi32>
    %gather3A_94 = tpu.dynamic_gather %mul3A_25[%gather3A_93] in [0] : vector<16xf32>, vector<16xi32> -> vector<16xf32>
    %swap3A_95 = arith.constant 96 : index
    %swap3A_96 = tpu.vector_load %arg7[%swap3A_95] {strides = array<i32>} : memref<3136xf32, #tpu.memory_space<vmem>>, vector<16xf32>,
    %swap3A_97 = vector.shape_cast %swap3A_96 : vector<16xf32> to vector<16xf32>
    %swap3A_98 = vector.shape_cast %gather3A_94 : vector<16xf32> to vector<16xf32>
    tpu.vector_store %arg7[%swap3A_95], %swap3A_98 {strides = array<i32>} : memref<3136xf32, #tpu.memory_space<vmem>>, vector<16xf32>,
    %get3A_99 = arith.constant 112 : index
    %get3A_100 = tpu.vector_load %arg6[%get3A_99] {strides = array<i32>} : memref<3136xi32, #tpu.memory_space<vmem>>, vector<16xi32>,
    %get3A_101 = vector.shape_cast %get3A_100 : vector<16xi32> to vector<16xi32>
    %broadcast_in_dim3A_102 = vector.shape_cast %get3A_101 : vector<16xi32> to vector<16x1xi32>
    %gather3A_103 = vector.shape_cast %broadcast_in_dim3A_102 : vector<16x1xi32> to vector<16xi32>
    %gather3A_104 = tpu.dynamic_gather %mul3A_25[%gather3A_103] in [0] : vector<16xf32>, vector<16xi32> -> vector<16xf32>
    %swap3A_105 = arith.constant 112 : index
    %swap3A_106 = tpu.vector_load %arg7[%swap3A_105] {strides = array<i32>} : memref<3136xf32, #tpu.memory_space<vmem>>, vector<16xf32>,
    %swap3A_107 = vector.shape_cast %swap3A_106 : vector<16xf32> to vector<16xf32>
    %swap3A_108 = vector.shape_cast %gather3A_104 : vector<16xf32> to vector<16xf32>
    tpu.vector_store %arg7[%swap3A_105], %swap3A_108 {strides = array<i32>} : memref<3136xf32, #tpu.memory_space<vmem>>, vector<16xf32>,
    %get3A_109 = arith.constant 128 : index
    %get3A_110 = tpu.vector_load %arg6[%get3A_109] {strides = array<i32>} : memref<3136xi32, #tpu.memory_space<vmem>>, vector<16xi32>,
    %get3A_111 = vector.shape_cast %get3A_110 : vector<16xi32> to vector<16xi32>
    %broadcast_in_dim3A_112 = vector.shape_cast %get3A_111 : vector<16xi32> to vector<16x1xi32>
    %gather3A_113 = vector.shape_cast %broadcast_in_dim3A_112 : vector<16x1xi32> to vector<16xi32>
    %gather3A_114 = tpu.dynamic_gather %mul3A_25[%gather3A_113] in [0] : vector<16xf32>, vector<16xi32> -> vector<16xf32>
    %swap3A_115 = arith.constant 128 : index
    %swap3A_116 = tpu.vector_load %arg7[%swap3A_115] {strides = array<i32>} : memref<3136xf32, #tpu.memory_space<vmem>>, vector<16xf32>,
    %swap3A_117 = vector.shape_cast %swap3A_116 : vector<16xf32> to vector<16xf32>
    %swap3A_118 = vector.shape_cast %gather3A_114 : vector<16xf32> to vector<16xf32>
    tpu.vector_store %arg7[%swap3A_115], %swap3A_118 {strides = array<i32>} : memref<3136xf32, #tpu.memory_space<vmem>>, vector<16xf32>,
    %get3A_119 = arith.constant 144 : index
    %get3A_120 = tpu.vector_load %arg6[%get3A_119] {strides = array<i32>} : memref<3136xi32, #tpu.memory_space<vmem>>, vector<16xi32>,
    %get3A_121 = vector.shape_cast %get3A_120 : vector<16xi32> to vector<16xi32>
    %broadcast_in_dim3A_122 = vector.shape_cast %get3A_121 : vector<16xi32> to vector<16x1xi32>
    %gather3A_123 = vector.shape_cast %broadcast_in_dim3A_122 : vector<16x1xi32> to vector<16xi32>
    %gather3A_124 = tpu.dynamic_gather %mul3A_25[%gather3A_123] in [0] : vector<16xf32>, vector<16xi32> -> vector<16xf32>
    %swap3A_125 = arith.constant 144 : index
    %swap3A_126 = tpu.vector_load %arg7[%swap3A_125] {strides = array<i32>} : memref<3136xf32, #tpu.memory_space<vmem>>, vector<16xf32>,
    %swap3A_127 = vector.shape_cast %swap3A_126 : vector<16xf32> to vector<16xf32>
    %swap3A_128 = vector.shape_cast %gather3A_124 : vector<16xf32> to vector<16xf32>
    tpu.vector_store %arg7[%swap3A_125], %swap3A_128 {strides = array<i32>} : memref<3136xf32, #tpu.memory_space<vmem>>, vector<16xf32>,
    %get3A_129 = arith.constant 160 : index
    %get3A_130 = tpu.vector_load %arg6[%get3A_129] {strides = array<i32>} : memref<3136xi32, #tpu.memory_space<vmem>>, vector<16xi32>,
    %get3A_131 = vector.shape_cast %get3A_130 : vector<16xi32> to vector<16xi32>
    %broadcast_in_dim3A_132 = vector.shape_cast %get3A_131 : vector<16xi32> to vector<16x1xi32>
    %gather3A_133 = vector.shape_cast %broadcast_in_dim3A_132 : vector<16x1xi32> to vector<16xi32>
    %gather3A_134 = tpu.dynamic_gather %mul3A_25[%gather3A_133] in [0] : vector<16xf32>, vector<16xi32> -> vector<16xf32>
    %swap3A_135 = arith.constant 160 : index
    %swap3A_136 = tpu.vector_load %arg7[%swap3A_135] {strides = array<i32>} : memref<3136xf32, #tpu.memory_space<vmem>>, vector<16xf32>,
    %swap3A_137 = vector.shape_cast %swap3A_136 : vector<16xf32> to vector<16xf32>
    %swap3A_138 = vector.shape_cast %gather3A_134 : vector<16xf32> to vector<16xf32>
    tpu.vector_store %arg7[%swap3A_135], %swap3A_138 {strides = array<i32>} : memref<3136xf32, #tpu.memory_space<vmem>>, vector<16xf32>,
    %get3A_139 = arith.constant 176 : index
    %get3A_140 = tpu.vector_load %arg6[%get3A_139] {strides = array<i32>} : memref<3136xi32, #tpu.memory_space<vmem>>, vector<16xi32>,
    %get3A_141 = vector.shape_cast %get3A_140 : vector<16xi32> to vector<16xi32>
    %broadcast_in_dim3A_142 = vector.shape_cast %get3A_141 : vector<16xi32> to vector<16x1xi32>
    %gather3A_143 = vector.shape_cast %broadcast_in_dim3A_142 : vector<16x1xi32> to vector<16xi32>
    %gather3A_144 = tpu.dynamic_gather %mul3A_25[%gather3A_143] in [0] : vector<16xf32>, vector<16xi32> -> vector<16xf32>
    %swap3A_145 = arith.constant 176 : index
    %swap3A_146 = tpu.vector_load %arg7[%swap3A_145] {strides = array<i32>} : memref<3136xf32, #tpu.memory_space<vmem>>, vector<16xf32>,
    %swap3A_147 = vector.shape_cast %swap3A_146 : vector<16xf32> to vector<16xf32>
    %swap3A_148 = vector.shape_cast %gather3A_144 : vector<16xf32> to vector<16xf32>
    tpu.vector_store %arg7[%swap3A_145], %swap3A_148 {strides = array<i32>} : memref<3136xf32, #tpu.memory_space<vmem>>, vector<16xf32>,
    %get3A_149 = arith.constant 192 : index
    %get3A_150 = tpu.vector_load %arg6[%get3A_149] {strides = array<i32>} : memref<3136xi32, #tpu.memory_space<vmem>>, vector<16xi32>,
    %get3A_151 = vector.shape_cast %get3A_150 : vector<16xi32> to vector<16xi32>
    %broadcast_in_dim3A_152 = vector.shape_cast %get3A_151 : vector<16xi32> to vector<16x1xi32>
    %gather3A_153 = vector.shape_cast %broadcast_in_dim3A_152 : vector<16x1xi32> to vector<16xi32>
    %gather3A_154 = tpu.dynamic_gather %mul3A_25[%gather3A_153] in [0] : vector<16xf32>, vector<16xi32> -> vector<16xf32>
    %swap3A_155 = arith.constant 192 : index
    %swap3A_156 = tpu.vector_load %arg7[%swap3A_155] {strides = array<i32>} : memref<3136xf32, #tpu.memory_space<vmem>>, vector<16xf32>,
    %swap3A_157 = vector.shape_cast %swap3A_156 : vector<16xf32> to vector<16xf32>
    %swap3A_158 = vector.shape_cast %gather3A_154 : vector<16xf32> to vector<16xf32>
    tpu.vector_store %arg7[%swap3A_155], %swap3A_158 {strides = array<i32>} : memref<3136xf32, #tpu.memory_space<vmem>>, vector<16xf32>,
    %get3A_159 = arith.constant 208 : index
    %get3A_160 = tpu.vector_load %arg6[%get3A_159] {strides = array<i32>} : memref<3136xi32, #tpu.memory_space<vmem>>, vector<16xi32>,
    %get3A_161 = vector.shape_cast %get3A_160 : vector<16xi32> to vector<16xi32>
    %broadcast_in_dim3A_162 = vector.shape_cast %get3A_161 : vector<16xi32> to vector<16x1xi32>
    %gather3A_163 = vector.shape_cast %broadcast_in_dim3A_162 : vector<16x1xi32> to vector<16xi32>
    %gather3A_164 = tpu.dynamic_gather %mul3A_25[%gather3A_163] in [0] : vector<16xf32>, vector<16xi32> -> vector<16xf32>
    %swap3A_165 = arith.constant 208 : index
    %swap3A_166 = tpu.vector_load %arg7[%swap3A_165] {strides = array<i32>} : memref<3136xf32, #tpu.memory_space<vmem>>, vector<16xf32>,
    %swap3A_167 = vector.shape_cast %swap3A_166 : vector<16xf32> to vector<16xf32>
    %swap3A_168 = vector.shape_cast %gather3A_164 : vector<16xf32> to vector<16xf32>
    tpu.vector_store %arg7[%swap3A_165], %swap3A_168 {strides = array<i32>} : memref<3136xf32, #tpu.memory_space<vmem>>, vector<16xf32>,
    %get3A_169 = arith.constant 224 : index
    %get3A_170 = tpu.vector_load %arg6[%get3A_169] {strides = array<i32>} : memref<3136xi32, #tpu.memory_space<vmem>>, vector<16xi32>,
    %get3A_171 = vector.shape_cast %get3A_170 : vector<16xi32> to vector<16xi32>
    %broadcast_in_dim3A_172 = vector.shape_cast %get3A_171 : vector<16xi32> to vector<16x1xi32>
    %gather3A_173 = vector.shape_cast %broadcast_in_dim3A_172 : vector<16x1xi32> to vector<16xi32>
    %gather3A_174 = tpu.dynamic_gather %mul3A_25[%gather3A_173] in [0] : vector<16xf32>, vector<16xi32> -> vector<16xf32>
    %swap3A_175 = arith.constant 224 : index
    %swap3A_176 = tpu.vector_load %arg7[%swap3A_175] {strides = array<i32>} : memref<3136xf32, #tpu.memory_space<vmem>>, vector<16xf32>,
    %swap3A_177 = vector.shape_cast %swap3A_176 : vector<16xf32> to vector<16xf32>
    %swap3A_178 = vector.shape_cast %gather3A_174 : vector<16xf32> to vector<16xf32>
    tpu.vector_store %arg7[%swap3A_175], %swap3A_178 {strides = array<i32>} : memref<3136xf32, #tpu.memory_space<vmem>>, vector<16xf32>,
    %get3A_179 = arith.constant 240 : index
    %get3A_180 = tpu.vector_load %arg6[%get3A_179] {strides = array<i32>} : memref<3136xi32, #tpu.memory_space<vmem>>, vector<16xi32>,
    %get3A_181 = vector.shape_cast %get3A_180 : vector<16xi32> to vector<16xi32>
    %broadcast_in_dim3A_182 = vector.shape_cast %get3A_181 : vector<16xi32> to vector<16x1xi32>
    %gather3A_183 = vector.shape_cast %broadcast_in_dim3A_182 : vector<16x1xi32> to vector<16xi32>
    %gather3A_184 = tpu.dynamic_gather %mul3A_25[%gather3A_183] in [0] : vector<16xf32>, vector<16xi32> -> vector<16xf32>
    %swap3A_185 = arith.constant 240 : index
    %swap3A_186 = tpu.vector_load %arg7[%swap3A_185] {strides = array<i32>} : memref<3136xf32, #tpu.memory_space<vmem>>, vector<16xf32>,
    %swap3A_187 = vector.shape_cast %swap3A_186 : vector<16xf32> to vector<16xf32>
    %swap3A_188 = vector.shape_cast %gather3A_184 : vector<16xf32> to vector<16xf32>
    tpu.vector_store %arg7[%swap3A_185], %swap3A_188 {strides = array<i32>} : memref<3136xf32, #tpu.memory_space<vmem>>, vector<16xf32>,
    %get3A_189 = arith.constant 256 : index
    %get3A_190 = tpu.vector_load %arg6[%get3A_189] {strides = array<i32>} : memref<3136xi32, #tpu.memory_space<vmem>>, vector<16xi32>,
    %get3A_191 = vector.shape_cast %get3A_190 : vector<16xi32> to vector<16xi32>
    %broadcast_in_dim3A_192 = vector.shape_cast %get3A_191 : vector<16xi32> to vector<16x1xi32>
    %gather3A_193 = vector.shape_cast %broadcast_in_dim3A_192 : vector<16x1xi32> to vector<16xi32>
    %gather3A_194 = tpu.dynamic_gather %mul3A_25[%gather3A_193] in [0] : vector<16xf32>, vector<16xi32> -> vector<16xf32>
    %swap3A_195 = arith.constant 256 : index
    %swap3A_196 = tpu.vector_load %arg7[%swap3A_195] {strides = array<i32>} : memref<3136xf32, #tpu.memory_space<vmem>>, vector<16xf32>,
    %swap3A_197 = vector.shape_cast %swap3A_196 : vector<16xf32> to vector<16xf32>
    %swap3A_198 = vector.shape_cast %gather3A_194 : vector<16xf32> to vector<16xf32>
    tpu.vector_store %arg7[%swap3A_195], %swap3A_198 {strides = array<i32>} : memref<3136xf32, #tpu.memory_space<vmem>>, vector<16xf32>,
    %get3A_199 = arith.constant 272 : index
    %get3A_200 = tpu.vector_load %arg6[%get3A_199] {strides = array<i32>} : memref<3136xi32, #tpu.memory_space<vmem>>, vector<16xi32>,
    %get3A_201 = vector.shape_cast %get3A_200 : vector<16xi32> to vector<16xi32>
    %broadcast_in_dim3A_202 = vector.shape_cast %get3A_201 : vector<16xi32> to vector<16x1xi32>
    %gather3A_203 = vector.shape_cast %broadcast_in_dim3A_202 : vector<16x1xi32> to vector<16xi32>
    %gather3A_204 = tpu.dynamic_gather %mul3A_25[%gather3A_203] in [0] : vector<16xf32>, vector<16xi32> -> vector<16xf32>
    %swap3A_205 = arith.constant 272 : index
    %swap3A_206 = tpu.vector_load %arg7[%swap3A_205] {strides = array<i32>} : memref<3136xf32, #tpu.memory_space<vmem>>, vector<16xf32>,
    %swap3A_207 = vector.shape_cast %swap3A_206 : vector<16xf32> to vector<16xf32>
    %swap3A_208 = vector.shape_cast %gather3A_204 : vector<16xf32> to vector<16xf32>
    tpu.vector_store %arg7[%swap3A_205], %swap3A_208 {strides = array<i32>} : memref<3136xf32, #tpu.memory_space<vmem>>, vector<16xf32>,
    %get3A_209 = arith.constant 288 : index
    %get3A_210 = tpu.vector_load %arg6[%get3A_209] {strides = array<i32>} : memref<3136xi32, #tpu.memory_space<vmem>>, vector<16xi32>,
    %get3A_211 = vector.shape_cast %get3A_210 : vector<16xi32> to vector<16xi32>
    %broadcast_in_dim3A_212 = vector.shape_cast %get3A_211 : vector<16xi32> to vector<16x1xi32>
    %gather3A_213 = vector.shape_cast %broadcast_in_dim3A_212 : vector<16x1xi32> to vector<16xi32>
    %gather3A_214 = tpu.dynamic_gather %mul3A_25[%gather3A_213] in [0] : vector<16xf32>, vector<16xi32> -> vector<16xf32>
    %swap3A_215 = arith.constant 288 : index
    %swap3A_216 = tpu.vector_load %arg7[%swap3A_215] {strides = array<i32>} : memref<3136xf32, #tpu.memory_space<vmem>>, vector<16xf32>,
    %swap3A_217 = vector.shape_cast %swap3A_216 : vector<16xf32> to vector<16xf32>
    %swap3A_218 = vector.shape_cast %gather3A_214 : vector<16xf32> to vector<16xf32>
    tpu.vector_store %arg7[%swap3A_215], %swap3A_218 {strides = array<i32>} : memref<3136xf32, #tpu.memory_space<vmem>>, vector<16xf32>,
    %get3A_219 = arith.constant 304 : index
    %get3A_220 = tpu.vector_load %arg6[%get3A_219] {strides = array<i32>} : memref<3136xi32, #tpu.memory_space<vmem>>, vector<16xi32>,
    %get3A_221 = vector.shape_cast %get3A_220 : vector<16xi32> to vector<16xi32>
    %broadcast_in_dim3A_222 = vector.shape_cast %get3A_221 : vector<16xi32> to vector<16x1xi32>
    %gather3A_223 = vector.shape_cast %broadcast_in_dim3A_222 : vector<16x1xi32> to vector<16xi32>
    %gather3A_224 = tpu.dynamic_gather %mul3A_25[%gather3A_223] in [0] : vector<16xf32>, vector<16xi32> -> vector<16xf32>
    %swap3A_225 = arith.constant 304 : index
    %swap3A_226 = tpu.vector_load %arg7[%swap3A_225] {strides = array<i32>} : memref<3136xf32, #tpu.memory_space<vmem>>, vector<16xf32>,
    %swap3A_227 = vector.shape_cast %swap3A_226 : vector<16xf32> to vector<16xf32>
    %swap3A_228 = vector.shape_cast %gather3A_224 : vector<16xf32> to vector<16xf32>
    tpu.vector_store %arg7[%swap3A_225], %swap3A_228 {strides = array<i32>} : memref<3136xf32, #tpu.memory_space<vmem>>, vector<16xf32>,
    %get3A_229 = arith.constant 320 : index
    %get3A_230 = tpu.vector_load %arg6[%get3A_229] {strides = array<i32>} : memref<3136xi32, #tpu.memory_space<vmem>>, vector<16xi32>,
    %get3A_231 = vector.shape_cast %get3A_230 : vector<16xi32> to vector<16xi32>
    %broadcast_in_dim3A_232 = vector.shape_cast %get3A_231 : vector<16xi32> to vector<16x1xi32>
    %gather3A_233 = vector.shape_cast %broadcast_in_dim3A_232 : vector<16x1xi32> to vector<16xi32>
    %gather3A_234 = tpu.dynamic_gather %mul3A_25[%gather3A_233] in [0] : vector<16xf32>, vector<16xi32> -> vector<16xf32>
    %swap3A_235 = arith.constant 320 : index
    %swap3A_236 = tpu.vector_load %arg7[%swap3A_235] {strides = array<i32>} : memref<3136xf32, #tpu.memory_space<vmem>>, vector<16xf32>,
    %swap3A_237 = vector.shape_cast %swap3A_236 : vector<16xf32> to vector<16xf32>
    %swap3A_238 = vector.shape_cast %gather3A_234 : vector<16xf32> to vector<16xf32>
    tpu.vector_store %arg7[%swap3A_235], %swap3A_238 {strides = array<i32>} : memref<3136xf32, #tpu.memory_space<vmem>>, vector<16xf32>,
    %get3A_239 = arith.constant 336 : index
    %get3A_240 = tpu.vector_load %arg6[%get3A_239] {strides = array<i32>} : memref<3136xi32, #tpu.memory_space<vmem>>, vector<16xi32>,
    %get3A_241 = vector.shape_cast %get3A_240 : vector<16xi32> to vector<16xi32>
    %broadcast_in_dim3A_242 = vector.shape_cast %get3A_241 : vector<16xi32> to vector<16x1xi32>
    %gather3A_243 = vector.shape_cast %broadcast_in_dim3A_242 : vector<16x1xi32> to vector<16xi32>
    %gather3A_244 = tpu.dynamic_gather %mul3A_25[%gather3A_243] in [0] : vector<16xf32>, vector<16xi32> -> vector<16xf32>
    %swap3A_245 = arith.constant 336 : index
    %swap3A_246 = tpu.vector_load %arg7[%swap3A_245] {strides = array<i32>} : memref<3136xf32, #tpu.memory_space<vmem>>, vector<16xf32>,
    %swap3A_247 = vector.shape_cast %swap3A_246 : vector<16xf32> to vector<16xf32>
    %swap3A_248 = vector.shape_cast %gather3A_244 : vector<16xf32> to vector<16xf32>
    tpu.vector_store %arg7[%swap3A_245], %swap3A_248 {strides = array<i32>} : memref<3136xf32, #tpu.memory_space<vmem>>, vector<16xf32>,
    %get3A_249 = arith.constant 352 : index
    %get3A_250 = tpu.vector_load %arg6[%get3A_249] {strides = array<i32>} : memref<3136xi32, #tpu.memory_space<vmem>>, vector<16xi32>,
    %get3A_251 = vector.shape_cast %get3A_250 : vector<16xi32> to vector<16xi32>
    %broadcast_in_dim3A_252 = vector.shape_cast %get3A_251 : vector<16xi32> to vector<16x1xi32>
    %gather3A_253 = vector.shape_cast %broadcast_in_dim3A_252 : vector<16x1xi32> to vector<16xi32>
    %gather3A_254 = tpu.dynamic_gather %mul3A_25[%gather3A_253] in [0] : vector<16xf32>, vector<16xi32> -> vector<16xf32>
    %swap3A_255 = arith.constant 352 : index
    %swap3A_256 = tpu.vector_load %arg7[%swap3A_255] {strides = array<i32>} : memref<3136xf32, #tpu.memory_space<vmem>>, vector<16xf32>,
    %swap3A_257 = vector.shape_cast %swap3A_256 : vector<16xf32> to vector<16xf32>
    %swap3A_258 = vector.shape_cast %gather3A_254 : vector<16xf32> to vector<16xf32>
    tpu.vector_store %arg7[%swap3A_255], %swap3A_258 {strides = array<i32>} : memref<3136xf32, #tpu.memory_space<vmem>>, vector<16xf32>,
    %get3A_259 = arith.constant 368 : index
    %get3A_260 = tpu.vector_load %arg6[%get3A_259] {strides = array<i32>} : memref<3136xi32, #tpu.memory_space<vmem>>, vector<16xi32>,
    %get3A_261 = vector.shape_cast %get3A_260 : vector<16xi32> to vector<16xi32>
    %broadcast_in_dim3A_262 = vector.shape_cast %get3A_261 : vector<16xi32> to vector<16x1xi32>
    %gather3A_263 = vector.shape_cast %broadcast_in_dim3A_262 : vector<16x1xi32> to vector<16xi32>
    %gather3A_264 = tpu.dynamic_gather %mul3A_25[%gather3A_263] in [0] : vector<16xf32>, vector<16xi32> -> vector<16xf32>
    %swap3A_265 = arith.constant 368 : index
    %swap3A_266 = tpu.vector_load %arg7[%swap3A_265] {strides = array<i32>} : memref<3136xf32, #tpu.memory_space<vmem>>, vector<16xf32>,
    %swap3A_267 = vector.shape_cast %swap3A_266 : vector<16xf32> to vector<16xf32>
    %swap3A_268 = vector.shape_cast %gather3A_264 : vector<16xf32> to vector<16xf32>
    tpu.vector_store %arg7[%swap3A_265], %swap3A_268 {strides = array<i32>} : memref<3136xf32, #tpu.memory_space<vmem>>, vector<16xf32>,
    %get3A_269 = arith.constant 384 : index
    %get3A_270 = tpu.vector_load %arg6[%get3A_269] {strides = array<i32>} : memref<3136xi32, #tpu.memory_space<vmem>>, vector<16xi32>,
    %get3A_271 = vector.shape_cast %get3A_270 : vector<16xi32> to vector<16xi32>
    %broadcast_in_dim3A_272 = vector.shape_cast %get3A_271 : vector<16xi32> to vector<16x1xi32>
    %gather3A_273 = vector.shape_cast %broadcast_in_dim3A_272 : vector<16x1xi32> to vector<16xi32>
    %gather3A_274 = tpu.dynamic_gather %mul3A_25[%gather3A_273] in [0] : vector<16xf32>, vector<16xi32> -> vector<16xf32>
    %swap3A_275 = arith.constant 384 : index
    %swap3A_276 = tpu.vector_load %arg7[%swap3A_275] {strides = array<i32>} : memref<3136xf32, #tpu.memory_space<vmem>>, vector<16xf32>,
    %swap3A_277 = vector.shape_cast %swap3A_276 : vector<16xf32> to vector<16xf32>
    %swap3A_278 = vector.shape_cast %gather3A_274 : vector<16xf32> to vector<16xf32>
    tpu.vector_store %arg7[%swap3A_275], %swap3A_278 {strides = array<i32>} : memref<3136xf32, #tpu.memory_space<vmem>>, vector<16xf32>,
    %get3A_279 = arith.constant 400 : index
    %get3A_280 = tpu.vector_load %arg6[%get3A_279] {strides = array<i32>} : memref<3136xi32, #tpu.memory_space<vmem>>, vector<16xi32>,
    %get3A_281 = vector.shape_cast %get3A_280 : vector<16xi32> to vector<16xi32>
    %broadcast_in_dim3A_282 = vector.shape_cast %get3A_281 : vector<16xi32> to vector<16x1xi32>
    %gather3A_283 = vector.shape_cast %broadcast_in_dim3A_282 : vector<16x1xi32> to vector<16xi32>
    %gather3A_284 = tpu.dynamic_gather %mul3A_25[%gather3A_283] in [0] : vector<16xf32>, vector<16xi32> -> vector<16xf32>
    %swap3A_285 = arith.constant 400 : index
    %swap3A_286 = tpu.vector_load %arg7[%swap3A_285] {strides = array<i32>} : memref<3136xf32, #tpu.memory_space<vmem>>, vector<16xf32>,
    %swap3A_287 = vector.shape_cast %swap3A_286 : vector<16xf32> to vector<16xf32>
    %swap3A_288 = vector.shape_cast %gather3A_284 : vector<16xf32> to vector<16xf32>
    tpu.vector_store %arg7[%swap3A_285], %swap3A_288 {strides = array<i32>} : memref<3136xf32, #tpu.memory_space<vmem>>, vector<16xf32>,
    %get3A_289 = arith.constant 416 : index
    %get3A_290 = tpu.vector_load %arg6[%get3A_289] {strides = array<i32>} : memref<3136xi32, #tpu.memory_space<vmem>>, vector<16xi32>,
    %get3A_291 = vector.shape_cast %get3A_290 : vector<16xi32> to vector<16xi32>
    %broadcast_in_dim3A_292 = vector.shape_cast %get3A_291 : vector<16xi32> to vector<16x1xi32>
    %gather3A_293 = vector.shape_cast %broadcast_in_dim3A_292 : vector<16x1xi32> to vector<16xi32>
    %gather3A_294 = tpu.dynamic_gather %mul3A_25[%gather3A_293] in [0] : vector<16xf32>, vector<16xi32> -> vector<16xf32>
    %swap3A_295 = arith.constant 416 : index
    %swap3A_296 = tpu.vector_load %arg7[%swap3A_295] {strides = array<i32>} : memref<3136xf32, #tpu.memory_space<vmem>>, vector<16xf32>,
    %swap3A_297 = vector.shape_cast %swap3A_296 : vector<16xf32> to vector<16xf32>
    %swap3A_298 = vector.shape_cast %gather3A_294 : vector<16xf32> to vector<16xf32>
    tpu.vector_store %arg7[%swap3A_295], %swap3A_298 {strides = array<i32>} : memref<3136xf32, #tpu.memory_space<vmem>>, vector<16xf32>,
    %get3A_299 = arith.constant 432 : index
    %get3A_300 = tpu.vector_load %arg6[%get3A_299] {strides = array<i32>} : memref<3136xi32, #tpu.memory_space<vmem>>, vector<16xi32>,
    %get3A_301 = vector.shape_cast %get3A_300 : vector<16xi32> to vector<16xi32>
    %broadcast_in_dim3A_302 = vector.shape_cast %get3A_301 : vector<16xi32> to vector<16x1xi32>
    %gather3A_303 = vector.shape_cast %broadcast_in_dim3A_302 : vector<16x1xi32> to vector<16xi32>
    %gather3A_304 = tpu.dynamic_gather %mul3A_25[%gather3A_303] in [0] : vector<16xf32>, vector<16xi32> -> vector<16xf32>
    %swap3A_305 = arith.constant 432 : index
    %swap3A_306 = tpu.vector_load %arg7[%swap3A_305] {strides = array<i32>} : memref<3136xf32, #tpu.memory_space<vmem>>, vector<16xf32>,
    %swap3A_307 = vector.shape_cast %swap3A_306 : vector<16xf32> to vector<16xf32>
    %swap3A_308 = vector.shape_cast %gather3A_304 : vector<16xf32> to vector<16xf32>
    tpu.vector_store %arg7[%swap3A_305], %swap3A_308 {strides = array<i32>} : memref<3136xf32, #tpu.memory_space<vmem>>, vector<16xf32>,
    %add3A_309 = arith.constant 0 : i32
    %add3A_310 = arith.addi %select_n3A, %add3A_309 : i32
    %dma_start3A_311 = arith.constant 0 : i32
    %dma_start3A_312 = tpu.memref_slice %arg7[%dma_start3A_311] : memref<3136xf32, #tpu.memory_space<vmem>> -> memref<448xf32, #tpu.memory_space<vmem>>
    %dma_start3A_313 = tpu.memref_slice %arg4[%add3A_310] : memref<50000xf32, #tpu.memory_space<hbm>> -> memref<448xf32, #tpu.memory_space<hbm>>
    %dma_start3A_314 = tpu.memref_slice %arg4[%add3A_310] : memref<50000xf32, #tpu.memory_space<hbm>> -> memref<448xf32, #tpu.memory_space<hbm>>
    %dma_start3A_315 = arith.constant 0 : i32
    %dma_start3A_316 = tpu.memref_slice %arg7[%dma_start3A_315] : memref<3136xf32, #tpu.memory_space<vmem>> -> memref<448xf32, #tpu.memory_space<vmem>>
    tpu.enqueue_dma source(%dma_start3A_316 : memref<448xf32, #tpu.memory_space<vmem>>) target(%dma_start3A_314 : memref<448xf32, #tpu.memory_space<hbm>>) target_semaphore(%arg11 : memref<!tpu.dma_semaphore, #tpu.memory_space<semaphore_mem>>)
    %get3A_317 = arith.constant 448 : index
    %get3A_318 = tpu.vector_load %arg6[%get3A_317] {strides = array<i32>} : memref<3136xi32, #tpu.memory_space<vmem>>, vector<16xi32>,
    %get3A_319 = vector.shape_cast %get3A_318 : vector<16xi32> to vector<16xi32>
    %broadcast_in_dim3A_320 = vector.shape_cast %get3A_319 : vector<16xi32> to vector<16x1xi32>
    %gather3A_321 = vector.shape_cast %broadcast_in_dim3A_320 : vector<16x1xi32> to vector<16xi32>
    %gather3A_322 = tpu.dynamic_gather %mul3A_25[%gather3A_321] in [0] : vector<16xf32>, vector<16xi32> -> vector<16xf32>
    %swap3A_323 = arith.constant 448 : index
    %swap3A_324 = tpu.vector_load %arg7[%swap3A_323] {strides = array<i32>} : memref<3136xf32, #tpu.memory_space<vmem>>, vector<16xf32>,
    %swap3A_325 = vector.shape_cast %swap3A_324 : vector<16xf32> to vector<16xf32>
    %swap3A_326 = vector.shape_cast %gather3A_322 : vector<16xf32> to vector<16xf32>
    tpu.vector_store %arg7[%swap3A_323], %swap3A_326 {strides = array<i32>} : memref<3136xf32, #tpu.memory_space<vmem>>, vector<16xf32>,
    %get3A_327 = arith.constant 464 : index
    %get3A_328 = tpu.vector_load %arg6[%get3A_327] {strides = array<i32>} : memref<3136xi32, #tpu.memory_space<vmem>>, vector<16xi32>,
    %get3A_329 = vector.shape_cast %get3A_328 : vector<16xi32> to vector<16xi32>
    %broadcast_in_dim3A_330 = vector.shape_cast %get3A_329 : vector<16xi32> to vector<16x1xi32>
    %gather3A_331 = vector.shape_cast %broadcast_in_dim3A_330 : vector<16x1xi32> to vector<16xi32>
    %gather3A_332 = tpu.dynamic_gather %mul3A_25[%gather3A_331] in [0] : vector<16xf32>, vector<16xi32> -> vector<16xf32>
    %swap3A_333 = arith.constant 464 : index
    %swap3A_334 = tpu.vector_load %arg7[%swap3A_333] {strides = array<i32>} : memref<3136xf32, #tpu.memory_space<vmem>>, vector<16xf32>,
    %swap3A_335 = vector.shape_cast %swap3A_334 : vector<16xf32> to vector<16xf32>
    %swap3A_336 = vector.shape_cast %gather3A_332 : vector<16xf32> to vector<16xf32>
    tpu.vector_store %arg7[%swap3A_333], %swap3A_336 {strides = array<i32>} : memref<3136xf32, #tpu.memory_space<vmem>>, vector<16xf32>,
    %get3A_337 = arith.constant 480 : index
    %get3A_338 = tpu.vector_load %arg6[%get3A_337] {strides = array<i32>} : memref<3136xi32, #tpu.memory_space<vmem>>, vector<16xi32>,
    %get3A_339 = vector.shape_cast %get3A_338 : vector<16xi32> to vector<16xi32>
    %broadcast_in_dim3A_340 = vector.shape_cast %get3A_339 : vector<16xi32> to vector<16x1xi32>
    %gather3A_341 = vector.shape_cast %broadcast_in_dim3A_340 : vector<16x1xi32> to vector<16xi32>
    %gather3A_342 = tpu.dynamic_gather %mul3A_25[%gather3A_341] in [0] : vector<16xf32>, vector<16xi32> -> vector<16xf32>
    %swap3A_343 = arith.constant 480 : index
    %swap3A_344 = tpu.vector_load %arg7[%swap3A_343] {strides = array<i32>} : memref<3136xf32, #tpu.memory_space<vmem>>, vector<16xf32>,
    %swap3A_345 = vector.shape_cast %swap3A_344 : vector<16xf32> to vector<16xf32>
    %swap3A_346 = vector.shape_cast %gather3A_342 : vector<16xf32> to vector<16xf32>
    tpu.vector_store %arg7[%swap3A_343], %swap3A_346 {strides = array<i32>} : memref<3136xf32, #tpu.memory_space<vmem>>, vector<16xf32>,
    %get3A_347 = arith.constant 496 : index
    %get3A_348 = tpu.vector_load %arg6[%get3A_347] {strides = array<i32>} : memref<3136xi32, #tpu.memory_space<vmem>>, vector<16xi32>,
    %get3A_349 = vector.shape_cast %get3A_348 : vector<16xi32> to vector<16xi32>
    %broadcast_in_dim3A_350 = vector.shape_cast %get3A_349 : vector<16xi32> to vector<16x1xi32>
    %gather3A_351 = vector.shape_cast %broadcast_in_dim3A_350 : vector<16x1xi32> to vector<16xi32>
    %gather3A_352 = tpu.dynamic_gather %mul3A_25[%gather3A_351] in [0] : vector<16xf32>, vector<16xi32> -> vector<16xf32>
    %swap3A_353 = arith.constant 496 : index
    %swap3A_354 = tpu.vector_load %arg7[%swap3A_353] {strides = array<i32>} : memref<3136xf32, #tpu.memory_space<vmem>>, vector<16xf32>,
    %swap3A_355 = vector.shape_cast %swap3A_354 : vector<16xf32> to vector<16xf32>
    %swap3A_356 = vector.shape_cast %gather3A_352 : vector<16xf32> to vector<16xf32>
    tpu.vector_store %arg7[%swap3A_353], %swap3A_356 {strides = array<i32>} : memref<3136xf32, #tpu.memory_space<vmem>>, vector<16xf32>,
    %get3A_357 = arith.constant 512 : index
    %get3A_358 = tpu.vector_load %arg6[%get3A_357] {strides = array<i32>} : memref<3136xi32, #tpu.memory_space<vmem>>, vector<16xi32>,
    %get3A_359 = vector.shape_cast %get3A_358 : vector<16xi32> to vector<16xi32>
    %broadcast_in_dim3A_360 = vector.shape_cast %get3A_359 : vector<16xi32> to vector<16x1xi32>
    %gather3A_361 = vector.shape_cast %broadcast_in_dim3A_360 : vector<16x1xi32> to vector<16xi32>
    %gather3A_362 = tpu.dynamic_gather %mul3A_25[%gather3A_361] in [0] : vector<16xf32>, vector<16xi32> -> vector<16xf32>
    %swap3A_363 = arith.constant 512 : index
    %swap3A_364 = tpu.vector_load %arg7[%swap3A_363] {strides = array<i32>} : memref<3136xf32, #tpu.memory_space<vmem>>, vector<16xf32>,
    %swap3A_365 = vector.shape_cast %swap3A_364 : vector<16xf32> to vector<16xf32>
    %swap3A_366 = vector.shape_cast %gather3A_362 : vector<16xf32> to vector<16xf32>
    tpu.vector_store %arg7[%swap3A_363], %swap3A_366 {strides = array<i32>} : memref<3136xf32, #tpu.memory_space<vmem>>, vector<16xf32>,
    %get3A_367 = arith.constant 528 : index
    %get3A_368 = tpu.vector_load %arg6[%get3A_367] {strides = array<i32>} : memref<3136xi32, #tpu.memory_space<vmem>>, vector<16xi32>,
    %get3A_369 = vector.shape_cast %get3A_368 : vector<16xi32> to vector<16xi32>
    %broadcast_in_dim3A_370 = vector.shape_cast %get3A_369 : vector<16xi32> to vector<16x1xi32>
    %gather3A_371 = vector.shape_cast %broadcast_in_dim3A_370 : vector<16x1xi32> to vector<16xi32>
    %gather3A_372 = tpu.dynamic_gather %mul3A_25[%gather3A_371] in [0] : vector<16xf32>, vector<16xi32> -> vector<16xf32>
    %swap3A_373 = arith.constant 528 : index
    %swap3A_374 = tpu.vector_load %arg7[%swap3A_373] {strides = array<i32>} : memref<3136xf32, #tpu.memory_space<vmem>>, vector<16xf32>,
    %swap3A_375 = vector.shape_cast %swap3A_374 : vector<16xf32> to vector<16xf32>
    %swap3A_376 = vector.shape_cast %gather3A_372 : vector<16xf32> to vector<16xf32>
    tpu.vector_store %arg7[%swap3A_373], %swap3A_376 {strides = array<i32>} : memref<3136xf32, #tpu.memory_space<vmem>>, vector<16xf32>,
    %get3A_377 = arith.constant 544 : index
    %get3A_378 = tpu.vector_load %arg6[%get3A_377] {strides = array<i32>} : memref<3136xi32, #tpu.memory_space<vmem>>, vector<16xi32>,
    %get3A_379 = vector.shape_cast %get3A_378 : vector<16xi32> to vector<16xi32>
    %broadcast_in_dim3A_380 = vector.shape_cast %get3A_379 : vector<16xi32> to vector<16x1xi32>
    %gather3A_381 = vector.shape_cast %broadcast_in_dim3A_380 : vector<16x1xi32> to vector<16xi32>
    %gather3A_382 = tpu.dynamic_gather %mul3A_25[%gather3A_381] in [0] : vector<16xf32>, vector<16xi32> -> vector<16xf32>
    %swap3A_383 = arith.constant 544 : index
    %swap3A_384 = tpu.vector_load %arg7[%swap3A_383] {strides = array<i32>} : memref<3136xf32, #tpu.memory_space<vmem>>, vector<16xf32>,
    %swap3A_385 = vector.shape_cast %swap3A_384 : vector<16xf32> to vector<16xf32>
    %swap3A_386 = vector.shape_cast %gather3A_382 : vector<16xf32> to vector<16xf32>
    tpu.vector_store %arg7[%swap3A_383], %swap3A_386 {strides = array<i32>} : memref<3136xf32, #tpu.memory_space<vmem>>, vector<16xf32>,
    %get3A_387 = arith.constant 560 : index
    %get3A_388 = tpu.vector_load %arg6[%get3A_387] {strides = array<i32>} : memref<3136xi32, #tpu.memory_space<vmem>>, vector<16xi32>,
    %get3A_389 = vector.shape_cast %get3A_388 : vector<16xi32> to vector<16xi32>
    %broadcast_in_dim3A_390 = vector.shape_cast %get3A_389 : vector<16xi32> to vector<16x1xi32>
    %gather3A_391 = vector.shape_cast %broadcast_in_dim3A_390 : vector<16x1xi32> to vector<16xi32>
    %gather3A_392 = tpu.dynamic_gather %mul3A_25[%gather3A_391] in [0] : vector<16xf32>, vector<16xi32> -> vector<16xf32>
    %swap3A_393 = arith.constant 560 : index
    %swap3A_394 = tpu.vector_load %arg7[%swap3A_393] {strides = array<i32>} : memref<3136xf32, #tpu.memory_space<vmem>>, vector<16xf32>,
    %swap3A_395 = vector.shape_cast %swap3A_394 : vector<16xf32> to vector<16xf32>
    %swap3A_396 = vector.shape_cast %gather3A_392 : vector<16xf32> to vector<16xf32>
    tpu.vector_store %arg7[%swap3A_393], %swap3A_396 {strides = array<i32>} : memref<3136xf32, #tpu.memory_space<vmem>>, vector<16xf32>,
    %get3A_397 = arith.constant 576 : index
    %get3A_398 = tpu.vector_load %arg6[%get3A_397] {strides = array<i32>} : memref<3136xi32, #tpu.memory_space<vmem>>, vector<16xi32>,
    %get3A_399 = vector.shape_cast %get3A_398 : vector<16xi32> to vector<16xi32>
    %broadcast_in_dim3A_400 = vector.shape_cast %get3A_399 : vector<16xi32> to vector<16x1xi32>
    %gather3A_401 = vector.shape_cast %broadcast_in_dim3A_400 : vector<16x1xi32> to vector<16xi32>
    %gather3A_402 = tpu.dynamic_gather %mul3A_25[%gather3A_401] in [0] : vector<16xf32>, vector<16xi32> -> vector<16xf32>
    %swap3A_403 = arith.constant 576 : index
    %swap3A_404 = tpu.vector_load %arg7[%swap3A_403] {strides = array<i32>} : memref<3136xf32, #tpu.memory_space<vmem>>, vector<16xf32>,
    %swap3A_405 = vector.shape_cast %swap3A_404 : vector<16xf32> to vector<16xf32>
    %swap3A_406 = vector.shape_cast %gather3A_402 : vector<16xf32> to vector<16xf32>
    tpu.vector_store %arg7[%swap3A_403], %swap3A_406 {strides = array<i32>} : memref<3136xf32, #tpu.memory_space<vmem>>, vector<16xf32>,
    %get3A_407 = arith.constant 592 : index
    %get3A_408 = tpu.vector_load %arg6[%get3A_407] {strides = array<i32>} : memref<3136xi32, #tpu.memory_space<vmem>>, vector<16xi32>,
    %get3A_409 = vector.shape_cast %get3A_408 : vector<16xi32> to vector<16xi32>
    %broadcast_in_dim3A_410 = vector.shape_cast %get3A_409 : vector<16xi32> to vector<16x1xi32>
    %gather3A_411 = vector.shape_cast %broadcast_in_dim3A_410 : vector<16x1xi32> to vector<16xi32>
    %gather3A_412 = tpu.dynamic_gather %mul3A_25[%gather3A_411] in [0] : vector<16xf32>, vector<16xi32> -> vector<16xf32>
    %swap3A_413 = arith.constant 592 : index
    %swap3A_414 = tpu.vector_load %arg7[%swap3A_413] {strides = array<i32>} : memref<3136xf32, #tpu.memory_space<vmem>>, vector<16xf32>,
    %swap3A_415 = vector.shape_cast %swap3A_414 : vector<16xf32> to vector<16xf32>
    %swap3A_416 = vector.shape_cast %gather3A_412 : vector<16xf32> to vector<16xf32>
    tpu.vector_store %arg7[%swap3A_413], %swap3A_416 {strides = array<i32>} : memref<3136xf32, #tpu.memory_space<vmem>>, vector<16xf32>,
    %get3A_417 = arith.constant 608 : index
    %get3A_418 = tpu.vector_load %arg6[%get3A_417] {strides = array<i32>} : memref<3136xi32, #tpu.memory_space<vmem>>, vector<16xi32>,
    %get3A_419 = vector.shape_cast %get3A_418 : vector<16xi32> to vector<16xi32>
    %broadcast_in_dim3A_420 = vector.shape_cast %get3A_419 : vector<16xi32> to vector<16x1xi32>
    %gather3A_421 = vector.shape_cast %broadcast_in_dim3A_420 : vector<16x1xi32> to vector<16xi32>
    %gather3A_422 = tpu.dynamic_gather %mul3A_25[%gather3A_421] in [0] : vector<16xf32>, vector<16xi32> -> vector<16xf32>
    %swap3A_423 = arith.constant 608 : index
    %swap3A_424 = tpu.vector_load %arg7[%swap3A_423] {strides = array<i32>} : memref<3136xf32, #tpu.memory_space<vmem>>, vector<16xf32>,
    %swap3A_425 = vector.shape_cast %swap3A_424 : vector<16xf32> to vector<16xf32>
    %swap3A_426 = vector.shape_cast %gather3A_422 : vector<16xf32> to vector<16xf32>
    tpu.vector_store %arg7[%swap3A_423], %swap3A_426 {strides = array<i32>} : memref<3136xf32, #tpu.memory_space<vmem>>, vector<16xf32>,
    %get3A_427 = arith.constant 624 : index
    %get3A_428 = tpu.vector_load %arg6[%get3A_427] {strides = array<i32>} : memref<3136xi32, #tpu.memory_space<vmem>>, vector<16xi32>,
    %get3A_429 = vector.shape_cast %get3A_428 : vector<16xi32> to vector<16xi32>
    %broadcast_in_dim3A_430 = vector.shape_cast %get3A_429 : vector<16xi32> to vector<16x1xi32>
    %gather3A_431 = vector.shape_cast %broadcast_in_dim3A_430 : vector<16x1xi32> to vector<16xi32>
    %gather3A_432 = tpu.dynamic_gather %mul3A_25[%gather3A_431] in [0] : vector<16xf32>, vector<16xi32> -> vector<16xf32>
    %swap3A_433 = arith.constant 624 : index
    %swap3A_434 = tpu.vector_load %arg7[%swap3A_433] {strides = array<i32>} : memref<3136xf32, #tpu.memory_space<vmem>>, vector<16xf32>,
    %swap3A_435 = vector.shape_cast %swap3A_434 : vector<16xf32> to vector<16xf32>
    %swap3A_436 = vector.shape_cast %gather3A_432 : vector<16xf32> to vector<16xf32>
    tpu.vector_store %arg7[%swap3A_433], %swap3A_436 {strides = array<i32>} : memref<3136xf32, #tpu.memory_space<vmem>>, vector<16xf32>,
    %get3A_437 = arith.constant 640 : index
    %get3A_438 = tpu.vector_load %arg6[%get3A_437] {strides = array<i32>} : memref<3136xi32, #tpu.memory_space<vmem>>, vector<16xi32>,
    %get3A_439 = vector.shape_cast %get3A_438 : vector<16xi32> to vector<16xi32>
    %broadcast_in_dim3A_440 = vector.shape_cast %get3A_439 : vector<16xi32> to vector<16x1xi32>
    %gather3A_441 = vector.shape_cast %broadcast_in_dim3A_440 : vector<16x1xi32> to vector<16xi32>
    %gather3A_442 = tpu.dynamic_gather %mul3A_25[%gather3A_441] in [0] : vector<16xf32>, vector<16xi32> -> vector<16xf32>
    %swap3A_443 = arith.constant 640 : index
    %swap3A_444 = tpu.vector_load %arg7[%swap3A_443] {strides = array<i32>} : memref<3136xf32, #tpu.memory_space<vmem>>, vector<16xf32>,
    %swap3A_445 = vector.shape_cast %swap3A_444 : vector<16xf32> to vector<16xf32>
    %swap3A_446 = vector.shape_cast %gather3A_442 : vector<16xf32> to vector<16xf32>
    tpu.vector_store %arg7[%swap3A_443], %swap3A_446 {strides = array<i32>} : memref<3136xf32, #tpu.memory_space<vmem>>, vector<16xf32>,
    %get3A_447 = arith.constant 656 : index
    %get3A_448 = tpu.vector_load %arg6[%get3A_447] {strides = array<i32>} : memref<3136xi32, #tpu.memory_space<vmem>>, vector<16xi32>,
    %get3A_449 = vector.shape_cast %get3A_448 : vector<16xi32> to vector<16xi32>
    %broadcast_in_dim3A_450 = vector.shape_cast %get3A_449 : vector<16xi32> to vector<16x1xi32>
    %gather3A_451 = vector.shape_cast %broadcast_in_dim3A_450 : vector<16x1xi32> to vector<16xi32>
    %gather3A_452 = tpu.dynamic_gather %mul3A_25[%gather3A_451] in [0] : vector<16xf32>, vector<16xi32> -> vector<16xf32>
    %swap3A_453 = arith.constant 656 : index
    %swap3A_454 = tpu.vector_load %arg7[%swap3A_453] {strides = array<i32>} : memref<3136xf32, #tpu.memory_space<vmem>>, vector<16xf32>,
    %swap3A_455 = vector.shape_cast %swap3A_454 : vector<16xf32> to vector<16xf32>
    %swap3A_456 = vector.shape_cast %gather3A_452 : vector<16xf32> to vector<16xf32>
    tpu.vector_store %arg7[%swap3A_453], %swap3A_456 {strides = array<i32>} : memref<3136xf32, #tpu.memory_space<vmem>>, vector<16xf32>,
    %get3A_457 = arith.constant 672 : index
    %get3A_458 = tpu.vector_load %arg6[%get3A_457] {strides = array<i32>} : memref<3136xi32, #tpu.memory_space<vmem>>, vector<16xi32>,
    %get3A_459 = vector.shape_cast %get3A_458 : vector<16xi32> to vector<16xi32>
    %broadcast_in_dim3A_460 = vector.shape_cast %get3A_459 : vector<16xi32> to vector<16x1xi32>
    %gather3A_461 = vector.shape_cast %broadcast_in_dim3A_460 : vector<16x1xi32> to vector<16xi32>
    %gather3A_462 = tpu.dynamic_gather %mul3A_25[%gather3A_461] in [0] : vector<16xf32>, vector<16xi32> -> vector<16xf32>
    %swap3A_463 = arith.constant 672 : index
    %swap3A_464 = tpu.vector_load %arg7[%swap3A_463] {strides = array<i32>} : memref<3136xf32, #tpu.memory_space<vmem>>, vector<16xf32>,
    %swap3A_465 = vector.shape_cast %swap3A_464 : vector<16xf32> to vector<16xf32>
    %swap3A_466 = vector.shape_cast %gather3A_462 : vector<16xf32> to vector<16xf32>
    tpu.vector_store %arg7[%swap3A_463], %swap3A_466 {strides = array<i32>} : memref<3136xf32, #tpu.memory_space<vmem>>, vector<16xf32>,
    %get3A_467 = arith.constant 688 : index
    %get3A_468 = tpu.vector_load %arg6[%get3A_467] {strides = array<i32>} : memref<3136xi32, #tpu.memory_space<vmem>>, vector<16xi32>,
    %get3A_469 = vector.shape_cast %get3A_468 : vector<16xi32> to vector<16xi32>
    %broadcast_in_dim3A_470 = vector.shape_cast %get3A_469 : vector<16xi32> to vector<16x1xi32>
    %gather3A_471 = vector.shape_cast %broadcast_in_dim3A_470 : vector<16x1xi32> to vector<16xi32>
    %gather3A_472 = tpu.dynamic_gather %mul3A_25[%gather3A_471] in [0] : vector<16xf32>, vector<16xi32> -> vector<16xf32>
    %swap3A_473 = arith.constant 688 : index
    %swap3A_474 = tpu.vector_load %arg7[%swap3A_473] {strides = array<i32>} : memref<3136xf32, #tpu.memory_space<vmem>>, vector<16xf32>,
    %swap3A_475 = vector.shape_cast %swap3A_474 : vector<16xf32> to vector<16xf32>
    %swap3A_476 = vector.shape_cast %gather3A_472 : vector<16xf32> to vector<16xf32>
    tpu.vector_store %arg7[%swap3A_473], %swap3A_476 {strides = array<i32>} : memref<3136xf32, #tpu.memory_space<vmem>>, vector<16xf32>,
    %get3A_477 = arith.constant 704 : index
    %get3A_478 = tpu.vector_load %arg6[%get3A_477] {strides = array<i32>} : memref<3136xi32, #tpu.memory_space<vmem>>, vector<16xi32>,
    %get3A_479 = vector.shape_cast %get3A_478 : vector<16xi32> to vector<16xi32>
    %broadcast_in_dim3A_480 = vector.shape_cast %get3A_479 : vector<16xi32> to vector<16x1xi32>
    %gather3A_481 = vector.shape_cast %broadcast_in_dim3A_480 : vector<16x1xi32> to vector<16xi32>
    %gather3A_482 = tpu.dynamic_gather %mul3A_25[%gather3A_481] in [0] : vector<16xf32>, vector<16xi32> -> vector<16xf32>
    %swap3A_483 = arith.constant 704 : index
    %swap3A_484 = tpu.vector_load %arg7[%swap3A_483] {strides = array<i32>} : memref<3136xf32, #tpu.memory_space<vmem>>, vector<16xf32>,
    %swap3A_485 = vector.shape_cast %swap3A_484 : vector<16xf32> to vector<16xf32>
    %swap3A_486 = vector.shape_cast %gather3A_482 : vector<16xf32> to vector<16xf32>
    tpu.vector_store %arg7[%swap3A_483], %swap3A_486 {strides = array<i32>} : memref<3136xf32, #tpu.memory_space<vmem>>, vector<16xf32>,
    %get3A_487 = arith.constant 720 : index
    %get3A_488 = tpu.vector_load %arg6[%get3A_487] {strides = array<i32>} : memref<3136xi32, #tpu.memory_space<vmem>>, vector<16xi32>,
    %get3A_489 = vector.shape_cast %get3A_488 : vector<16xi32> to vector<16xi32>
    %broadcast_in_dim3A_490 = vector.shape_cast %get3A_489 : vector<16xi32> to vector<16x1xi32>
    %gather3A_491 = vector.shape_cast %broadcast_in_dim3A_490 : vector<16x1xi32> to vector<16xi32>
    %gather3A_492 = tpu.dynamic_gather %mul3A_25[%gather3A_491] in [0] : vector<16xf32>, vector<16xi32> -> vector<16xf32>
    %swap3A_493 = arith.constant 720 : index
    %swap3A_494 = tpu.vector_load %arg7[%swap3A_493] {strides = array<i32>} : memref<3136xf32, #tpu.memory_space<vmem>>, vector<16xf32>,
    %swap3A_495 = vector.shape_cast %swap3A_494 : vector<16xf32> to vector<16xf32>
    %swap3A_496 = vector.shape_cast %gather3A_492 : vector<16xf32> to vector<16xf32>
    tpu.vector_store %arg7[%swap3A_493], %swap3A_496 {strides = array<i32>} : memref<3136xf32, #tpu.memory_space<vmem>>, vector<16xf32>,
    %get3A_497 = arith.constant 736 : index
    %get3A_498 = tpu.vector_load %arg6[%get3A_497] {strides = array<i32>} : memref<3136xi32, #tpu.memory_space<vmem>>, vector<16xi32>,
    %get3A_499 = vector.shape_cast %get3A_498 : vector<16xi32> to vector<16xi32>
    %broadcast_in_dim3A_500 = vector.shape_cast %get3A_499 : vector<16xi32> to vector<16x1xi32>
    %gather3A_501 = vector.shape_cast %broadcast_in_dim3A_500 : vector<16x1xi32> to vector<16xi32>
    %gather3A_502 = tpu.dynamic_gather %mul3A_25[%gather3A_501] in [0] : vector<16xf32>, vector<16xi32> -> vector<16xf32>
    %swap3A_503 = arith.constant 736 : index
    %swap3A_504 = tpu.vector_load %arg7[%swap3A_503] {strides = array<i32>} : memref<3136xf32, #tpu.memory_space<vmem>>, vector<16xf32>,
    %swap3A_505 = vector.shape_cast %swap3A_504 : vector<16xf32> to vector<16xf32>
    %swap3A_506 = vector.shape_cast %gather3A_502 : vector<16xf32> to vector<16xf32>
    tpu.vector_store %arg7[%swap3A_503], %swap3A_506 {strides = array<i32>} : memref<3136xf32, #tpu.memory_space<vmem>>, vector<16xf32>,
    %get3A_507 = arith.constant 752 : index
    %get3A_508 = tpu.vector_load %arg6[%get3A_507] {strides = array<i32>} : memref<3136xi32, #tpu.memory_space<vmem>>, vector<16xi32>,
    %get3A_509 = vector.shape_cast %get3A_508 : vector<16xi32> to vector<16xi32>
    %broadcast_in_dim3A_510 = vector.shape_cast %get3A_509 : vector<16xi32> to vector<16x1xi32>
    %gather3A_511 = vector.shape_cast %broadcast_in_dim3A_510 : vector<16x1xi32> to vector<16xi32>
    %gather3A_512 = tpu.dynamic_gather %mul3A_25[%gather3A_511] in [0] : vector<16xf32>, vector<16xi32> -> vector<16xf32>
    %swap3A_513 = arith.constant 752 : index
    %swap3A_514 = tpu.vector_load %arg7[%swap3A_513] {strides = array<i32>} : memref<3136xf32, #tpu.memory_space<vmem>>, vector<16xf32>,
    %swap3A_515 = vector.shape_cast %swap3A_514 : vector<16xf32> to vector<16xf32>
    %swap3A_516 = vector.shape_cast %gather3A_512 : vector<16xf32> to vector<16xf32>
    tpu.vector_store %arg7[%swap3A_513], %swap3A_516 {strides = array<i32>} : memref<3136xf32, #tpu.memory_space<vmem>>, vector<16xf32>,
    %get3A_517 = arith.constant 768 : index
    %get3A_518 = tpu.vector_load %arg6[%get3A_517] {strides = array<i32>} : memref<3136xi32, #tpu.memory_space<vmem>>, vector<16xi32>,
    %get3A_519 = vector.shape_cast %get3A_518 : vector<16xi32> to vector<16xi32>
    %broadcast_in_dim3A_520 = vector.shape_cast %get3A_519 : vector<16xi32> to vector<16x1xi32>
    %gather3A_521 = vector.shape_cast %broadcast_in_dim3A_520 : vector<16x1xi32> to vector<16xi32>
    %gather3A_522 = tpu.dynamic_gather %mul3A_25[%gather3A_521] in [0] : vector<16xf32>, vector<16xi32> -> vector<16xf32>
    %swap3A_523 = arith.constant 768 : index
    %swap3A_524 = tpu.vector_load %arg7[%swap3A_523] {strides = array<i32>} : memref<3136xf32, #tpu.memory_space<vmem>>, vector<16xf32>,
    %swap3A_525 = vector.shape_cast %swap3A_524 : vector<16xf32> to vector<16xf32>
    %swap3A_526 = vector.shape_cast %gather3A_522 : vector<16xf32> to vector<16xf32>
    tpu.vector_store %arg7[%swap3A_523], %swap3A_526 {strides = array<i32>} : memref<3136xf32, #tpu.memory_space<vmem>>, vector<16xf32>,
    %get3A_527 = arith.constant 784 : index
    %get3A_528 = tpu.vector_load %arg6[%get3A_527] {strides = array<i32>} : memref<3136xi32, #tpu.memory_space<vmem>>, vector<16xi32>,
    %get3A_529 = vector.shape_cast %get3A_528 : vector<16xi32> to vector<16xi32>
    %broadcast_in_dim3A_530 = vector.shape_cast %get3A_529 : vector<16xi32> to vector<16x1xi32>
    %gather3A_531 = vector.shape_cast %broadcast_in_dim3A_530 : vector<16x1xi32> to vector<16xi32>
    %gather3A_532 = tpu.dynamic_gather %mul3A_25[%gather3A_531] in [0] : vector<16xf32>, vector<16xi32> -> vector<16xf32>
    %swap3A_533 = arith.constant 784 : index
    %swap3A_534 = tpu.vector_load %arg7[%swap3A_533] {strides = array<i32>} : memref<3136xf32, #tpu.memory_space<vmem>>, vector<16xf32>,
    %swap3A_535 = vector.shape_cast %swap3A_534 : vector<16xf32> to vector<16xf32>
    %swap3A_536 = vector.shape_cast %gather3A_532 : vector<16xf32> to vector<16xf32>
    tpu.vector_store %arg7[%swap3A_533], %swap3A_536 {strides = array<i32>} : memref<3136xf32, #tpu.memory_space<vmem>>, vector<16xf32>,
    %get3A_537 = arith.constant 800 : index
    %get3A_538 = tpu.vector_load %arg6[%get3A_537] {strides = array<i32>} : memref<3136xi32, #tpu.memory_space<vmem>>, vector<16xi32>,
    %get3A_539 = vector.shape_cast %get3A_538 : vector<16xi32> to vector<16xi32>
    %broadcast_in_dim3A_540 = vector.shape_cast %get3A_539 : vector<16xi32> to vector<16x1xi32>
    %gather3A_541 = vector.shape_cast %broadcast_in_dim3A_540 : vector<16x1xi32> to vector<16xi32>
    %gather3A_542 = tpu.dynamic_gather %mul3A_25[%gather3A_541] in [0] : vector<16xf32>, vector<16xi32> -> vector<16xf32>
    %swap3A_543 = arith.constant 800 : index
    %swap3A_544 = tpu.vector_load %arg7[%swap3A_543] {strides = array<i32>} : memref<3136xf32, #tpu.memory_space<vmem>>, vector<16xf32>,
    %swap3A_545 = vector.shape_cast %swap3A_544 : vector<16xf32> to vector<16xf32>
    %swap3A_546 = vector.shape_cast %gather3A_542 : vector<16xf32> to vector<16xf32>
    tpu.vector_store %arg7[%swap3A_543], %swap3A_546 {strides = array<i32>} : memref<3136xf32, #tpu.memory_space<vmem>>, vector<16xf32>,
    %get3A_547 = arith.constant 816 : index
    %get3A_548 = tpu.vector_load %arg6[%get3A_547] {strides = array<i32>} : memref<3136xi32, #tpu.memory_space<vmem>>, vector<16xi32>,
    %get3A_549 = vector.shape_cast %get3A_548 : vector<16xi32> to vector<16xi32>
    %broadcast_in_dim3A_550 = vector.shape_cast %get3A_549 : vector<16xi32> to vector<16x1xi32>
    %gather3A_551 = vector.shape_cast %broadcast_in_dim3A_550 : vector<16x1xi32> to vector<16xi32>
    %gather3A_552 = tpu.dynamic_gather %mul3A_25[%gather3A_551] in [0] : vector<16xf32>, vector<16xi32> -> vector<16xf32>
    %swap3A_553 = arith.constant 816 : index
    %swap3A_554 = tpu.vector_load %arg7[%swap3A_553] {strides = array<i32>} : memref<3136xf32, #tpu.memory_space<vmem>>, vector<16xf32>,
    %swap3A_555 = vector.shape_cast %swap3A_554 : vector<16xf32> to vector<16xf32>
    %swap3A_556 = vector.shape_cast %gather3A_552 : vector<16xf32> to vector<16xf32>
    tpu.vector_store %arg7[%swap3A_553], %swap3A_556 {strides = array<i32>} : memref<3136xf32, #tpu.memory_space<vmem>>, vector<16xf32>,
    %get3A_557 = arith.constant 832 : index
    %get3A_558 = tpu.vector_load %arg6[%get3A_557] {strides = array<i32>} : memref<3136xi32, #tpu.memory_space<vmem>>, vector<16xi32>,
    %get3A_559 = vector.shape_cast %get3A_558 : vector<16xi32> to vector<16xi32>
    %broadcast_in_dim3A_560 = vector.shape_cast %get3A_559 : vector<16xi32> to vector<16x1xi32>
    %gather3A_561 = vector.shape_cast %broadcast_in_dim3A_560 : vector<16x1xi32> to vector<16xi32>
    %gather3A_562 = tpu.dynamic_gather %mul3A_25[%gather3A_561] in [0] : vector<16xf32>, vector<16xi32> -> vector<16xf32>
    %swap3A_563 = arith.constant 832 : index
    %swap3A_564 = tpu.vector_load %arg7[%swap3A_563] {strides = array<i32>} : memref<3136xf32, #tpu.memory_space<vmem>>, vector<16xf32>,
    %swap3A_565 = vector.shape_cast %swap3A_564 : vector<16xf32> to vector<16xf32>
    %swap3A_566 = vector.shape_cast %gather3A_562 : vector<16xf32> to vector<16xf32>
    tpu.vector_store %arg7[%swap3A_563], %swap3A_566 {strides = array<i32>} : memref<3136xf32, #tpu.memory_space<vmem>>, vector<16xf32>,
    %get3A_567 = arith.constant 848 : index
    %get3A_568 = tpu.vector_load %arg6[%get3A_567] {strides = array<i32>} : memref<3136xi32, #tpu.memory_space<vmem>>, vector<16xi32>,
    %get3A_569 = vector.shape_cast %get3A_568 : vector<16xi32> to vector<16xi32>
    %broadcast_in_dim3A_570 = vector.shape_cast %get3A_569 : vector<16xi32> to vector<16x1xi32>
    %gather3A_571 = vector.shape_cast %broadcast_in_dim3A_570 : vector<16x1xi32> to vector<16xi32>
    %gather3A_572 = tpu.dynamic_gather %mul3A_25[%gather3A_571] in [0] : vector<16xf32>, vector<16xi32> -> vector<16xf32>
    %swap3A_573 = arith.constant 848 : index
    %swap3A_574 = tpu.vector_load %arg7[%swap3A_573] {strides = array<i32>} : memref<3136xf32, #tpu.memory_space<vmem>>, vector<16xf32>,
    %swap3A_575 = vector.shape_cast %swap3A_574 : vector<16xf32> to vector<16xf32>
    %swap3A_576 = vector.shape_cast %gather3A_572 : vector<16xf32> to vector<16xf32>
    tpu.vector_store %arg7[%swap3A_573], %swap3A_576 {strides = array<i32>} : memref<3136xf32, #tpu.memory_space<vmem>>, vector<16xf32>,
    %get3A_577 = arith.constant 864 : index
    %get3A_578 = tpu.vector_load %arg6[%get3A_577] {strides = array<i32>} : memref<3136xi32, #tpu.memory_space<vmem>>, vector<16xi32>,
    %get3A_579 = vector.shape_cast %get3A_578 : vector<16xi32> to vector<16xi32>
    %broadcast_in_dim3A_580 = vector.shape_cast %get3A_579 : vector<16xi32> to vector<16x1xi32>
    %gather3A_581 = vector.shape_cast %broadcast_in_dim3A_580 : vector<16x1xi32> to vector<16xi32>
    %gather3A_582 = tpu.dynamic_gather %mul3A_25[%gather3A_581] in [0] : vector<16xf32>, vector<16xi32> -> vector<16xf32>
    %swap3A_583 = arith.constant 864 : index
    %swap3A_584 = tpu.vector_load %arg7[%swap3A_583] {strides = array<i32>} : memref<3136xf32, #tpu.memory_space<vmem>>, vector<16xf32>,
    %swap3A_585 = vector.shape_cast %swap3A_584 : vector<16xf32> to vector<16xf32>
    %swap3A_586 = vector.shape_cast %gather3A_582 : vector<16xf32> to vector<16xf32>
    tpu.vector_store %arg7[%swap3A_583], %swap3A_586 {strides = array<i32>} : memref<3136xf32, #tpu.memory_space<vmem>>, vector<16xf32>,
    %get3A_587 = arith.constant 880 : index
    %get3A_588 = tpu.vector_load %arg6[%get3A_587] {strides = array<i32>} : memref<3136xi32, #tpu.memory_space<vmem>>, vector<16xi32>,
    %get3A_589 = vector.shape_cast %get3A_588 : vector<16xi32> to vector<16xi32>
    %broadcast_in_dim3A_590 = vector.shape_cast %get3A_589 : vector<16xi32> to vector<16x1xi32>
    %gather3A_591 = vector.shape_cast %broadcast_in_dim3A_590 : vector<16x1xi32> to vector<16xi32>
    %gather3A_592 = tpu.dynamic_gather %mul3A_25[%gather3A_591] in [0] : vector<16xf32>, vector<16xi32> -> vector<16xf32>
    %swap3A_593 = arith.constant 880 : index
    %swap3A_594 = tpu.vector_load %arg7[%swap3A_593] {strides = array<i32>} : memref<3136xf32, #tpu.memory_space<vmem>>, vector<16xf32>,
    %swap3A_595 = vector.shape_cast %swap3A_594 : vector<16xf32> to vector<16xf32>
    %swap3A_596 = vector.shape_cast %gather3A_592 : vector<16xf32> to vector<16xf32>
    tpu.vector_store %arg7[%swap3A_593], %swap3A_596 {strides = array<i32>} : memref<3136xf32, #tpu.memory_space<vmem>>, vector<16xf32>,
    %add3A_597 = arith.constant 448 : i32
    %add3A_598 = arith.addi %select_n3A, %add3A_597 : i32
    %dma_start3A_599 = arith.constant 448 : i32
    %dma_start3A_600 = tpu.memref_slice %arg7[%dma_start3A_599] : memref<3136xf32, #tpu.memory_space<vmem>> -> memref<448xf32, #tpu.memory_space<vmem>>
    %dma_start3A_601 = tpu.memref_slice %arg4[%add3A_598] : memref<50000xf32, #tpu.memory_space<hbm>> -> memref<448xf32, #tpu.memory_space<hbm>>
    %dma_start3A_602 = tpu.memref_slice %arg4[%add3A_598] : memref<50000xf32, #tpu.memory_space<hbm>> -> memref<448xf32, #tpu.memory_space<hbm>>
    %dma_start3A_603 = arith.constant 448 : i32
    %dma_start3A_604 = tpu.memref_slice %arg7[%dma_start3A_603] : memref<3136xf32, #tpu.memory_space<vmem>> -> memref<448xf32, #tpu.memory_space<vmem>>
    tpu.enqueue_dma source(%dma_start3A_604 : memref<448xf32, #tpu.memory_space<vmem>>) target(%dma_start3A_602 : memref<448xf32, #tpu.memory_space<hbm>>) target_semaphore(%arg11 : memref<!tpu.dma_semaphore, #tpu.memory_space<semaphore_mem>>)
    %get3A_605 = arith.constant 896 : index
    %get3A_606 = tpu.vector_load %arg6[%get3A_605] {strides = array<i32>} : memref<3136xi32, #tpu.memory_space<vmem>>, vector<16xi32>,
    %get3A_607 = vector.shape_cast %get3A_606 : vector<16xi32> to vector<16xi32>
    %broadcast_in_dim3A_608 = vector.shape_cast %get3A_607 : vector<16xi32> to vector<16x1xi32>
    %gather3A_609 = vector.shape_cast %broadcast_in_dim3A_608 : vector<16x1xi32> to vector<16xi32>
    %gather3A_610 = tpu.dynamic_gather %mul3A_25[%gather3A_609] in [0] : vector<16xf32>, vector<16xi32> -> vector<16xf32>
    %swap3A_611 = arith.constant 896 : index
    %swap3A_612 = tpu.vector_load %arg7[%swap3A_611] {strides = array<i32>} : memref<3136xf32, #tpu.memory_space<vmem>>, vector<16xf32>,
    %swap3A_613 = vector.shape_cast %swap3A_612 : vector<16xf32> to vector<16xf32>
    %swap3A_614 = vector.shape_cast %gather3A_610 : vector<16xf32> to vector<16xf32>
    tpu.vector_store %arg7[%swap3A_611], %swap3A_614 {strides = array<i32>} : memref<3136xf32, #tpu.memory_space<vmem>>, vector<16xf32>,
    %get3A_615 = arith.constant 912 : index
    %get3A_616 = tpu.vector_load %arg6[%get3A_615] {strides = array<i32>} : memref<3136xi32, #tpu.memory_space<vmem>>, vector<16xi32>,
    %get3A_617 = vector.shape_cast %get3A_616 : vector<16xi32> to vector<16xi32>
    %broadcast_in_dim3A_618 = vector.shape_cast %get3A_617 : vector<16xi32> to vector<16x1xi32>
    %gather3A_619 = vector.shape_cast %broadcast_in_dim3A_618 : vector<16x1xi32> to vector<16xi32>
    %gather3A_620 = tpu.dynamic_gather %mul3A_25[%gather3A_619] in [0] : vector<16xf32>, vector<16xi32> -> vector<16xf32>
    %swap3A_621 = arith.constant 912 : index
    %swap3A_622 = tpu.vector_load %arg7[%swap3A_621] {strides = array<i32>} : memref<3136xf32, #tpu.memory_space<vmem>>, vector<16xf32>,
    %swap3A_623 = vector.shape_cast %swap3A_622 : vector<16xf32> to vector<16xf32>
    %swap3A_624 = vector.shape_cast %gather3A_620 : vector<16xf32> to vector<16xf32>
    tpu.vector_store %arg7[%swap3A_621], %swap3A_624 {strides = array<i32>} : memref<3136xf32, #tpu.memory_space<vmem>>, vector<16xf32>,
    %get3A_625 = arith.constant 928 : index
    %get3A_626 = tpu.vector_load %arg6[%get3A_625] {strides = array<i32>} : memref<3136xi32, #tpu.memory_space<vmem>>, vector<16xi32>,
    %get3A_627 = vector.shape_cast %get3A_626 : vector<16xi32> to vector<16xi32>
    %broadcast_in_dim3A_628 = vector.shape_cast %get3A_627 : vector<16xi32> to vector<16x1xi32>
    %gather3A_629 = vector.shape_cast %broadcast_in_dim3A_628 : vector<16x1xi32> to vector<16xi32>
    %gather3A_630 = tpu.dynamic_gather %mul3A_25[%gather3A_629] in [0] : vector<16xf32>, vector<16xi32> -> vector<16xf32>
    %swap3A_631 = arith.constant 928 : index
    %swap3A_632 = tpu.vector_load %arg7[%swap3A_631] {strides = array<i32>} : memref<3136xf32, #tpu.memory_space<vmem>>, vector<16xf32>,
    %swap3A_633 = vector.shape_cast %swap3A_632 : vector<16xf32> to vector<16xf32>
    %swap3A_634 = vector.shape_cast %gather3A_630 : vector<16xf32> to vector<16xf32>
    tpu.vector_store %arg7[%swap3A_631], %swap3A_634 {strides = array<i32>} : memref<3136xf32, #tpu.memory_space<vmem>>, vector<16xf32>,
    %get3A_635 = arith.constant 944 : index
    %get3A_636 = tpu.vector_load %arg6[%get3A_635] {strides = array<i32>} : memref<3136xi32, #tpu.memory_space<vmem>>, vector<16xi32>,
    %get3A_637 = vector.shape_cast %get3A_636 : vector<16xi32> to vector<16xi32>
    %broadcast_in_dim3A_638 = vector.shape_cast %get3A_637 : vector<16xi32> to vector<16x1xi32>
    %gather3A_639 = vector.shape_cast %broadcast_in_dim3A_638 : vector<16x1xi32> to vector<16xi32>
    %gather3A_640 = tpu.dynamic_gather %mul3A_25[%gather3A_639] in [0] : vector<16xf32>, vector<16xi32> -> vector<16xf32>
    %swap3A_641 = arith.constant 944 : index
    %swap3A_642 = tpu.vector_load %arg7[%swap3A_641] {strides = array<i32>} : memref<3136xf32, #tpu.memory_space<vmem>>, vector<16xf32>,
    %swap3A_643 = vector.shape_cast %swap3A_642 : vector<16xf32> to vector<16xf32>
    %swap3A_644 = vector.shape_cast %gather3A_640 : vector<16xf32> to vector<16xf32>
    tpu.vector_store %arg7[%swap3A_641], %swap3A_644 {strides = array<i32>} : memref<3136xf32, #tpu.memory_space<vmem>>, vector<16xf32>,
    %get3A_645 = arith.constant 960 : index
    %get3A_646 = tpu.vector_load %arg6[%get3A_645] {strides = array<i32>} : memref<3136xi32, #tpu.memory_space<vmem>>, vector<16xi32>,
    %get3A_647 = vector.shape_cast %get3A_646 : vector<16xi32> to vector<16xi32>
    %broadcast_in_dim3A_648 = vector.shape_cast %get3A_647 : vector<16xi32> to vector<16x1xi32>
    %gather3A_649 = vector.shape_cast %broadcast_in_dim3A_648 : vector<16x1xi32> to vector<16xi32>
    %gather3A_650 = tpu.dynamic_gather %mul3A_25[%gather3A_649] in [0] : vector<16xf32>, vector<16xi32> -> vector<16xf32>
    %swap3A_651 = arith.constant 960 : index
    %swap3A_652 = tpu.vector_load %arg7[%swap3A_651] {strides = array<i32>} : memref<3136xf32, #tpu.memory_space<vmem>>, vector<16xf32>,
    %swap3A_653 = vector.shape_cast %swap3A_652 : vector<16xf32> to vector<16xf32>
    %swap3A_654 = vector.shape_cast %gather3A_650 : vector<16xf32> to vector<16xf32>
    tpu.vector_store %arg7[%swap3A_651], %swap3A_654 {strides = array<i32>} : memref<3136xf32, #tpu.memory_space<vmem>>, vector<16xf32>,
    %get3A_655 = arith.constant 976 : index
    %get3A_656 = tpu.vector_load %arg6[%get3A_655] {strides = array<i32>} : memref<3136xi32, #tpu.memory_space<vmem>>, vector<16xi32>,
    %get3A_657 = vector.shape_cast %get3A_656 : vector<16xi32> to vector<16xi32>
    %broadcast_in_dim3A_658 = vector.shape_cast %get3A_657 : vector<16xi32> to vector<16x1xi32>
    %gather3A_659 = vector.shape_cast %broadcast_in_dim3A_658 : vector<16x1xi32> to vector<16xi32>
    %gather3A_660 = tpu.dynamic_gather %mul3A_25[%gather3A_659] in [0] : vector<16xf32>, vector<16xi32> -> vector<16xf32>
    %swap3A_661 = arith.constant 976 : index
    %swap3A_662 = tpu.vector_load %arg7[%swap3A_661] {strides = array<i32>} : memref<3136xf32, #tpu.memory_space<vmem>>, vector<16xf32>,
    %swap3A_663 = vector.shape_cast %swap3A_662 : vector<16xf32> to vector<16xf32>
    %swap3A_664 = vector.shape_cast %gather3A_660 : vector<16xf32> to vector<16xf32>
    tpu.vector_store %arg7[%swap3A_661], %swap3A_664 {strides = array<i32>} : memref<3136xf32, #tpu.memory_space<vmem>>, vector<16xf32>,
    %get3A_665 = arith.constant 992 : index
    %get3A_666 = tpu.vector_load %arg6[%get3A_665] {strides = array<i32>} : memref<3136xi32, #tpu.memory_space<vmem>>, vector<16xi32>,
    %get3A_667 = vector.shape_cast %get3A_666 : vector<16xi32> to vector<16xi32>
    %broadcast_in_dim3A_668 = vector.shape_cast %get3A_667 : vector<16xi32> to vector<16x1xi32>
    %gather3A_669 = vector.shape_cast %broadcast_in_dim3A_668 : vector<16x1xi32> to vector<16xi32>
    %gather3A_670 = tpu.dynamic_gather %mul3A_25[%gather3A_669] in [0] : vector<16xf32>, vector<16xi32> -> vector<16xf32>
    %swap3A_671 = arith.constant 992 : index
    %swap3A_672 = tpu.vector_load %arg7[%swap3A_671] {strides = array<i32>} : memref<3136xf32, #tpu.memory_space<vmem>>, vector<16xf32>,
    %swap3A_673 = vector.shape_cast %swap3A_672 : vector<16xf32> to vector<16xf32>
    %swap3A_674 = vector.shape_cast %gather3A_670 : vector<16xf32> to vector<16xf32>
    tpu.vector_store %arg7[%swap3A_671], %swap3A_674 {strides = array<i32>} : memref<3136xf32, #tpu.memory_space<vmem>>, vector<16xf32>,
    %get3A_675 = arith.constant 1008 : index
    %get3A_676 = tpu.vector_load %arg6[%get3A_675] {strides = array<i32>} : memref<3136xi32, #tpu.memory_space<vmem>>, vector<16xi32>,
    %get3A_677 = vector.shape_cast %get3A_676 : vector<16xi32> to vector<16xi32>
    %broadcast_in_dim3A_678 = vector.shape_cast %get3A_677 : vector<16xi32> to vector<16x1xi32>
    %gather3A_679 = vector.shape_cast %broadcast_in_dim3A_678 : vector<16x1xi32> to vector<16xi32>
    %gather3A_680 = tpu.dynamic_gather %mul3A_25[%gather3A_679] in [0] : vector<16xf32>, vector<16xi32> -> vector<16xf32>
    %swap3A_681 = arith.constant 1008 : index
    %swap3A_682 = tpu.vector_load %arg7[%swap3A_681] {strides = array<i32>} : memref<3136xf32, #tpu.memory_space<vmem>>, vector<16xf32>,
    %swap3A_683 = vector.shape_cast %swap3A_682 : vector<16xf32> to vector<16xf32>
    %swap3A_684 = vector.shape_cast %gather3A_680 : vector<16xf32> to vector<16xf32>
    tpu.vector_store %arg7[%swap3A_681], %swap3A_684 {strides = array<i32>} : memref<3136xf32, #tpu.memory_space<vmem>>, vector<16xf32>,
    %get3A_685 = arith.constant 1024 : index
    %get3A_686 = tpu.vector_load %arg6[%get3A_685] {strides = array<i32>} : memref<3136xi32, #tpu.memory_space<vmem>>, vector<16xi32>,
    %get3A_687 = vector.shape_cast %get3A_686 : vector<16xi32> to vector<16xi32>
    %broadcast_in_dim3A_688 = vector.shape_cast %get3A_687 : vector<16xi32> to vector<16x1xi32>
    %gather3A_689 = vector.shape_cast %broadcast_in_dim3A_688 : vector<16x1xi32> to vector<16xi32>
    %gather3A_690 = tpu.dynamic_gather %mul3A_25[%gather3A_689] in [0] : vector<16xf32>, vector<16xi32> -> vector<16xf32>
    %swap3A_691 = arith.constant 1024 : index
    %swap3A_692 = tpu.vector_load %arg7[%swap3A_691] {strides = array<i32>} : memref<3136xf32, #tpu.memory_space<vmem>>, vector<16xf32>,
    %swap3A_693 = vector.shape_cast %swap3A_692 : vector<16xf32> to vector<16xf32>
    %swap3A_694 = vector.shape_cast %gather3A_690 : vector<16xf32> to vector<16xf32>
    tpu.vector_store %arg7[%swap3A_691], %swap3A_694 {strides = array<i32>} : memref<3136xf32, #tpu.memory_space<vmem>>, vector<16xf32>,
    %get3A_695 = arith.constant 1040 : index
    %get3A_696 = tpu.vector_load %arg6[%get3A_695] {strides = array<i32>} : memref<3136xi32, #tpu.memory_space<vmem>>, vector<16xi32>,
    %get3A_697 = vector.shape_cast %get3A_696 : vector<16xi32> to vector<16xi32>
    %broadcast_in_dim3A_698 = vector.shape_cast %get3A_697 : vector<16xi32> to vector<16x1xi32>
    %gather3A_699 = vector.shape_cast %broadcast_in_dim3A_698 : vector<16x1xi32> to vector<16xi32>
    %gather3A_700 = tpu.dynamic_gather %mul3A_25[%gather3A_699] in [0] : vector<16xf32>, vector<16xi32> -> vector<16xf32>
    %swap3A_701 = arith.constant 1040 : index
    %swap3A_702 = tpu.vector_load %arg7[%swap3A_701] {strides = array<i32>} : memref<3136xf32, #tpu.memory_space<vmem>>, vector<16xf32>,
    %swap3A_703 = vector.shape_cast %swap3A_702 : vector<16xf32> to vector<16xf32>
    %swap3A_704 = vector.shape_cast %gather3A_700 : vector<16xf32> to vector<16xf32>
    tpu.vector_store %arg7[%swap3A_701], %swap3A_704 {strides = array<i32>} : memref<3136xf32, #tpu.memory_space<vmem>>, vector<16xf32>,
    %get3A_705 = arith.constant 1056 : index
    %get3A_706 = tpu.vector_load %arg6[%get3A_705] {strides = array<i32>} : memref<3136xi32, #tpu.memory_space<vmem>>, vector<16xi32>,
    %get3A_707 = vector.shape_cast %get3A_706 : vector<16xi32> to vector<16xi32>
    %broadcast_in_dim3A_708 = vector.shape_cast %get3A_707 : vector<16xi32> to vector<16x1xi32>
    %gather3A_709 = vector.shape_cast %broadcast_in_dim3A_708 : vector<16x1xi32> to vector<16xi32>
    %gather3A_710 = tpu.dynamic_gather %mul3A_25[%gather3A_709] in [0] : vector<16xf32>, vector<16xi32> -> vector<16xf32>
    %swap3A_711 = arith.constant 1056 : index
    %swap3A_712 = tpu.vector_load %arg7[%swap3A_711] {strides = array<i32>} : memref<3136xf32, #tpu.memory_space<vmem>>, vector<16xf32>,
    %swap3A_713 = vector.shape_cast %swap3A_712 : vector<16xf32> to vector<16xf32>
    %swap3A_714 = vector.shape_cast %gather3A_710 : vector<16xf32> to vector<16xf32>
    tpu.vector_store %arg7[%swap3A_711], %swap3A_714 {strides = array<i32>} : memref<3136xf32, #tpu.memory_space<vmem>>, vector<16xf32>,
    %get3A_715 = arith.constant 1072 : index
    %get3A_716 = tpu.vector_load %arg6[%get3A_715] {strides = array<i32>} : memref<3136xi32, #tpu.memory_space<vmem>>, vector<16xi32>,
    %get3A_717 = vector.shape_cast %get3A_716 : vector<16xi32> to vector<16xi32>
    %broadcast_in_dim3A_718 = vector.shape_cast %get3A_717 : vector<16xi32> to vector<16x1xi32>
    %gather3A_719 = vector.shape_cast %broadcast_in_dim3A_718 : vector<16x1xi32> to vector<16xi32>
    %gather3A_720 = tpu.dynamic_gather %mul3A_25[%gather3A_719] in [0] : vector<16xf32>, vector<16xi32> -> vector<16xf32>
    %swap3A_721 = arith.constant 1072 : index
    %swap3A_722 = tpu.vector_load %arg7[%swap3A_721] {strides = array<i32>} : memref<3136xf32, #tpu.memory_space<vmem>>, vector<16xf32>,
    %swap3A_723 = vector.shape_cast %swap3A_722 : vector<16xf32> to vector<16xf32>
    %swap3A_724 = vector.shape_cast %gather3A_720 : vector<16xf32> to vector<16xf32>
    tpu.vector_store %arg7[%swap3A_721], %swap3A_724 {strides = array<i32>} : memref<3136xf32, #tpu.memory_space<vmem>>, vector<16xf32>,
    %get3A_725 = arith.constant 1088 : index
    %get3A_726 = tpu.vector_load %arg6[%get3A_725] {strides = array<i32>} : memref<3136xi32, #tpu.memory_space<vmem>>, vector<16xi32>,
    %get3A_727 = vector.shape_cast %get3A_726 : vector<16xi32> to vector<16xi32>
    %broadcast_in_dim3A_728 = vector.shape_cast %get3A_727 : vector<16xi32> to vector<16x1xi32>
    %gather3A_729 = vector.shape_cast %broadcast_in_dim3A_728 : vector<16x1xi32> to vector<16xi32>
    %gather3A_730 = tpu.dynamic_gather %mul3A_25[%gather3A_729] in [0] : vector<16xf32>, vector<16xi32> -> vector<16xf32>
    %swap3A_731 = arith.constant 1088 : index
    %swap3A_732 = tpu.vector_load %arg7[%swap3A_731] {strides = array<i32>} : memref<3136xf32, #tpu.memory_space<vmem>>, vector<16xf32>,
    %swap3A_733 = vector.shape_cast %swap3A_732 : vector<16xf32> to vector<16xf32>
    %swap3A_734 = vector.shape_cast %gather3A_730 : vector<16xf32> to vector<16xf32>
    tpu.vector_store %arg7[%swap3A_731], %swap3A_734 {strides = array<i32>} : memref<3136xf32, #tpu.memory_space<vmem>>, vector<16xf32>,
    %get3A_735 = arith.constant 1104 : index
    %get3A_736 = tpu.vector_load %arg6[%get3A_735] {strides = array<i32>} : memref<3136xi32, #tpu.memory_space<vmem>>, vector<16xi32>,
    %get3A_737 = vector.shape_cast %get3A_736 : vector<16xi32> to vector<16xi32>
    %broadcast_in_dim3A_738 = vector.shape_cast %get3A_737 : vector<16xi32> to vector<16x1xi32>
    %gather3A_739 = vector.shape_cast %broadcast_in_dim3A_738 : vector<16x1xi32> to vector<16xi32>
    %gather3A_740 = tpu.dynamic_gather %mul3A_25[%gather3A_739] in [0] : vector<16xf32>, vector<16xi32> -> vector<16xf32>
    %swap3A_741 = arith.constant 1104 : index
    %swap3A_742 = tpu.vector_load %arg7[%swap3A_741] {strides = array<i32>} : memref<3136xf32, #tpu.memory_space<vmem>>, vector<16xf32>,
    %swap3A_743 = vector.shape_cast %swap3A_742 : vector<16xf32> to vector<16xf32>
    %swap3A_744 = vector.shape_cast %gather3A_740 : vector<16xf32> to vector<16xf32>
    tpu.vector_store %arg7[%swap3A_741], %swap3A_744 {strides = array<i32>} : memref<3136xf32, #tpu.memory_space<vmem>>, vector<16xf32>,
    %get3A_745 = arith.constant 1120 : index
    %get3A_746 = tpu.vector_load %arg6[%get3A_745] {strides = array<i32>} : memref<3136xi32, #tpu.memory_space<vmem>>, vector<16xi32>,
    %get3A_747 = vector.shape_cast %get3A_746 : vector<16xi32> to vector<16xi32>
    %broadcast_in_dim3A_748 = vector.shape_cast %get3A_747 : vector<16xi32> to vector<16x1xi32>
    %gather3A_749 = vector.shape_cast %broadcast_in_dim3A_748 : vector<16x1xi32> to vector<16xi32>
    %gather3A_750 = tpu.dynamic_gather %mul3A_25[%gather3A_749] in [0] : vector<16xf32>, vector<16xi32> -> vector<16xf32>
    %swap3A_751 = arith.constant 1120 : index
    %swap3A_752 = tpu.vector_load %arg7[%swap3A_751] {strides = array<i32>} : memref<3136xf32, #tpu.memory_space<vmem>>, vector<16xf32>,
    %swap3A_753 = vector.shape_cast %swap3A_752 : vector<16xf32> to vector<16xf32>
    %swap3A_754 = vector.shape_cast %gather3A_750 : vector<16xf32> to vector<16xf32>
    tpu.vector_store %arg7[%swap3A_751], %swap3A_754 {strides = array<i32>} : memref<3136xf32, #tpu.memory_space<vmem>>, vector<16xf32>,
    %get3A_755 = arith.constant 1136 : index
    %get3A_756 = tpu.vector_load %arg6[%get3A_755] {strides = array<i32>} : memref<3136xi32, #tpu.memory_space<vmem>>, vector<16xi32>,
    %get3A_757 = vector.shape_cast %get3A_756 : vector<16xi32> to vector<16xi32>
    %broadcast_in_dim3A_758 = vector.shape_cast %get3A_757 : vector<16xi32> to vector<16x1xi32>
    %gather3A_759 = vector.shape_cast %broadcast_in_dim3A_758 : vector<16x1xi32> to vector<16xi32>
    %gather3A_760 = tpu.dynamic_gather %mul3A_25[%gather3A_759] in [0] : vector<16xf32>, vector<16xi32> -> vector<16xf32>
    %swap3A_761 = arith.constant 1136 : index
    %swap3A_762 = tpu.vector_load %arg7[%swap3A_761] {strides = array<i32>} : memref<3136xf32, #tpu.memory_space<vmem>>, vector<16xf32>,
    %swap3A_763 = vector.shape_cast %swap3A_762 : vector<16xf32> to vector<16xf32>
    %swap3A_764 = vector.shape_cast %gather3A_760 : vector<16xf32> to vector<16xf32>
    tpu.vector_store %arg7[%swap3A_761], %swap3A_764 {strides = array<i32>} : memref<3136xf32, #tpu.memory_space<vmem>>, vector<16xf32>,
    %get3A_765 = arith.constant 1152 : index
    %get3A_766 = tpu.vector_load %arg6[%get3A_765] {strides = array<i32>} : memref<3136xi32, #tpu.memory_space<vmem>>, vector<16xi32>,
    %get3A_767 = vector.shape_cast %get3A_766 : vector<16xi32> to vector<16xi32>
    %broadcast_in_dim3A_768 = vector.shape_cast %get3A_767 : vector<16xi32> to vector<16x1xi32>
    %gather3A_769 = vector.shape_cast %broadcast_in_dim3A_768 : vector<16x1xi32> to vector<16xi32>
    %gather3A_770 = tpu.dynamic_gather %mul3A_25[%gather3A_769] in [0] : vector<16xf32>, vector<16xi32> -> vector<16xf32>
    %swap3A_771 = arith.constant 1152 : index
    %swap3A_772 = tpu.vector_load %arg7[%swap3A_771] {strides = array<i32>} : memref<3136xf32, #tpu.memory_space<vmem>>, vector<16xf32>,
    %swap3A_773 = vector.shape_cast %swap3A_772 : vector<16xf32> to vector<16xf32>
    %swap3A_774 = vector.shape_cast %gather3A_770 : vector<16xf32> to vector<16xf32>
    tpu.vector_store %arg7[%swap3A_771], %swap3A_774 {strides = array<i32>} : memref<3136xf32, #tpu.memory_space<vmem>>, vector<16xf32>,
    %get3A_775 = arith.constant 1168 : index
    %get3A_776 = tpu.vector_load %arg6[%get3A_775] {strides = array<i32>} : memref<3136xi32, #tpu.memory_space<vmem>>, vector<16xi32>,
    %get3A_777 = vector.shape_cast %get3A_776 : vector<16xi32> to vector<16xi32>
    %broadcast_in_dim3A_778 = vector.shape_cast %get3A_777 : vector<16xi32> to vector<16x1xi32>
    %gather3A_779 = vector.shape_cast %broadcast_in_dim3A_778 : vector<16x1xi32> to vector<16xi32>
    %gather3A_780 = tpu.dynamic_gather %mul3A_25[%gather3A_779] in [0] : vector<16xf32>, vector<16xi32> -> vector<16xf32>
    %swap3A_781 = arith.constant 1168 : index
    %swap3A_782 = tpu.vector_load %arg7[%swap3A_781] {strides = array<i32>} : memref<3136xf32, #tpu.memory_space<vmem>>, vector<16xf32>,
    %swap3A_783 = vector.shape_cast %swap3A_782 : vector<16xf32> to vector<16xf32>
    %swap3A_784 = vector.shape_cast %gather3A_780 : vector<16xf32> to vector<16xf32>
    tpu.vector_store %arg7[%swap3A_781], %swap3A_784 {strides = array<i32>} : memref<3136xf32, #tpu.memory_space<vmem>>, vector<16xf32>,
    %get3A_785 = arith.constant 1184 : index
    %get3A_786 = tpu.vector_load %arg6[%get3A_785] {strides = array<i32>} : memref<3136xi32, #tpu.memory_space<vmem>>, vector<16xi32>,
    %get3A_787 = vector.shape_cast %get3A_786 : vector<16xi32> to vector<16xi32>
    %broadcast_in_dim3A_788 = vector.shape_cast %get3A_787 : vector<16xi32> to vector<16x1xi32>
    %gather3A_789 = vector.shape_cast %broadcast_in_dim3A_788 : vector<16x1xi32> to vector<16xi32>
    %gather3A_790 = tpu.dynamic_gather %mul3A_25[%gather3A_789] in [0] : vector<16xf32>, vector<16xi32> -> vector<16xf32>
    %swap3A_791 = arith.constant 1184 : index
    %swap3A_792 = tpu.vector_load %arg7[%swap3A_791] {strides = array<i32>} : memref<3136xf32, #tpu.memory_space<vmem>>, vector<16xf32>,
    %swap3A_793 = vector.shape_cast %swap3A_792 : vector<16xf32> to vector<16xf32>
    %swap3A_794 = vector.shape_cast %gather3A_790 : vector<16xf32> to vector<16xf32>
    tpu.vector_store %arg7[%swap3A_791], %swap3A_794 {strides = array<i32>} : memref<3136xf32, #tpu.memory_space<vmem>>, vector<16xf32>,
    %get3A_795 = arith.constant 1200 : index
    %get3A_796 = tpu.vector_load %arg6[%get3A_795] {strides = array<i32>} : memref<3136xi32, #tpu.memory_space<vmem>>, vector<16xi32>,
    %get3A_797 = vector.shape_cast %get3A_796 : vector<16xi32> to vector<16xi32>
    %broadcast_in_dim3A_798 = vector.shape_cast %get3A_797 : vector<16xi32> to vector<16x1xi32>
    %gather3A_799 = vector.shape_cast %broadcast_in_dim3A_798 : vector<16x1xi32> to vector<16xi32>
    %gather3A_800 = tpu.dynamic_gather %mul3A_25[%gather3A_799] in [0] : vector<16xf32>, vector<16xi32> -> vector<16xf32>
    %swap3A_801 = arith.constant 1200 : index
    %swap3A_802 = tpu.vector_load %arg7[%swap3A_801] {strides = array<i32>} : memref<3136xf32, #tpu.memory_space<vmem>>, vector<16xf32>,
    %swap3A_803 = vector.shape_cast %swap3A_802 : vector<16xf32> to vector<16xf32>
    %swap3A_804 = vector.shape_cast %gather3A_800 : vector<16xf32> to vector<16xf32>
    tpu.vector_store %arg7[%swap3A_801], %swap3A_804 {strides = array<i32>} : memref<3136xf32, #tpu.memory_space<vmem>>, vector<16xf32>,
    %get3A_805 = arith.constant 1216 : index
    %get3A_806 = tpu.vector_load %arg6[%get3A_805] {strides = array<i32>} : memref<3136xi32, #tpu.memory_space<vmem>>, vector<16xi32>,
    %get3A_807 = vector.shape_cast %get3A_806 : vector<16xi32> to vector<16xi32>
    %broadcast_in_dim3A_808 = vector.shape_cast %get3A_807 : vector<16xi32> to vector<16x1xi32>
    %gather3A_809 = vector.shape_cast %broadcast_in_dim3A_808 : vector<16x1xi32> to vector<16xi32>
    %gather3A_810 = tpu.dynamic_gather %mul3A_25[%gather3A_809] in [0] : vector<16xf32>, vector<16xi32> -> vector<16xf32>
    %swap3A_811 = arith.constant 1216 : index
    %swap3A_812 = tpu.vector_load %arg7[%swap3A_811] {strides = array<i32>} : memref<3136xf32, #tpu.memory_space<vmem>>, vector<16xf32>,
    %swap3A_813 = vector.shape_cast %swap3A_812 : vector<16xf32> to vector<16xf32>
    %swap3A_814 = vector.shape_cast %gather3A_810 : vector<16xf32> to vector<16xf32>
    tpu.vector_store %arg7[%swap3A_811], %swap3A_814 {strides = array<i32>} : memref<3136xf32, #tpu.memory_space<vmem>>, vector<16xf32>,
    %get3A_815 = arith.constant 1232 : index
    %get3A_816 = tpu.vector_load %arg6[%get3A_815] {strides = array<i32>} : memref<3136xi32, #tpu.memory_space<vmem>>, vector<16xi32>,
    %get3A_817 = vector.shape_cast %get3A_816 : vector<16xi32> to vector<16xi32>
    %broadcast_in_dim3A_818 = vector.shape_cast %get3A_817 : vector<16xi32> to vector<16x1xi32>
    %gather3A_819 = vector.shape_cast %broadcast_in_dim3A_818 : vector<16x1xi32> to vector<16xi32>
    %gather3A_820 = tpu.dynamic_gather %mul3A_25[%gather3A_819] in [0] : vector<16xf32>, vector<16xi32> -> vector<16xf32>
    %swap3A_821 = arith.constant 1232 : index
    %swap3A_822 = tpu.vector_load %arg7[%swap3A_821] {strides = array<i32>} : memref<3136xf32, #tpu.memory_space<vmem>>, vector<16xf32>,
    %swap3A_823 = vector.shape_cast %swap3A_822 : vector<16xf32> to vector<16xf32>
    %swap3A_824 = vector.shape_cast %gather3A_820 : vector<16xf32> to vector<16xf32>
    tpu.vector_store %arg7[%swap3A_821], %swap3A_824 {strides = array<i32>} : memref<3136xf32, #tpu.memory_space<vmem>>, vector<16xf32>,
    %get3A_825 = arith.constant 1248 : index
    %get3A_826 = tpu.vector_load %arg6[%get3A_825] {strides = array<i32>} : memref<3136xi32, #tpu.memory_space<vmem>>, vector<16xi32>,
    %get3A_827 = vector.shape_cast %get3A_826 : vector<16xi32> to vector<16xi32>
    %broadcast_in_dim3A_828 = vector.shape_cast %get3A_827 : vector<16xi32> to vector<16x1xi32>
    %gather3A_829 = vector.shape_cast %broadcast_in_dim3A_828 : vector<16x1xi32> to vector<16xi32>
    %gather3A_830 = tpu.dynamic_gather %mul3A_25[%gather3A_829] in [0] : vector<16xf32>, vector<16xi32> -> vector<16xf32>
    %swap3A_831 = arith.constant 1248 : index
    %swap3A_832 = tpu.vector_load %arg7[%swap3A_831] {strides = array<i32>} : memref<3136xf32, #tpu.memory_space<vmem>>, vector<16xf32>,
    %swap3A_833 = vector.shape_cast %swap3A_832 : vector<16xf32> to vector<16xf32>
    %swap3A_834 = vector.shape_cast %gather3A_830 : vector<16xf32> to vector<16xf32>
    tpu.vector_store %arg7[%swap3A_831], %swap3A_834 {strides = array<i32>} : memref<3136xf32, #tpu.memory_space<vmem>>, vector<16xf32>,
    %get3A_835 = arith.constant 1264 : index
    %get3A_836 = tpu.vector_load %arg6[%get3A_835] {strides = array<i32>} : memref<3136xi32, #tpu.memory_space<vmem>>, vector<16xi32>,
    %get3A_837 = vector.shape_cast %get3A_836 : vector<16xi32> to vector<16xi32>
    %broadcast_in_dim3A_838 = vector.shape_cast %get3A_837 : vector<16xi32> to vector<16x1xi32>
    %gather3A_839 = vector.shape_cast %broadcast_in_dim3A_838 : vector<16x1xi32> to vector<16xi32>
    %gather3A_840 = tpu.dynamic_gather %mul3A_25[%gather3A_839] in [0] : vector<16xf32>, vector<16xi32> -> vector<16xf32>
    %swap3A_841 = arith.constant 1264 : index
    %swap3A_842 = tpu.vector_load %arg7[%swap3A_841] {strides = array<i32>} : memref<3136xf32, #tpu.memory_space<vmem>>, vector<16xf32>,
    %swap3A_843 = vector.shape_cast %swap3A_842 : vector<16xf32> to vector<16xf32>
    %swap3A_844 = vector.shape_cast %gather3A_840 : vector<16xf32> to vector<16xf32>
    tpu.vector_store %arg7[%swap3A_841], %swap3A_844 {strides = array<i32>} : memref<3136xf32, #tpu.memory_space<vmem>>, vector<16xf32>,
    %get3A_845 = arith.constant 1280 : index
    %get3A_846 = tpu.vector_load %arg6[%get3A_845] {strides = array<i32>} : memref<3136xi32, #tpu.memory_space<vmem>>, vector<16xi32>,
    %get3A_847 = vector.shape_cast %get3A_846 : vector<16xi32> to vector<16xi32>
    %broadcast_in_dim3A_848 = vector.shape_cast %get3A_847 : vector<16xi32> to vector<16x1xi32>
    %gather3A_849 = vector.shape_cast %broadcast_in_dim3A_848 : vector<16x1xi32> to vector<16xi32>
    %gather3A_850 = tpu.dynamic_gather %mul3A_25[%gather3A_849] in [0] : vector<16xf32>, vector<16xi32> -> vector<16xf32>
    %swap3A_851 = arith.constant 1280 : index
    %swap3A_852 = tpu.vector_load %arg7[%swap3A_851] {strides = array<i32>} : memref<3136xf32, #tpu.memory_space<vmem>>, vector<16xf32>,
    %swap3A_853 = vector.shape_cast %swap3A_852 : vector<16xf32> to vector<16xf32>
    %swap3A_854 = vector.shape_cast %gather3A_850 : vector<16xf32> to vector<16xf32>
    tpu.vector_store %arg7[%swap3A_851], %swap3A_854 {strides = array<i32>} : memref<3136xf32, #tpu.memory_space<vmem>>, vector<16xf32>,
    %get3A_855 = arith.constant 1296 : index
    %get3A_856 = tpu.vector_load %arg6[%get3A_855] {strides = array<i32>} : memref<3136xi32, #tpu.memory_space<vmem>>, vector<16xi32>,
    %get3A_857 = vector.shape_cast %get3A_856 : vector<16xi32> to vector<16xi32>
    %broadcast_in_dim3A_858 = vector.shape_cast %get3A_857 : vector<16xi32> to vector<16x1xi32>
    %gather3A_859 = vector.shape_cast %broadcast_in_dim3A_858 : vector<16x1xi32> to vector<16xi32>
    %gather3A_860 = tpu.dynamic_gather %mul3A_25[%gather3A_859] in [0] : vector<16xf32>, vector<16xi32> -> vector<16xf32>
    %swap3A_861 = arith.constant 1296 : index
    %swap3A_862 = tpu.vector_load %arg7[%swap3A_861] {strides = array<i32>} : memref<3136xf32, #tpu.memory_space<vmem>>, vector<16xf32>,
    %swap3A_863 = vector.shape_cast %swap3A_862 : vector<16xf32> to vector<16xf32>
    %swap3A_864 = vector.shape_cast %gather3A_860 : vector<16xf32> to vector<16xf32>
    tpu.vector_store %arg7[%swap3A_861], %swap3A_864 {strides = array<i32>} : memref<3136xf32, #tpu.memory_space<vmem>>, vector<16xf32>,
    %get3A_865 = arith.constant 1312 : index
    %get3A_866 = tpu.vector_load %arg6[%get3A_865] {strides = array<i32>} : memref<3136xi32, #tpu.memory_space<vmem>>, vector<16xi32>,
    %get3A_867 = vector.shape_cast %get3A_866 : vector<16xi32> to vector<16xi32>
    %broadcast_in_dim3A_868 = vector.shape_cast %get3A_867 : vector<16xi32> to vector<16x1xi32>
    %gather3A_869 = vector.shape_cast %broadcast_in_dim3A_868 : vector<16x1xi32> to vector<16xi32>
    %gather3A_870 = tpu.dynamic_gather %mul3A_25[%gather3A_869] in [0] : vector<16xf32>, vector<16xi32> -> vector<16xf32>
    %swap3A_871 = arith.constant 1312 : index
    %swap3A_872 = tpu.vector_load %arg7[%swap3A_871] {strides = array<i32>} : memref<3136xf32, #tpu.memory_space<vmem>>, vector<16xf32>,
    %swap3A_873 = vector.shape_cast %swap3A_872 : vector<16xf32> to vector<16xf32>
    %swap3A_874 = vector.shape_cast %gather3A_870 : vector<16xf32> to vector<16xf32>
    tpu.vector_store %arg7[%swap3A_871], %swap3A_874 {strides = array<i32>} : memref<3136xf32, #tpu.memory_space<vmem>>, vector<16xf32>,
    %get3A_875 = arith.constant 1328 : index
    %get3A_876 = tpu.vector_load %arg6[%get3A_875] {strides = array<i32>} : memref<3136xi32, #tpu.memory_space<vmem>>, vector<16xi32>,
    %get3A_877 = vector.shape_cast %get3A_876 : vector<16xi32> to vector<16xi32>
    %broadcast_in_dim3A_878 = vector.shape_cast %get3A_877 : vector<16xi32> to vector<16x1xi32>
    %gather3A_879 = vector.shape_cast %broadcast_in_dim3A_878 : vector<16x1xi32> to vector<16xi32>
    %gather3A_880 = tpu.dynamic_gather %mul3A_25[%gather3A_879] in [0] : vector<16xf32>, vector<16xi32> -> vector<16xf32>
    %swap3A_881 = arith.constant 1328 : index
    %swap3A_882 = tpu.vector_load %arg7[%swap3A_881] {strides = array<i32>} : memref<3136xf32, #tpu.memory_space<vmem>>, vector<16xf32>,
    %swap3A_883 = vector.shape_cast %swap3A_882 : vector<16xf32> to vector<16xf32>
    %swap3A_884 = vector.shape_cast %gather3A_880 : vector<16xf32> to vector<16xf32>
    tpu.vector_store %arg7[%swap3A_881], %swap3A_884 {strides = array<i32>} : memref<3136xf32, #tpu.memory_space<vmem>>, vector<16xf32>,
    %add3A_885 = arith.constant 896 : i32
    %add3A_886 = arith.addi %select_n3A, %add3A_885 : i32
    %dma_start3A_887 = arith.constant 896 : i32
    %dma_start3A_888 = tpu.memref_slice %arg7[%dma_start3A_887] : memref<3136xf32, #tpu.memory_space<vmem>> -> memref<448xf32, #tpu.memory_space<vmem>>
    %dma_start3A_889 = tpu.memref_slice %arg4[%add3A_886] : memref<50000xf32, #tpu.memory_space<hbm>> -> memref<448xf32, #tpu.memory_space<hbm>>
    %dma_start3A_890 = tpu.memref_slice %arg4[%add3A_886] : memref<50000xf32, #tpu.memory_space<hbm>> -> memref<448xf32, #tpu.memory_space<hbm>>
    %dma_start3A_891 = arith.constant 896 : i32
    %dma_start3A_892 = tpu.memref_slice %arg7[%dma_start3A_891] : memref<3136xf32, #tpu.memory_space<vmem>> -> memref<448xf32, #tpu.memory_space<vmem>>
    tpu.enqueue_dma source(%dma_start3A_892 : memref<448xf32, #tpu.memory_space<vmem>>) target(%dma_start3A_890 : memref<448xf32, #tpu.memory_space<hbm>>) target_semaphore(%arg11 : memref<!tpu.dma_semaphore, #tpu.memory_space<semaphore_mem>>)
    %dma_wait3A_893 = arith.constant 1568 : i32
    %dma_wait3A_894 = tpu.memref_slice %arg6[%dma_wait3A_893] : memref<3136xi32, #tpu.memory_space<vmem>> -> memref<1568xi32, #tpu.memory_space<vmem>>
    %dma_wait3A_895 = tpu.memref_slice %arg2[%add3A_11] : memref<50000xi32, #tpu.memory_space<hbm>> -> memref<1568xi32, #tpu.memory_space<hbm>>
    %dma_wait3A_896 = arith.constant 1568 : i32
    %dma_wait3A_897 = tpu.memref_slice %arg6[%dma_wait3A_896] : memref<3136xi32, #tpu.memory_space<vmem>> -> memref<1568xi32, #tpu.memory_space<vmem>>
    %dma_wait3A_898 = tpu.memref_slice %arg2[%add3A_11] : memref<50000xi32, #tpu.memory_space<hbm>> -> memref<1568xi32, #tpu.memory_space<hbm>>
    tpu.wait_dma2 semaphore(%arg10 : memref<!tpu.dma_semaphore, #tpu.memory_space<semaphore_mem>>) src(%dma_wait3A_898 : memref<1568xi32, #tpu.memory_space<hbm>>) dst(%dma_wait3A_897 : memref<1568xi32, #tpu.memory_space<vmem>>)
    %get3A_899 = arith.constant 1344 : index
    %get3A_900 = tpu.vector_load %arg6[%get3A_899] {strides = array<i32>} : memref<3136xi32, #tpu.memory_space<vmem>>, vector<16xi32>,
    %get3A_901 = vector.shape_cast %get3A_900 : vector<16xi32> to vector<16xi32>
    %broadcast_in_dim3A_902 = vector.shape_cast %get3A_901 : vector<16xi32> to vector<16x1xi32>
    %gather3A_903 = vector.shape_cast %broadcast_in_dim3A_902 : vector<16x1xi32> to vector<16xi32>
    %gather3A_904 = tpu.dynamic_gather %mul3A_25[%gather3A_903] in [0] : vector<16xf32>, vector<16xi32> -> vector<16xf32>
    %swap3A_905 = arith.constant 1344 : index
    %swap3A_906 = tpu.vector_load %arg7[%swap3A_905] {strides = array<i32>} : memref<3136xf32, #tpu.memory_space<vmem>>, vector<16xf32>,
    %swap3A_907 = vector.shape_cast %swap3A_906 : vector<16xf32> to vector<16xf32>
    %swap3A_908 = vector.shape_cast %gather3A_904 : vector<16xf32> to vector<16xf32>
    tpu.vector_store %arg7[%swap3A_905], %swap3A_908 {strides = array<i32>} : memref<3136xf32, #tpu.memory_space<vmem>>, vector<16xf32>,
    %get3A_909 = arith.constant 1360 : index
    %get3A_910 = tpu.vector_load %arg6[%get3A_909] {strides = array<i32>} : memref<3136xi32, #tpu.memory_space<vmem>>, vector<16xi32>,
    %get3A_911 = vector.shape_cast %get3A_910 : vector<16xi32> to vector<16xi32>
    %broadcast_in_dim3A_912 = vector.shape_cast %get3A_911 : vector<16xi32> to vector<16x1xi32>
    %gather3A_913 = vector.shape_cast %broadcast_in_dim3A_912 : vector<16x1xi32> to vector<16xi32>
    %gather3A_914 = tpu.dynamic_gather %mul3A_25[%gather3A_913] in [0] : vector<16xf32>, vector<16xi32> -> vector<16xf32>
    %swap3A_915 = arith.constant 1360 : index
    %swap3A_916 = tpu.vector_load %arg7[%swap3A_915] {strides = array<i32>} : memref<3136xf32, #tpu.memory_space<vmem>>, vector<16xf32>,
    %swap3A_917 = vector.shape_cast %swap3A_916 : vector<16xf32> to vector<16xf32>
    %swap3A_918 = vector.shape_cast %gather3A_914 : vector<16xf32> to vector<16xf32>
    tpu.vector_store %arg7[%swap3A_915], %swap3A_918 {strides = array<i32>} : memref<3136xf32, #tpu.memory_space<vmem>>, vector<16xf32>,
    %get3A_919 = arith.constant 1376 : index
    %get3A_920 = tpu.vector_load %arg6[%get3A_919] {strides = array<i32>} : memref<3136xi32, #tpu.memory_space<vmem>>, vector<16xi32>,
    %get3A_921 = vector.shape_cast %get3A_920 : vector<16xi32> to vector<16xi32>
    %broadcast_in_dim3A_922 = vector.shape_cast %get3A_921 : vector<16xi32> to vector<16x1xi32>
    %gather3A_923 = vector.shape_cast %broadcast_in_dim3A_922 : vector<16x1xi32> to vector<16xi32>
    %gather3A_924 = tpu.dynamic_gather %mul3A_25[%gather3A_923] in [0] : vector<16xf32>, vector<16xi32> -> vector<16xf32>
    %swap3A_925 = arith.constant 1376 : index
    %swap3A_926 = tpu.vector_load %arg7[%swap3A_925] {strides = array<i32>} : memref<3136xf32, #tpu.memory_space<vmem>>, vector<16xf32>,
    %swap3A_927 = vector.shape_cast %swap3A_926 : vector<16xf32> to vector<16xf32>
    %swap3A_928 = vector.shape_cast %gather3A_924 : vector<16xf32> to vector<16xf32>
    tpu.vector_store %arg7[%swap3A_925], %swap3A_928 {strides = array<i32>} : memref<3136xf32, #tpu.memory_space<vmem>>, vector<16xf32>,
    %get3A_929 = arith.constant 1392 : index
    %get3A_930 = tpu.vector_load %arg6[%get3A_929] {strides = array<i32>} : memref<3136xi32, #tpu.memory_space<vmem>>, vector<16xi32>,
    %get3A_931 = vector.shape_cast %get3A_930 : vector<16xi32> to vector<16xi32>
    %broadcast_in_dim3A_932 = vector.shape_cast %get3A_931 : vector<16xi32> to vector<16x1xi32>
    %gather3A_933 = vector.shape_cast %broadcast_in_dim3A_932 : vector<16x1xi32> to vector<16xi32>
    %gather3A_934 = tpu.dynamic_gather %mul3A_25[%gather3A_933] in [0] : vector<16xf32>, vector<16xi32> -> vector<16xf32>
    %swap3A_935 = arith.constant 1392 : index
    %swap3A_936 = tpu.vector_load %arg7[%swap3A_935] {strides = array<i32>} : memref<3136xf32, #tpu.memory_space<vmem>>, vector<16xf32>,
    %swap3A_937 = vector.shape_cast %swap3A_936 : vector<16xf32> to vector<16xf32>
    %swap3A_938 = vector.shape_cast %gather3A_934 : vector<16xf32> to vector<16xf32>
    tpu.vector_store %arg7[%swap3A_935], %swap3A_938 {strides = array<i32>} : memref<3136xf32, #tpu.memory_space<vmem>>, vector<16xf32>,
    %get3A_939 = arith.constant 1408 : index
    %get3A_940 = tpu.vector_load %arg6[%get3A_939] {strides = array<i32>} : memref<3136xi32, #tpu.memory_space<vmem>>, vector<16xi32>,
    %get3A_941 = vector.shape_cast %get3A_940 : vector<16xi32> to vector<16xi32>
    %broadcast_in_dim3A_942 = vector.shape_cast %get3A_941 : vector<16xi32> to vector<16x1xi32>
    %gather3A_943 = vector.shape_cast %broadcast_in_dim3A_942 : vector<16x1xi32> to vector<16xi32>
    %gather3A_944 = tpu.dynamic_gather %mul3A_25[%gather3A_943] in [0] : vector<16xf32>, vector<16xi32> -> vector<16xf32>
    %swap3A_945 = arith.constant 1408 : index
    %swap3A_946 = tpu.vector_load %arg7[%swap3A_945] {strides = array<i32>} : memref<3136xf32, #tpu.memory_space<vmem>>, vector<16xf32>,
    %swap3A_947 = vector.shape_cast %swap3A_946 : vector<16xf32> to vector<16xf32>
    %swap3A_948 = vector.shape_cast %gather3A_944 : vector<16xf32> to vector<16xf32>
    tpu.vector_store %arg7[%swap3A_945], %swap3A_948 {strides = array<i32>} : memref<3136xf32, #tpu.memory_space<vmem>>, vector<16xf32>,
    %get3A_949 = arith.constant 1424 : index
    %get3A_950 = tpu.vector_load %arg6[%get3A_949] {strides = array<i32>} : memref<3136xi32, #tpu.memory_space<vmem>>, vector<16xi32>,
    %get3A_951 = vector.shape_cast %get3A_950 : vector<16xi32> to vector<16xi32>
    %broadcast_in_dim3A_952 = vector.shape_cast %get3A_951 : vector<16xi32> to vector<16x1xi32>
    %gather3A_953 = vector.shape_cast %broadcast_in_dim3A_952 : vector<16x1xi32> to vector<16xi32>
    %gather3A_954 = tpu.dynamic_gather %mul3A_25[%gather3A_953] in [0] : vector<16xf32>, vector<16xi32> -> vector<16xf32>
    %swap3A_955 = arith.constant 1424 : index
    %swap3A_956 = tpu.vector_load %arg7[%swap3A_955] {strides = array<i32>} : memref<3136xf32, #tpu.memory_space<vmem>>, vector<16xf32>,
    %swap3A_957 = vector.shape_cast %swap3A_956 : vector<16xf32> to vector<16xf32>
    %swap3A_958 = vector.shape_cast %gather3A_954 : vector<16xf32> to vector<16xf32>
    tpu.vector_store %arg7[%swap3A_955], %swap3A_958 {strides = array<i32>} : memref<3136xf32, #tpu.memory_space<vmem>>, vector<16xf32>,
    %get3A_959 = arith.constant 1440 : index
    %get3A_960 = tpu.vector_load %arg6[%get3A_959] {strides = array<i32>} : memref<3136xi32, #tpu.memory_space<vmem>>, vector<16xi32>,
    %get3A_961 = vector.shape_cast %get3A_960 : vector<16xi32> to vector<16xi32>
    %broadcast_in_dim3A_962 = vector.shape_cast %get3A_961 : vector<16xi32> to vector<16x1xi32>
    %gather3A_963 = vector.shape_cast %broadcast_in_dim3A_962 : vector<16x1xi32> to vector<16xi32>
    %gather3A_964 = tpu.dynamic_gather %mul3A_25[%gather3A_963] in [0] : vector<16xf32>, vector<16xi32> -> vector<16xf32>
    %swap3A_965 = arith.constant 1440 : index
    %swap3A_966 = tpu.vector_load %arg7[%swap3A_965] {strides = array<i32>} : memref<3136xf32, #tpu.memory_space<vmem>>, vector<16xf32>,
    %swap3A_967 = vector.shape_cast %swap3A_966 : vector<16xf32> to vector<16xf32>
    %swap3A_968 = vector.shape_cast %gather3A_964 : vector<16xf32> to vector<16xf32>
    tpu.vector_store %arg7[%swap3A_965], %swap3A_968 {strides = array<i32>} : memref<3136xf32, #tpu.memory_space<vmem>>, vector<16xf32>,
    %get3A_969 = arith.constant 1456 : index
    %get3A_970 = tpu.vector_load %arg6[%get3A_969] {strides = array<i32>} : memref<3136xi32, #tpu.memory_space<vmem>>, vector<16xi32>,
    %get3A_971 = vector.shape_cast %get3A_970 : vector<16xi32> to vector<16xi32>
    %broadcast_in_dim3A_972 = vector.shape_cast %get3A_971 : vector<16xi32> to vector<16x1xi32>
    %gather3A_973 = vector.shape_cast %broadcast_in_dim3A_972 : vector<16x1xi32> to vector<16xi32>
    %gather3A_974 = tpu.dynamic_gather %mul3A_25[%gather3A_973] in [0] : vector<16xf32>, vector<16xi32> -> vector<16xf32>
    %swap3A_975 = arith.constant 1456 : index
    %swap3A_976 = tpu.vector_load %arg7[%swap3A_975] {strides = array<i32>} : memref<3136xf32, #tpu.memory_space<vmem>>, vector<16xf32>,
    %swap3A_977 = vector.shape_cast %swap3A_976 : vector<16xf32> to vector<16xf32>
    %swap3A_978 = vector.shape_cast %gather3A_974 : vector<16xf32> to vector<16xf32>
    tpu.vector_store %arg7[%swap3A_975], %swap3A_978 {strides = array<i32>} : memref<3136xf32, #tpu.memory_space<vmem>>, vector<16xf32>,
    %get3A_979 = arith.constant 1472 : index
    %get3A_980 = tpu.vector_load %arg6[%get3A_979] {strides = array<i32>} : memref<3136xi32, #tpu.memory_space<vmem>>, vector<16xi32>,
    %get3A_981 = vector.shape_cast %get3A_980 : vector<16xi32> to vector<16xi32>
    %broadcast_in_dim3A_982 = vector.shape_cast %get3A_981 : vector<16xi32> to vector<16x1xi32>
    %gather3A_983 = vector.shape_cast %broadcast_in_dim3A_982 : vector<16x1xi32> to vector<16xi32>
    %gather3A_984 = tpu.dynamic_gather %mul3A_25[%gather3A_983] in [0] : vector<16xf32>, vector<16xi32> -> vector<16xf32>
    %swap3A_985 = arith.constant 1472 : index
    %swap3A_986 = tpu.vector_load %arg7[%swap3A_985] {strides = array<i32>} : memref<3136xf32, #tpu.memory_space<vmem>>, vector<16xf32>,
    %swap3A_987 = vector.shape_cast %swap3A_986 : vector<16xf32> to vector<16xf32>
    %swap3A_988 = vector.shape_cast %gather3A_984 : vector<16xf32> to vector<16xf32>
    tpu.vector_store %arg7[%swap3A_985], %swap3A_988 {strides = array<i32>} : memref<3136xf32, #tpu.memory_space<vmem>>, vector<16xf32>,
    %get3A_989 = arith.constant 1488 : index
    %get3A_990 = tpu.vector_load %arg6[%get3A_989] {strides = array<i32>} : memref<3136xi32, #tpu.memory_space<vmem>>, vector<16xi32>,
    %get3A_991 = vector.shape_cast %get3A_990 : vector<16xi32> to vector<16xi32>
    %broadcast_in_dim3A_992 = vector.shape_cast %get3A_991 : vector<16xi32> to vector<16x1xi32>
    %gather3A_993 = vector.shape_cast %broadcast_in_dim3A_992 : vector<16x1xi32> to vector<16xi32>
    %gather3A_994 = tpu.dynamic_gather %mul3A_25[%gather3A_993] in [0] : vector<16xf32>, vector<16xi32> -> vector<16xf32>
    %swap3A_995 = arith.constant 1488 : index
    %swap3A_996 = tpu.vector_load %arg7[%swap3A_995] {strides = array<i32>} : memref<3136xf32, #tpu.memory_space<vmem>>, vector<16xf32>,
    %swap3A_997 = vector.shape_cast %swap3A_996 : vector<16xf32> to vector<16xf32>
    %swap3A_998 = vector.shape_cast %gather3A_994 : vector<16xf32> to vector<16xf32>
    tpu.vector_store %arg7[%swap3A_995], %swap3A_998 {strides = array<i32>} : memref<3136xf32, #tpu.memory_space<vmem>>, vector<16xf32>,
    %get3A_999 = arith.constant 1504 : index
    %get3A_1000 = tpu.vector_load %arg6[%get3A_999] {strides = array<i32>} : memref<3136xi32, #tpu.memory_space<vmem>>, vector<16xi32>,
    %get3A_1001 = vector.shape_cast %get3A_1000 : vector<16xi32> to vector<16xi32>
    %broadcast_in_dim3A_1002 = vector.shape_cast %get3A_1001 : vector<16xi32> to vector<16x1xi32>
    %gather3A_1003 = vector.shape_cast %broadcast_in_dim3A_1002 : vector<16x1xi32> to vector<16xi32>
    %gather3A_1004 = tpu.dynamic_gather %mul3A_25[%gather3A_1003] in [0] : vector<16xf32>, vector<16xi32> -> vector<16xf32>
    %swap3A_1005 = arith.constant 1504 : index
    %swap3A_1006 = tpu.vector_load %arg7[%swap3A_1005] {strides = array<i32>} : memref<3136xf32, #tpu.memory_space<vmem>>, vector<16xf32>,
    %swap3A_1007 = vector.shape_cast %swap3A_1006 : vector<16xf32> to vector<16xf32>
    %swap3A_1008 = vector.shape_cast %gather3A_1004 : vector<16xf32> to vector<16xf32>
    tpu.vector_store %arg7[%swap3A_1005], %swap3A_1008 {strides = array<i32>} : memref<3136xf32, #tpu.memory_space<vmem>>, vector<16xf32>,
    %get3A_1009 = arith.constant 1520 : index
    %get3A_1010 = tpu.vector_load %arg6[%get3A_1009] {strides = array<i32>} : memref<3136xi32, #tpu.memory_space<vmem>>, vector<16xi32>,
    %get3A_1011 = vector.shape_cast %get3A_1010 : vector<16xi32> to vector<16xi32>
    %broadcast_in_dim3A_1012 = vector.shape_cast %get3A_1011 : vector<16xi32> to vector<16x1xi32>
    %gather3A_1013 = vector.shape_cast %broadcast_in_dim3A_1012 : vector<16x1xi32> to vector<16xi32>
    %gather3A_1014 = tpu.dynamic_gather %mul3A_25[%gather3A_1013] in [0] : vector<16xf32>, vector<16xi32> -> vector<16xf32>
    %swap3A_1015 = arith.constant 1520 : index
    %swap3A_1016 = tpu.vector_load %arg7[%swap3A_1015] {strides = array<i32>} : memref<3136xf32, #tpu.memory_space<vmem>>, vector<16xf32>,
    %swap3A_1017 = vector.shape_cast %swap3A_1016 : vector<16xf32> to vector<16xf32>
    %swap3A_1018 = vector.shape_cast %gather3A_1014 : vector<16xf32> to vector<16xf32>
    tpu.vector_store %arg7[%swap3A_1015], %swap3A_1018 {strides = array<i32>} : memref<3136xf32, #tpu.memory_space<vmem>>, vector<16xf32>,
    %get3A_1019 = arith.constant 1536 : index
    %get3A_1020 = tpu.vector_load %arg6[%get3A_1019] {strides = array<i32>} : memref<3136xi32, #tpu.memory_space<vmem>>, vector<16xi32>,
    %get3A_1021 = vector.shape_cast %get3A_1020 : vector<16xi32> to vector<16xi32>
    %broadcast_in_dim3A_1022 = vector.shape_cast %get3A_1021 : vector<16xi32> to vector<16x1xi32>
    %gather3A_1023 = vector.shape_cast %broadcast_in_dim3A_1022 : vector<16x1xi32> to vector<16xi32>
    %gather3A_1024 = tpu.dynamic_gather %mul3A_25[%gather3A_1023] in [0] : vector<16xf32>, vector<16xi32> -> vector<16xf32>
    %swap3A_1025 = arith.constant 1536 : index
    %swap3A_1026 = tpu.vector_load %arg7[%swap3A_1025] {strides = array<i32>} : memref<3136xf32, #tpu.memory_space<vmem>>, vector<16xf32>,
    %swap3A_1027 = vector.shape_cast %swap3A_1026 : vector<16xf32> to vector<16xf32>
    %swap3A_1028 = vector.shape_cast %gather3A_1024 : vector<16xf32> to vector<16xf32>
    tpu.vector_store %arg7[%swap3A_1025], %swap3A_1028 {strides = array<i32>} : memref<3136xf32, #tpu.memory_space<vmem>>, vector<16xf32>,
    %get3A_1029 = arith.constant 1552 : index
    %get3A_1030 = tpu.vector_load %arg6[%get3A_1029] {strides = array<i32>} : memref<3136xi32, #tpu.memory_space<vmem>>, vector<16xi32>,
    %get3A_1031 = vector.shape_cast %get3A_1030 : vector<16xi32> to vector<16xi32>
    %broadcast_in_dim3A_1032 = vector.shape_cast %get3A_1031 : vector<16xi32> to vector<16x1xi32>
    %gather3A_1033 = vector.shape_cast %broadcast_in_dim3A_1032 : vector<16x1xi32> to vector<16xi32>
    %gather3A_1034 = tpu.dynamic_gather %mul3A_25[%gather3A_1033] in [0] : vector<16xf32>, vector<16xi32> -> vector<16xf32>
    %swap3A_1035 = arith.constant 1552 : index
    %swap3A_1036 = tpu.vector_load %arg7[%swap3A_1035] {strides = array<i32>} : memref<3136xf32, #tpu.memory_space<vmem>>, vector<16xf32>,
    %swap3A_1037 = vector.shape_cast %swap3A_1036 : vector<16xf32> to vector<16xf32>
    %swap3A_1038 = vector.shape_cast %gather3A_1034 : vector<16xf32> to vector<16xf32>
    tpu.vector_store %arg7[%swap3A_1035], %swap3A_1038 {strides = array<i32>} : memref<3136xf32, #tpu.memory_space<vmem>>, vector<16xf32>,
    %get3A_1039 = arith.constant 1568 : index
    %get3A_1040 = tpu.vector_load %arg6[%get3A_1039] {strides = array<i32>} : memref<3136xi32, #tpu.memory_space<vmem>>, vector<16xi32>,
    %get3A_1041 = vector.shape_cast %get3A_1040 : vector<16xi32> to vector<16xi32>
    %broadcast_in_dim3A_1042 = vector.shape_cast %get3A_1041 : vector<16xi32> to vector<16x1xi32>
    %gather3A_1043 = vector.shape_cast %broadcast_in_dim3A_1042 : vector<16x1xi32> to vector<16xi32>
    %gather3A_1044 = tpu.dynamic_gather %mul3A_25[%gather3A_1043] in [0] : vector<16xf32>, vector<16xi32> -> vector<16xf32>
    %swap3A_1045 = arith.constant 1568 : index
    %swap3A_1046 = tpu.vector_load %arg7[%swap3A_1045] {strides = array<i32>} : memref<3136xf32, #tpu.memory_space<vmem>>, vector<16xf32>,
    %swap3A_1047 = vector.shape_cast %swap3A_1046 : vector<16xf32> to vector<16xf32>
    %swap3A_1048 = vector.shape_cast %gather3A_1044 : vector<16xf32> to vector<16xf32>
    tpu.vector_store %arg7[%swap3A_1045], %swap3A_1048 {strides = array<i32>} : memref<3136xf32, #tpu.memory_space<vmem>>, vector<16xf32>,
    %get3A_1049 = arith.constant 1584 : index
    %get3A_1050 = tpu.vector_load %arg6[%get3A_1049] {strides = array<i32>} : memref<3136xi32, #tpu.memory_space<vmem>>, vector<16xi32>,
    %get3A_1051 = vector.shape_cast %get3A_1050 : vector<16xi32> to vector<16xi32>
    %broadcast_in_dim3A_1052 = vector.shape_cast %get3A_1051 : vector<16xi32> to vector<16x1xi32>
    %gather3A_1053 = vector.shape_cast %broadcast_in_dim3A_1052 : vector<16x1xi32> to vector<16xi32>
    %gather3A_1054 = tpu.dynamic_gather %mul3A_25[%gather3A_1053] in [0] : vector<16xf32>, vector<16xi32> -> vector<16xf32>
    %swap3A_1055 = arith.constant 1584 : index
    %swap3A_1056 = tpu.vector_load %arg7[%swap3A_1055] {strides = array<i32>} : memref<3136xf32, #tpu.memory_space<vmem>>, vector<16xf32>,
    %swap3A_1057 = vector.shape_cast %swap3A_1056 : vector<16xf32> to vector<16xf32>
    %swap3A_1058 = vector.shape_cast %gather3A_1054 : vector<16xf32> to vector<16xf32>
    tpu.vector_store %arg7[%swap3A_1055], %swap3A_1058 {strides = array<i32>} : memref<3136xf32, #tpu.memory_space<vmem>>, vector<16xf32>,
    %get3A_1059 = arith.constant 1600 : index
    %get3A_1060 = tpu.vector_load %arg6[%get3A_1059] {strides = array<i32>} : memref<3136xi32, #tpu.memory_space<vmem>>, vector<16xi32>,
    %get3A_1061 = vector.shape_cast %get3A_1060 : vector<16xi32> to vector<16xi32>
    %broadcast_in_dim3A_1062 = vector.shape_cast %get3A_1061 : vector<16xi32> to vector<16x1xi32>
    %gather3A_1063 = vector.shape_cast %broadcast_in_dim3A_1062 : vector<16x1xi32> to vector<16xi32>
    %gather3A_1064 = tpu.dynamic_gather %mul3A_25[%gather3A_1063] in [0] : vector<16xf32>, vector<16xi32> -> vector<16xf32>
    %swap3A_1065 = arith.constant 1600 : index
    %swap3A_1066 = tpu.vector_load %arg7[%swap3A_1065] {strides = array<i32>} : memref<3136xf32, #tpu.memory_space<vmem>>, vector<16xf32>,
    %swap3A_1067 = vector.shape_cast %swap3A_1066 : vector<16xf32> to vector<16xf32>
    %swap3A_1068 = vector.shape_cast %gather3A_1064 : vector<16xf32> to vector<16xf32>
    tpu.vector_store %arg7[%swap3A_1065], %swap3A_1068 {strides = array<i32>} : memref<3136xf32, #tpu.memory_space<vmem>>, vector<16xf32>,
    %get3A_1069 = arith.constant 1616 : index
    %get3A_1070 = tpu.vector_load %arg6[%get3A_1069] {strides = array<i32>} : memref<3136xi32, #tpu.memory_space<vmem>>, vector<16xi32>,
    %get3A_1071 = vector.shape_cast %get3A_1070 : vector<16xi32> to vector<16xi32>
    %broadcast_in_dim3A_1072 = vector.shape_cast %get3A_1071 : vector<16xi32> to vector<16x1xi32>
    %gather3A_1073 = vector.shape_cast %broadcast_in_dim3A_1072 : vector<16x1xi32> to vector<16xi32>
    %gather3A_1074 = tpu.dynamic_gather %mul3A_25[%gather3A_1073] in [0] : vector<16xf32>, vector<16xi32> -> vector<16xf32>
    %swap3A_1075 = arith.constant 1616 : index
    %swap3A_1076 = tpu.vector_load %arg7[%swap3A_1075] {strides = array<i32>} : memref<3136xf32, #tpu.memory_space<vmem>>, vector<16xf32>,
    %swap3A_1077 = vector.shape_cast %swap3A_1076 : vector<16xf32> to vector<16xf32>
    %swap3A_1078 = vector.shape_cast %gather3A_1074 : vector<16xf32> to vector<16xf32>
    tpu.vector_store %arg7[%swap3A_1075], %swap3A_1078 {strides = array<i32>} : memref<3136xf32, #tpu.memory_space<vmem>>, vector<16xf32>,
    %get3A_1079 = arith.constant 1632 : index
    %get3A_1080 = tpu.vector_load %arg6[%get3A_1079] {strides = array<i32>} : memref<3136xi32, #tpu.memory_space<vmem>>, vector<16xi32>,
    %get3A_1081 = vector.shape_cast %get3A_1080 : vector<16xi32> to vector<16xi32>
    %broadcast_in_dim3A_1082 = vector.shape_cast %get3A_1081 : vector<16xi32> to vector<16x1xi32>
    %gather3A_1083 = vector.shape_cast %broadcast_in_dim3A_1082 : vector<16x1xi32> to vector<16xi32>
    %gather3A_1084 = tpu.dynamic_gather %mul3A_25[%gather3A_1083] in [0] : vector<16xf32>, vector<16xi32> -> vector<16xf32>
    %swap3A_1085 = arith.constant 1632 : index
    %swap3A_1086 = tpu.vector_load %arg7[%swap3A_1085] {strides = array<i32>} : memref<3136xf32, #tpu.memory_space<vmem>>, vector<16xf32>,
    %swap3A_1087 = vector.shape_cast %swap3A_1086 : vector<16xf32> to vector<16xf32>
    %swap3A_1088 = vector.shape_cast %gather3A_1084 : vector<16xf32> to vector<16xf32>
    tpu.vector_store %arg7[%swap3A_1085], %swap3A_1088 {strides = array<i32>} : memref<3136xf32, #tpu.memory_space<vmem>>, vector<16xf32>,
    %get3A_1089 = arith.constant 1648 : index
    %get3A_1090 = tpu.vector_load %arg6[%get3A_1089] {strides = array<i32>} : memref<3136xi32, #tpu.memory_space<vmem>>, vector<16xi32>,
    %get3A_1091 = vector.shape_cast %get3A_1090 : vector<16xi32> to vector<16xi32>
    %broadcast_in_dim3A_1092 = vector.shape_cast %get3A_1091 : vector<16xi32> to vector<16x1xi32>
    %gather3A_1093 = vector.shape_cast %broadcast_in_dim3A_1092 : vector<16x1xi32> to vector<16xi32>
    %gather3A_1094 = tpu.dynamic_gather %mul3A_25[%gather3A_1093] in [0] : vector<16xf32>, vector<16xi32> -> vector<16xf32>
    %swap3A_1095 = arith.constant 1648 : index
    %swap3A_1096 = tpu.vector_load %arg7[%swap3A_1095] {strides = array<i32>} : memref<3136xf32, #tpu.memory_space<vmem>>, vector<16xf32>,
    %swap3A_1097 = vector.shape_cast %swap3A_1096 : vector<16xf32> to vector<16xf32>
    %swap3A_1098 = vector.shape_cast %gather3A_1094 : vector<16xf32> to vector<16xf32>
    tpu.vector_store %arg7[%swap3A_1095], %swap3A_1098 {strides = array<i32>} : memref<3136xf32, #tpu.memory_space<vmem>>, vector<16xf32>,
    %get3A_1099 = arith.constant 1664 : index
    %get3A_1100 = tpu.vector_load %arg6[%get3A_1099] {strides = array<i32>} : memref<3136xi32, #tpu.memory_space<vmem>>, vector<16xi32>,
    %get3A_1101 = vector.shape_cast %get3A_1100 : vector<16xi32> to vector<16xi32>
    %broadcast_in_dim3A_1102 = vector.shape_cast %get3A_1101 : vector<16xi32> to vector<16x1xi32>
    %gather3A_1103 = vector.shape_cast %broadcast_in_dim3A_1102 : vector<16x1xi32> to vector<16xi32>
    %gather3A_1104 = tpu.dynamic_gather %mul3A_25[%gather3A_1103] in [0] : vector<16xf32>, vector<16xi32> -> vector<16xf32>
    %swap3A_1105 = arith.constant 1664 : index
    %swap3A_1106 = tpu.vector_load %arg7[%swap3A_1105] {strides = array<i32>} : memref<3136xf32, #tpu.memory_space<vmem>>, vector<16xf32>,
    %swap3A_1107 = vector.shape_cast %swap3A_1106 : vector<16xf32> to vector<16xf32>
    %swap3A_1108 = vector.shape_cast %gather3A_1104 : vector<16xf32> to vector<16xf32>
    tpu.vector_store %arg7[%swap3A_1105], %swap3A_1108 {strides = array<i32>} : memref<3136xf32, #tpu.memory_space<vmem>>, vector<16xf32>,
    %get3A_1109 = arith.constant 1680 : index
    %get3A_1110 = tpu.vector_load %arg6[%get3A_1109] {strides = array<i32>} : memref<3136xi32, #tpu.memory_space<vmem>>, vector<16xi32>,
    %get3A_1111 = vector.shape_cast %get3A_1110 : vector<16xi32> to vector<16xi32>
    %broadcast_in_dim3A_1112 = vector.shape_cast %get3A_1111 : vector<16xi32> to vector<16x1xi32>
    %gather3A_1113 = vector.shape_cast %broadcast_in_dim3A_1112 : vector<16x1xi32> to vector<16xi32>
    %gather3A_1114 = tpu.dynamic_gather %mul3A_25[%gather3A_1113] in [0] : vector<16xf32>, vector<16xi32> -> vector<16xf32>
    %swap3A_1115 = arith.constant 1680 : index
    %swap3A_1116 = tpu.vector_load %arg7[%swap3A_1115] {strides = array<i32>} : memref<3136xf32, #tpu.memory_space<vmem>>, vector<16xf32>,
    %swap3A_1117 = vector.shape_cast %swap3A_1116 : vector<16xf32> to vector<16xf32>
    %swap3A_1118 = vector.shape_cast %gather3A_1114 : vector<16xf32> to vector<16xf32>
    tpu.vector_store %arg7[%swap3A_1115], %swap3A_1118 {strides = array<i32>} : memref<3136xf32, #tpu.memory_space<vmem>>, vector<16xf32>,
    %get3A_1119 = arith.constant 1696 : index
    %get3A_1120 = tpu.vector_load %arg6[%get3A_1119] {strides = array<i32>} : memref<3136xi32, #tpu.memory_space<vmem>>, vector<16xi32>,
    %get3A_1121 = vector.shape_cast %get3A_1120 : vector<16xi32> to vector<16xi32>
    %broadcast_in_dim3A_1122 = vector.shape_cast %get3A_1121 : vector<16xi32> to vector<16x1xi32>
    %gather3A_1123 = vector.shape_cast %broadcast_in_dim3A_1122 : vector<16x1xi32> to vector<16xi32>
    %gather3A_1124 = tpu.dynamic_gather %mul3A_25[%gather3A_1123] in [0] : vector<16xf32>, vector<16xi32> -> vector<16xf32>
    %swap3A_1125 = arith.constant 1696 : index
    %swap3A_1126 = tpu.vector_load %arg7[%swap3A_1125] {strides = array<i32>} : memref<3136xf32, #tpu.memory_space<vmem>>, vector<16xf32>,
    %swap3A_1127 = vector.shape_cast %swap3A_1126 : vector<16xf32> to vector<16xf32>
    %swap3A_1128 = vector.shape_cast %gather3A_1124 : vector<16xf32> to vector<16xf32>
    tpu.vector_store %arg7[%swap3A_1125], %swap3A_1128 {strides = array<i32>} : memref<3136xf32, #tpu.memory_space<vmem>>, vector<16xf32>,
    %get3A_1129 = arith.constant 1712 : index
    %get3A_1130 = tpu.vector_load %arg6[%get3A_1129] {strides = array<i32>} : memref<3136xi32, #tpu.memory_space<vmem>>, vector<16xi32>,
    %get3A_1131 = vector.shape_cast %get3A_1130 : vector<16xi32> to vector<16xi32>
    %broadcast_in_dim3A_1132 = vector.shape_cast %get3A_1131 : vector<16xi32> to vector<16x1xi32>
    %gather3A_1133 = vector.shape_cast %broadcast_in_dim3A_1132 : vector<16x1xi32> to vector<16xi32>
    %gather3A_1134 = tpu.dynamic_gather %mul3A_25[%gather3A_1133] in [0] : vector<16xf32>, vector<16xi32> -> vector<16xf32>
    %swap3A_1135 = arith.constant 1712 : index
    %swap3A_1136 = tpu.vector_load %arg7[%swap3A_1135] {strides = array<i32>} : memref<3136xf32, #tpu.memory_space<vmem>>, vector<16xf32>,
    %swap3A_1137 = vector.shape_cast %swap3A_1136 : vector<16xf32> to vector<16xf32>
    %swap3A_1138 = vector.shape_cast %gather3A_1134 : vector<16xf32> to vector<16xf32>
    tpu.vector_store %arg7[%swap3A_1135], %swap3A_1138 {strides = array<i32>} : memref<3136xf32, #tpu.memory_space<vmem>>, vector<16xf32>,
    %get3A_1139 = arith.constant 1728 : index
    %get3A_1140 = tpu.vector_load %arg6[%get3A_1139] {strides = array<i32>} : memref<3136xi32, #tpu.memory_space<vmem>>, vector<16xi32>,
    %get3A_1141 = vector.shape_cast %get3A_1140 : vector<16xi32> to vector<16xi32>
    %broadcast_in_dim3A_1142 = vector.shape_cast %get3A_1141 : vector<16xi32> to vector<16x1xi32>
    %gather3A_1143 = vector.shape_cast %broadcast_in_dim3A_1142 : vector<16x1xi32> to vector<16xi32>
    %gather3A_1144 = tpu.dynamic_gather %mul3A_25[%gather3A_1143] in [0] : vector<16xf32>, vector<16xi32> -> vector<16xf32>
    %swap3A_1145 = arith.constant 1728 : index
    %swap3A_1146 = tpu.vector_load %arg7[%swap3A_1145] {strides = array<i32>} : memref<3136xf32, #tpu.memory_space<vmem>>, vector<16xf32>,
    %swap3A_1147 = vector.shape_cast %swap3A_1146 : vector<16xf32> to vector<16xf32>
    %swap3A_1148 = vector.shape_cast %gather3A_1144 : vector<16xf32> to vector<16xf32>
    tpu.vector_store %arg7[%swap3A_1145], %swap3A_1148 {strides = array<i32>} : memref<3136xf32, #tpu.memory_space<vmem>>, vector<16xf32>,
    %get3A_1149 = arith.constant 1744 : index
    %get3A_1150 = tpu.vector_load %arg6[%get3A_1149] {strides = array<i32>} : memref<3136xi32, #tpu.memory_space<vmem>>, vector<16xi32>,
    %get3A_1151 = vector.shape_cast %get3A_1150 : vector<16xi32> to vector<16xi32>
    %broadcast_in_dim3A_1152 = vector.shape_cast %get3A_1151 : vector<16xi32> to vector<16x1xi32>
    %gather3A_1153 = vector.shape_cast %broadcast_in_dim3A_1152 : vector<16x1xi32> to vector<16xi32>
    %gather3A_1154 = tpu.dynamic_gather %mul3A_25[%gather3A_1153] in [0] : vector<16xf32>, vector<16xi32> -> vector<16xf32>
    %swap3A_1155 = arith.constant 1744 : index
    %swap3A_1156 = tpu.vector_load %arg7[%swap3A_1155] {strides = array<i32>} : memref<3136xf32, #tpu.memory_space<vmem>>, vector<16xf32>,
    %swap3A_1157 = vector.shape_cast %swap3A_1156 : vector<16xf32> to vector<16xf32>
    %swap3A_1158 = vector.shape_cast %gather3A_1154 : vector<16xf32> to vector<16xf32>
    tpu.vector_store %arg7[%swap3A_1155], %swap3A_1158 {strides = array<i32>} : memref<3136xf32, #tpu.memory_space<vmem>>, vector<16xf32>,
    %get3A_1159 = arith.constant 1760 : index
    %get3A_1160 = tpu.vector_load %arg6[%get3A_1159] {strides = array<i32>} : memref<3136xi32, #tpu.memory_space<vmem>>, vector<16xi32>,
    %get3A_1161 = vector.shape_cast %get3A_1160 : vector<16xi32> to vector<16xi32>
    %broadcast_in_dim3A_1162 = vector.shape_cast %get3A_1161 : vector<16xi32> to vector<16x1xi32>
    %gather3A_1163 = vector.shape_cast %broadcast_in_dim3A_1162 : vector<16x1xi32> to vector<16xi32>
    %gather3A_1164 = tpu.dynamic_gather %mul3A_25[%gather3A_1163] in [0] : vector<16xf32>, vector<16xi32> -> vector<16xf32>
    %swap3A_1165 = arith.constant 1760 : index
    %swap3A_1166 = tpu.vector_load %arg7[%swap3A_1165] {strides = array<i32>} : memref<3136xf32, #tpu.memory_space<vmem>>, vector<16xf32>,
    %swap3A_1167 = vector.shape_cast %swap3A_1166 : vector<16xf32> to vector<16xf32>
    %swap3A_1168 = vector.shape_cast %gather3A_1164 : vector<16xf32> to vector<16xf32>
    tpu.vector_store %arg7[%swap3A_1165], %swap3A_1168 {strides = array<i32>} : memref<3136xf32, #tpu.memory_space<vmem>>, vector<16xf32>,
    %get3A_1169 = arith.constant 1776 : index
    %get3A_1170 = tpu.vector_load %arg6[%get3A_1169] {strides = array<i32>} : memref<3136xi32, #tpu.memory_space<vmem>>, vector<16xi32>,
    %get3A_1171 = vector.shape_cast %get3A_1170 : vector<16xi32> to vector<16xi32>
    %broadcast_in_dim3A_1172 = vector.shape_cast %get3A_1171 : vector<16xi32> to vector<16x1xi32>
    %gather3A_1173 = vector.shape_cast %broadcast_in_dim3A_1172 : vector<16x1xi32> to vector<16xi32>
    %gather3A_1174 = tpu.dynamic_gather %mul3A_25[%gather3A_1173] in [0] : vector<16xf32>, vector<16xi32> -> vector<16xf32>
    %swap3A_1175 = arith.constant 1776 : index
    %swap3A_1176 = tpu.vector_load %arg7[%swap3A_1175] {strides = array<i32>} : memref<3136xf32, #tpu.memory_space<vmem>>, vector<16xf32>,
    %swap3A_1177 = vector.shape_cast %swap3A_1176 : vector<16xf32> to vector<16xf32>
    %swap3A_1178 = vector.shape_cast %gather3A_1174 : vector<16xf32> to vector<16xf32>
    tpu.vector_store %arg7[%swap3A_1175], %swap3A_1178 {strides = array<i32>} : memref<3136xf32, #tpu.memory_space<vmem>>, vector<16xf32>,
    %add3A_1179 = arith.constant 1344 : i32
    %add3A_1180 = arith.addi %select_n3A, %add3A_1179 : i32
    %dma_start3A_1181 = arith.constant 1344 : i32
    %dma_start3A_1182 = tpu.memref_slice %arg7[%dma_start3A_1181] : memref<3136xf32, #tpu.memory_space<vmem>> -> memref<448xf32, #tpu.memory_space<vmem>>
    %dma_start3A_1183 = tpu.memref_slice %arg4[%add3A_1180] : memref<50000xf32, #tpu.memory_space<hbm>> -> memref<448xf32, #tpu.memory_space<hbm>>
    %dma_start3A_1184 = tpu.memref_slice %arg4[%add3A_1180] : memref<50000xf32, #tpu.memory_space<hbm>> -> memref<448xf32, #tpu.memory_space<hbm>>
    %dma_start3A_1185 = arith.constant 1344 : i32
    %dma_start3A_1186 = tpu.memref_slice %arg7[%dma_start3A_1185] : memref<3136xf32, #tpu.memory_space<vmem>> -> memref<448xf32, #tpu.memory_space<vmem>>
    tpu.enqueue_dma source(%dma_start3A_1186 : memref<448xf32, #tpu.memory_space<vmem>>) target(%dma_start3A_1184 : memref<448xf32, #tpu.memory_space<hbm>>) target_semaphore(%arg11 : memref<!tpu.dma_semaphore, #tpu.memory_space<semaphore_mem>>)
    %get3A_1187 = arith.constant 1792 : index
    %get3A_1188 = tpu.vector_load %arg6[%get3A_1187] {strides = array<i32>} : memref<3136xi32, #tpu.memory_space<vmem>>, vector<16xi32>,
    %get3A_1189 = vector.shape_cast %get3A_1188 : vector<16xi32> to vector<16xi32>
    %broadcast_in_dim3A_1190 = vector.shape_cast %get3A_1189 : vector<16xi32> to vector<16x1xi32>
    %gather3A_1191 = vector.shape_cast %broadcast_in_dim3A_1190 : vector<16x1xi32> to vector<16xi32>
    %gather3A_1192 = tpu.dynamic_gather %mul3A_25[%gather3A_1191] in [0] : vector<16xf32>, vector<16xi32> -> vector<16xf32>
    %swap3A_1193 = arith.constant 1792 : index
    %swap3A_1194 = tpu.vector_load %arg7[%swap3A_1193] {strides = array<i32>} : memref<3136xf32, #tpu.memory_space<vmem>>, vector<16xf32>,
    %swap3A_1195 = vector.shape_cast %swap3A_1194 : vector<16xf32> to vector<16xf32>
    %swap3A_1196 = vector.shape_cast %gather3A_1192 : vector<16xf32> to vector<16xf32>
    tpu.vector_store %arg7[%swap3A_1193], %swap3A_1196 {strides = array<i32>} : memref<3136xf32, #tpu.memory_space<vmem>>, vector<16xf32>,
    %get3A_1197 = arith.constant 1808 : index
    %get3A_1198 = tpu.vector_load %arg6[%get3A_1197] {strides = array<i32>} : memref<3136xi32, #tpu.memory_space<vmem>>, vector<16xi32>,
    %get3A_1199 = vector.shape_cast %get3A_1198 : vector<16xi32> to vector<16xi32>
    %broadcast_in_dim3A_1200 = vector.shape_cast %get3A_1199 : vector<16xi32> to vector<16x1xi32>
    %gather3A_1201 = vector.shape_cast %broadcast_in_dim3A_1200 : vector<16x1xi32> to vector<16xi32>
    %gather3A_1202 = tpu.dynamic_gather %mul3A_25[%gather3A_1201] in [0] : vector<16xf32>, vector<16xi32> -> vector<16xf32>
    %swap3A_1203 = arith.constant 1808 : index
    %swap3A_1204 = tpu.vector_load %arg7[%swap3A_1203] {strides = array<i32>} : memref<3136xf32, #tpu.memory_space<vmem>>, vector<16xf32>,
    %swap3A_1205 = vector.shape_cast %swap3A_1204 : vector<16xf32> to vector<16xf32>
    %swap3A_1206 = vector.shape_cast %gather3A_1202 : vector<16xf32> to vector<16xf32>
    tpu.vector_store %arg7[%swap3A_1203], %swap3A_1206 {strides = array<i32>} : memref<3136xf32, #tpu.memory_space<vmem>>, vector<16xf32>,
    %get3A_1207 = arith.constant 1824 : index
    %get3A_1208 = tpu.vector_load %arg6[%get3A_1207] {strides = array<i32>} : memref<3136xi32, #tpu.memory_space<vmem>>, vector<16xi32>,
    %get3A_1209 = vector.shape_cast %get3A_1208 : vector<16xi32> to vector<16xi32>
    %broadcast_in_dim3A_1210 = vector.shape_cast %get3A_1209 : vector<16xi32> to vector<16x1xi32>
    %gather3A_1211 = vector.shape_cast %broadcast_in_dim3A_1210 : vector<16x1xi32> to vector<16xi32>
    %gather3A_1212 = tpu.dynamic_gather %mul3A_25[%gather3A_1211] in [0] : vector<16xf32>, vector<16xi32> -> vector<16xf32>
    %swap3A_1213 = arith.constant 1824 : index
    %swap3A_1214 = tpu.vector_load %arg7[%swap3A_1213] {strides = array<i32>} : memref<3136xf32, #tpu.memory_space<vmem>>, vector<16xf32>,
    %swap3A_1215 = vector.shape_cast %swap3A_1214 : vector<16xf32> to vector<16xf32>
    %swap3A_1216 = vector.shape_cast %gather3A_1212 : vector<16xf32> to vector<16xf32>
    tpu.vector_store %arg7[%swap3A_1213], %swap3A_1216 {strides = array<i32>} : memref<3136xf32, #tpu.memory_space<vmem>>, vector<16xf32>,
    %get3A_1217 = arith.constant 1840 : index
    %get3A_1218 = tpu.vector_load %arg6[%get3A_1217] {strides = array<i32>} : memref<3136xi32, #tpu.memory_space<vmem>>, vector<16xi32>,
    %get3A_1219 = vector.shape_cast %get3A_1218 : vector<16xi32> to vector<16xi32>
    %broadcast_in_dim3A_1220 = vector.shape_cast %get3A_1219 : vector<16xi32> to vector<16x1xi32>
    %gather3A_1221 = vector.shape_cast %broadcast_in_dim3A_1220 : vector<16x1xi32> to vector<16xi32>
    %gather3A_1222 = tpu.dynamic_gather %mul3A_25[%gather3A_1221] in [0] : vector<16xf32>, vector<16xi32> -> vector<16xf32>
    %swap3A_1223 = arith.constant 1840 : index
    %swap3A_1224 = tpu.vector_load %arg7[%swap3A_1223] {strides = array<i32>} : memref<3136xf32, #tpu.memory_space<vmem>>, vector<16xf32>,
    %swap3A_1225 = vector.shape_cast %swap3A_1224 : vector<16xf32> to vector<16xf32>
    %swap3A_1226 = vector.shape_cast %gather3A_1222 : vector<16xf32> to vector<16xf32>
    tpu.vector_store %arg7[%swap3A_1223], %swap3A_1226 {strides = array<i32>} : memref<3136xf32, #tpu.memory_space<vmem>>, vector<16xf32>,
    %get3A_1227 = arith.constant 1856 : index
    %get3A_1228 = tpu.vector_load %arg6[%get3A_1227] {strides = array<i32>} : memref<3136xi32, #tpu.memory_space<vmem>>, vector<16xi32>,
    %get3A_1229 = vector.shape_cast %get3A_1228 : vector<16xi32> to vector<16xi32>
    %broadcast_in_dim3A_1230 = vector.shape_cast %get3A_1229 : vector<16xi32> to vector<16x1xi32>
    %gather3A_1231 = vector.shape_cast %broadcast_in_dim3A_1230 : vector<16x1xi32> to vector<16xi32>
    %gather3A_1232 = tpu.dynamic_gather %mul3A_25[%gather3A_1231] in [0] : vector<16xf32>, vector<16xi32> -> vector<16xf32>
    %swap3A_1233 = arith.constant 1856 : index
    %swap3A_1234 = tpu.vector_load %arg7[%swap3A_1233] {strides = array<i32>} : memref<3136xf32, #tpu.memory_space<vmem>>, vector<16xf32>,
    %swap3A_1235 = vector.shape_cast %swap3A_1234 : vector<16xf32> to vector<16xf32>
    %swap3A_1236 = vector.shape_cast %gather3A_1232 : vector<16xf32> to vector<16xf32>
    tpu.vector_store %arg7[%swap3A_1233], %swap3A_1236 {strides = array<i32>} : memref<3136xf32, #tpu.memory_space<vmem>>, vector<16xf32>,
    %get3A_1237 = arith.constant 1872 : index
    %get3A_1238 = tpu.vector_load %arg6[%get3A_1237] {strides = array<i32>} : memref<3136xi32, #tpu.memory_space<vmem>>, vector<16xi32>,
    %get3A_1239 = vector.shape_cast %get3A_1238 : vector<16xi32> to vector<16xi32>
    %broadcast_in_dim3A_1240 = vector.shape_cast %get3A_1239 : vector<16xi32> to vector<16x1xi32>
    %gather3A_1241 = vector.shape_cast %broadcast_in_dim3A_1240 : vector<16x1xi32> to vector<16xi32>
    %gather3A_1242 = tpu.dynamic_gather %mul3A_25[%gather3A_1241] in [0] : vector<16xf32>, vector<16xi32> -> vector<16xf32>
    %swap3A_1243 = arith.constant 1872 : index
    %swap3A_1244 = tpu.vector_load %arg7[%swap3A_1243] {strides = array<i32>} : memref<3136xf32, #tpu.memory_space<vmem>>, vector<16xf32>,
    %swap3A_1245 = vector.shape_cast %swap3A_1244 : vector<16xf32> to vector<16xf32>
    %swap3A_1246 = vector.shape_cast %gather3A_1242 : vector<16xf32> to vector<16xf32>
    tpu.vector_store %arg7[%swap3A_1243], %swap3A_1246 {strides = array<i32>} : memref<3136xf32, #tpu.memory_space<vmem>>, vector<16xf32>,
    %get3A_1247 = arith.constant 1888 : index
    %get3A_1248 = tpu.vector_load %arg6[%get3A_1247] {strides = array<i32>} : memref<3136xi32, #tpu.memory_space<vmem>>, vector<16xi32>,
    %get3A_1249 = vector.shape_cast %get3A_1248 : vector<16xi32> to vector<16xi32>
    %broadcast_in_dim3A_1250 = vector.shape_cast %get3A_1249 : vector<16xi32> to vector<16x1xi32>
    %gather3A_1251 = vector.shape_cast %broadcast_in_dim3A_1250 : vector<16x1xi32> to vector<16xi32>
    %gather3A_1252 = tpu.dynamic_gather %mul3A_25[%gather3A_1251] in [0] : vector<16xf32>, vector<16xi32> -> vector<16xf32>
    %swap3A_1253 = arith.constant 1888 : index
    %swap3A_1254 = tpu.vector_load %arg7[%swap3A_1253] {strides = array<i32>} : memref<3136xf32, #tpu.memory_space<vmem>>, vector<16xf32>,
    %swap3A_1255 = vector.shape_cast %swap3A_1254 : vector<16xf32> to vector<16xf32>
    %swap3A_1256 = vector.shape_cast %gather3A_1252 : vector<16xf32> to vector<16xf32>
    tpu.vector_store %arg7[%swap3A_1253], %swap3A_1256 {strides = array<i32>} : memref<3136xf32, #tpu.memory_space<vmem>>, vector<16xf32>,
    %get3A_1257 = arith.constant 1904 : index
    %get3A_1258 = tpu.vector_load %arg6[%get3A_1257] {strides = array<i32>} : memref<3136xi32, #tpu.memory_space<vmem>>, vector<16xi32>,
    %get3A_1259 = vector.shape_cast %get3A_1258 : vector<16xi32> to vector<16xi32>
    %broadcast_in_dim3A_1260 = vector.shape_cast %get3A_1259 : vector<16xi32> to vector<16x1xi32>
    %gather3A_1261 = vector.shape_cast %broadcast_in_dim3A_1260 : vector<16x1xi32> to vector<16xi32>
    %gather3A_1262 = tpu.dynamic_gather %mul3A_25[%gather3A_1261] in [0] : vector<16xf32>, vector<16xi32> -> vector<16xf32>
    %swap3A_1263 = arith.constant 1904 : index
    %swap3A_1264 = tpu.vector_load %arg7[%swap3A_1263] {strides = array<i32>} : memref<3136xf32, #tpu.memory_space<vmem>>, vector<16xf32>,
    %swap3A_1265 = vector.shape_cast %swap3A_1264 : vector<16xf32> to vector<16xf32>
    %swap3A_1266 = vector.shape_cast %gather3A_1262 : vector<16xf32> to vector<16xf32>
    tpu.vector_store %arg7[%swap3A_1263], %swap3A_1266 {strides = array<i32>} : memref<3136xf32, #tpu.memory_space<vmem>>, vector<16xf32>,
    %get3A_1267 = arith.constant 1920 : index
    %get3A_1268 = tpu.vector_load %arg6[%get3A_1267] {strides = array<i32>} : memref<3136xi32, #tpu.memory_space<vmem>>, vector<16xi32>,
    %get3A_1269 = vector.shape_cast %get3A_1268 : vector<16xi32> to vector<16xi32>
    %broadcast_in_dim3A_1270 = vector.shape_cast %get3A_1269 : vector<16xi32> to vector<16x1xi32>
    %gather3A_1271 = vector.shape_cast %broadcast_in_dim3A_1270 : vector<16x1xi32> to vector<16xi32>
    %gather3A_1272 = tpu.dynamic_gather %mul3A_25[%gather3A_1271] in [0] : vector<16xf32>, vector<16xi32> -> vector<16xf32>
    %swap3A_1273 = arith.constant 1920 : index
    %swap3A_1274 = tpu.vector_load %arg7[%swap3A_1273] {strides = array<i32>} : memref<3136xf32, #tpu.memory_space<vmem>>, vector<16xf32>,
    %swap3A_1275 = vector.shape_cast %swap3A_1274 : vector<16xf32> to vector<16xf32>
    %swap3A_1276 = vector.shape_cast %gather3A_1272 : vector<16xf32> to vector<16xf32>
    tpu.vector_store %arg7[%swap3A_1273], %swap3A_1276 {strides = array<i32>} : memref<3136xf32, #tpu.memory_space<vmem>>, vector<16xf32>,
    %get3A_1277 = arith.constant 1936 : index
    %get3A_1278 = tpu.vector_load %arg6[%get3A_1277] {strides = array<i32>} : memref<3136xi32, #tpu.memory_space<vmem>>, vector<16xi32>,
    %get3A_1279 = vector.shape_cast %get3A_1278 : vector<16xi32> to vector<16xi32>
    %broadcast_in_dim3A_1280 = vector.shape_cast %get3A_1279 : vector<16xi32> to vector<16x1xi32>
    %gather3A_1281 = vector.shape_cast %broadcast_in_dim3A_1280 : vector<16x1xi32> to vector<16xi32>
    %gather3A_1282 = tpu.dynamic_gather %mul3A_25[%gather3A_1281] in [0] : vector<16xf32>, vector<16xi32> -> vector<16xf32>
    %swap3A_1283 = arith.constant 1936 : index
    %swap3A_1284 = tpu.vector_load %arg7[%swap3A_1283] {strides = array<i32>} : memref<3136xf32, #tpu.memory_space<vmem>>, vector<16xf32>,
    %swap3A_1285 = vector.shape_cast %swap3A_1284 : vector<16xf32> to vector<16xf32>
    %swap3A_1286 = vector.shape_cast %gather3A_1282 : vector<16xf32> to vector<16xf32>
    tpu.vector_store %arg7[%swap3A_1283], %swap3A_1286 {strides = array<i32>} : memref<3136xf32, #tpu.memory_space<vmem>>, vector<16xf32>,
    %get3A_1287 = arith.constant 1952 : index
    %get3A_1288 = tpu.vector_load %arg6[%get3A_1287] {strides = array<i32>} : memref<3136xi32, #tpu.memory_space<vmem>>, vector<16xi32>,
    %get3A_1289 = vector.shape_cast %get3A_1288 : vector<16xi32> to vector<16xi32>
    %broadcast_in_dim3A_1290 = vector.shape_cast %get3A_1289 : vector<16xi32> to vector<16x1xi32>
    %gather3A_1291 = vector.shape_cast %broadcast_in_dim3A_1290 : vector<16x1xi32> to vector<16xi32>
    %gather3A_1292 = tpu.dynamic_gather %mul3A_25[%gather3A_1291] in [0] : vector<16xf32>, vector<16xi32> -> vector<16xf32>
    %swap3A_1293 = arith.constant 1952 : index
    %swap3A_1294 = tpu.vector_load %arg7[%swap3A_1293] {strides = array<i32>} : memref<3136xf32, #tpu.memory_space<vmem>>, vector<16xf32>,
    %swap3A_1295 = vector.shape_cast %swap3A_1294 : vector<16xf32> to vector<16xf32>
    %swap3A_1296 = vector.shape_cast %gather3A_1292 : vector<16xf32> to vector<16xf32>
    tpu.vector_store %arg7[%swap3A_1293], %swap3A_1296 {strides = array<i32>} : memref<3136xf32, #tpu.memory_space<vmem>>, vector<16xf32>,
    %get3A_1297 = arith.constant 1968 : index
    %get3A_1298 = tpu.vector_load %arg6[%get3A_1297] {strides = array<i32>} : memref<3136xi32, #tpu.memory_space<vmem>>, vector<16xi32>,
    %get3A_1299 = vector.shape_cast %get3A_1298 : vector<16xi32> to vector<16xi32>
    %broadcast_in_dim3A_1300 = vector.shape_cast %get3A_1299 : vector<16xi32> to vector<16x1xi32>
    %gather3A_1301 = vector.shape_cast %broadcast_in_dim3A_1300 : vector<16x1xi32> to vector<16xi32>
    %gather3A_1302 = tpu.dynamic_gather %mul3A_25[%gather3A_1301] in [0] : vector<16xf32>, vector<16xi32> -> vector<16xf32>
    %swap3A_1303 = arith.constant 1968 : index
    %swap3A_1304 = tpu.vector_load %arg7[%swap3A_1303] {strides = array<i32>} : memref<3136xf32, #tpu.memory_space<vmem>>, vector<16xf32>,
    %swap3A_1305 = vector.shape_cast %swap3A_1304 : vector<16xf32> to vector<16xf32>
    %swap3A_1306 = vector.shape_cast %gather3A_1302 : vector<16xf32> to vector<16xf32>
    tpu.vector_store %arg7[%swap3A_1303], %swap3A_1306 {strides = array<i32>} : memref<3136xf32, #tpu.memory_space<vmem>>, vector<16xf32>,
    %get3A_1307 = arith.constant 1984 : index
    %get3A_1308 = tpu.vector_load %arg6[%get3A_1307] {strides = array<i32>} : memref<3136xi32, #tpu.memory_space<vmem>>, vector<16xi32>,
    %get3A_1309 = vector.shape_cast %get3A_1308 : vector<16xi32> to vector<16xi32>
    %broadcast_in_dim3A_1310 = vector.shape_cast %get3A_1309 : vector<16xi32> to vector<16x1xi32>
    %gather3A_1311 = vector.shape_cast %broadcast_in_dim3A_1310 : vector<16x1xi32> to vector<16xi32>
    %gather3A_1312 = tpu.dynamic_gather %mul3A_25[%gather3A_1311] in [0] : vector<16xf32>, vector<16xi32> -> vector<16xf32>
    %swap3A_1313 = arith.constant 1984 : index
    %swap3A_1314 = tpu.vector_load %arg7[%swap3A_1313] {strides = array<i32>} : memref<3136xf32, #tpu.memory_space<vmem>>, vector<16xf32>,
    %swap3A_1315 = vector.shape_cast %swap3A_1314 : vector<16xf32> to vector<16xf32>
    %swap3A_1316 = vector.shape_cast %gather3A_1312 : vector<16xf32> to vector<16xf32>
    tpu.vector_store %arg7[%swap3A_1313], %swap3A_1316 {strides = array<i32>} : memref<3136xf32, #tpu.memory_space<vmem>>, vector<16xf32>,
    %get3A_1317 = arith.constant 2000 : index
    %get3A_1318 = tpu.vector_load %arg6[%get3A_1317] {strides = array<i32>} : memref<3136xi32, #tpu.memory_space<vmem>>, vector<16xi32>,
    %get3A_1319 = vector.shape_cast %get3A_1318 : vector<16xi32> to vector<16xi32>
    %broadcast_in_dim3A_1320 = vector.shape_cast %get3A_1319 : vector<16xi32> to vector<16x1xi32>
    %gather3A_1321 = vector.shape_cast %broadcast_in_dim3A_1320 : vector<16x1xi32> to vector<16xi32>
    %gather3A_1322 = tpu.dynamic_gather %mul3A_25[%gather3A_1321] in [0] : vector<16xf32>, vector<16xi32> -> vector<16xf32>
    %swap3A_1323 = arith.constant 2000 : index
    %swap3A_1324 = tpu.vector_load %arg7[%swap3A_1323] {strides = array<i32>} : memref<3136xf32, #tpu.memory_space<vmem>>, vector<16xf32>,
    %swap3A_1325 = vector.shape_cast %swap3A_1324 : vector<16xf32> to vector<16xf32>
    %swap3A_1326 = vector.shape_cast %gather3A_1322 : vector<16xf32> to vector<16xf32>
    tpu.vector_store %arg7[%swap3A_1323], %swap3A_1326 {strides = array<i32>} : memref<3136xf32, #tpu.memory_space<vmem>>, vector<16xf32>,
    %get3A_1327 = arith.constant 2016 : index
    %get3A_1328 = tpu.vector_load %arg6[%get3A_1327] {strides = array<i32>} : memref<3136xi32, #tpu.memory_space<vmem>>, vector<16xi32>,
    %get3A_1329 = vector.shape_cast %get3A_1328 : vector<16xi32> to vector<16xi32>
    %broadcast_in_dim3A_1330 = vector.shape_cast %get3A_1329 : vector<16xi32> to vector<16x1xi32>
    %gather3A_1331 = vector.shape_cast %broadcast_in_dim3A_1330 : vector<16x1xi32> to vector<16xi32>
    %gather3A_1332 = tpu.dynamic_gather %mul3A_25[%gather3A_1331] in [0] : vector<16xf32>, vector<16xi32> -> vector<16xf32>
    %swap3A_1333 = arith.constant 2016 : index
    %swap3A_1334 = tpu.vector_load %arg7[%swap3A_1333] {strides = array<i32>} : memref<3136xf32, #tpu.memory_space<vmem>>, vector<16xf32>,
    %swap3A_1335 = vector.shape_cast %swap3A_1334 : vector<16xf32> to vector<16xf32>
    %swap3A_1336 = vector.shape_cast %gather3A_1332 : vector<16xf32> to vector<16xf32>
    tpu.vector_store %arg7[%swap3A_1333], %swap3A_1336 {strides = array<i32>} : memref<3136xf32, #tpu.memory_space<vmem>>, vector<16xf32>,
    %get3A_1337 = arith.constant 2032 : index
    %get3A_1338 = tpu.vector_load %arg6[%get3A_1337] {strides = array<i32>} : memref<3136xi32, #tpu.memory_space<vmem>>, vector<16xi32>,
    %get3A_1339 = vector.shape_cast %get3A_1338 : vector<16xi32> to vector<16xi32>
    %broadcast_in_dim3A_1340 = vector.shape_cast %get3A_1339 : vector<16xi32> to vector<16x1xi32>
    %gather3A_1341 = vector.shape_cast %broadcast_in_dim3A_1340 : vector<16x1xi32> to vector<16xi32>
    %gather3A_1342 = tpu.dynamic_gather %mul3A_25[%gather3A_1341] in [0] : vector<16xf32>, vector<16xi32> -> vector<16xf32>
    %swap3A_1343 = arith.constant 2032 : index
    %swap3A_1344 = tpu.vector_load %arg7[%swap3A_1343] {strides = array<i32>} : memref<3136xf32, #tpu.memory_space<vmem>>, vector<16xf32>,
    %swap3A_1345 = vector.shape_cast %swap3A_1344 : vector<16xf32> to vector<16xf32>
    %swap3A_1346 = vector.shape_cast %gather3A_1342 : vector<16xf32> to vector<16xf32>
    tpu.vector_store %arg7[%swap3A_1343], %swap3A_1346 {strides = array<i32>} : memref<3136xf32, #tpu.memory_space<vmem>>, vector<16xf32>,
    %get3A_1347 = arith.constant 2048 : index
    %get3A_1348 = tpu.vector_load %arg6[%get3A_1347] {strides = array<i32>} : memref<3136xi32, #tpu.memory_space<vmem>>, vector<16xi32>,
    %get3A_1349 = vector.shape_cast %get3A_1348 : vector<16xi32> to vector<16xi32>
    %broadcast_in_dim3A_1350 = vector.shape_cast %get3A_1349 : vector<16xi32> to vector<16x1xi32>
    %gather3A_1351 = vector.shape_cast %broadcast_in_dim3A_1350 : vector<16x1xi32> to vector<16xi32>
    %gather3A_1352 = tpu.dynamic_gather %mul3A_25[%gather3A_1351] in [0] : vector<16xf32>, vector<16xi32> -> vector<16xf32>
    %swap3A_1353 = arith.constant 2048 : index
    %swap3A_1354 = tpu.vector_load %arg7[%swap3A_1353] {strides = array<i32>} : memref<3136xf32, #tpu.memory_space<vmem>>, vector<16xf32>,
    %swap3A_1355 = vector.shape_cast %swap3A_1354 : vector<16xf32> to vector<16xf32>
    %swap3A_1356 = vector.shape_cast %gather3A_1352 : vector<16xf32> to vector<16xf32>
    tpu.vector_store %arg7[%swap3A_1353], %swap3A_1356 {strides = array<i32>} : memref<3136xf32, #tpu.memory_space<vmem>>, vector<16xf32>,
    %get3A_1357 = arith.constant 2064 : index
    %get3A_1358 = tpu.vector_load %arg6[%get3A_1357] {strides = array<i32>} : memref<3136xi32, #tpu.memory_space<vmem>>, vector<16xi32>,
    %get3A_1359 = vector.shape_cast %get3A_1358 : vector<16xi32> to vector<16xi32>
    %broadcast_in_dim3A_1360 = vector.shape_cast %get3A_1359 : vector<16xi32> to vector<16x1xi32>
    %gather3A_1361 = vector.shape_cast %broadcast_in_dim3A_1360 : vector<16x1xi32> to vector<16xi32>
    %gather3A_1362 = tpu.dynamic_gather %mul3A_25[%gather3A_1361] in [0] : vector<16xf32>, vector<16xi32> -> vector<16xf32>
    %swap3A_1363 = arith.constant 2064 : index
    %swap3A_1364 = tpu.vector_load %arg7[%swap3A_1363] {strides = array<i32>} : memref<3136xf32, #tpu.memory_space<vmem>>, vector<16xf32>,
    %swap3A_1365 = vector.shape_cast %swap3A_1364 : vector<16xf32> to vector<16xf32>
    %swap3A_1366 = vector.shape_cast %gather3A_1362 : vector<16xf32> to vector<16xf32>
    tpu.vector_store %arg7[%swap3A_1363], %swap3A_1366 {strides = array<i32>} : memref<3136xf32, #tpu.memory_space<vmem>>, vector<16xf32>,
    %get3A_1367 = arith.constant 2080 : index
    %get3A_1368 = tpu.vector_load %arg6[%get3A_1367] {strides = array<i32>} : memref<3136xi32, #tpu.memory_space<vmem>>, vector<16xi32>,
    %get3A_1369 = vector.shape_cast %get3A_1368 : vector<16xi32> to vector<16xi32>
    %broadcast_in_dim3A_1370 = vector.shape_cast %get3A_1369 : vector<16xi32> to vector<16x1xi32>
    %gather3A_1371 = vector.shape_cast %broadcast_in_dim3A_1370 : vector<16x1xi32> to vector<16xi32>
    %gather3A_1372 = tpu.dynamic_gather %mul3A_25[%gather3A_1371] in [0] : vector<16xf32>, vector<16xi32> -> vector<16xf32>
    %swap3A_1373 = arith.constant 2080 : index
    %swap3A_1374 = tpu.vector_load %arg7[%swap3A_1373] {strides = array<i32>} : memref<3136xf32, #tpu.memory_space<vmem>>, vector<16xf32>,
    %swap3A_1375 = vector.shape_cast %swap3A_1374 : vector<16xf32> to vector<16xf32>
    %swap3A_1376 = vector.shape_cast %gather3A_1372 : vector<16xf32> to vector<16xf32>
    tpu.vector_store %arg7[%swap3A_1373], %swap3A_1376 {strides = array<i32>} : memref<3136xf32, #tpu.memory_space<vmem>>, vector<16xf32>,
    %get3A_1377 = arith.constant 2096 : index
    %get3A_1378 = tpu.vector_load %arg6[%get3A_1377] {strides = array<i32>} : memref<3136xi32, #tpu.memory_space<vmem>>, vector<16xi32>,
    %get3A_1379 = vector.shape_cast %get3A_1378 : vector<16xi32> to vector<16xi32>
    %broadcast_in_dim3A_1380 = vector.shape_cast %get3A_1379 : vector<16xi32> to vector<16x1xi32>
    %gather3A_1381 = vector.shape_cast %broadcast_in_dim3A_1380 : vector<16x1xi32> to vector<16xi32>
    %gather3A_1382 = tpu.dynamic_gather %mul3A_25[%gather3A_1381] in [0] : vector<16xf32>, vector<16xi32> -> vector<16xf32>
    %swap3A_1383 = arith.constant 2096 : index
    %swap3A_1384 = tpu.vector_load %arg7[%swap3A_1383] {strides = array<i32>} : memref<3136xf32, #tpu.memory_space<vmem>>, vector<16xf32>,
    %swap3A_1385 = vector.shape_cast %swap3A_1384 : vector<16xf32> to vector<16xf32>
    %swap3A_1386 = vector.shape_cast %gather3A_1382 : vector<16xf32> to vector<16xf32>
    tpu.vector_store %arg7[%swap3A_1383], %swap3A_1386 {strides = array<i32>} : memref<3136xf32, #tpu.memory_space<vmem>>, vector<16xf32>,
    %get3A_1387 = arith.constant 2112 : index
    %get3A_1388 = tpu.vector_load %arg6[%get3A_1387] {strides = array<i32>} : memref<3136xi32, #tpu.memory_space<vmem>>, vector<16xi32>,
    %get3A_1389 = vector.shape_cast %get3A_1388 : vector<16xi32> to vector<16xi32>
    %broadcast_in_dim3A_1390 = vector.shape_cast %get3A_1389 : vector<16xi32> to vector<16x1xi32>
    %gather3A_1391 = vector.shape_cast %broadcast_in_dim3A_1390 : vector<16x1xi32> to vector<16xi32>
    %gather3A_1392 = tpu.dynamic_gather %mul3A_25[%gather3A_1391] in [0] : vector<16xf32>, vector<16xi32> -> vector<16xf32>
    %swap3A_1393 = arith.constant 2112 : index
    %swap3A_1394 = tpu.vector_load %arg7[%swap3A_1393] {strides = array<i32>} : memref<3136xf32, #tpu.memory_space<vmem>>, vector<16xf32>,
    %swap3A_1395 = vector.shape_cast %swap3A_1394 : vector<16xf32> to vector<16xf32>
    %swap3A_1396 = vector.shape_cast %gather3A_1392 : vector<16xf32> to vector<16xf32>
    tpu.vector_store %arg7[%swap3A_1393], %swap3A_1396 {strides = array<i32>} : memref<3136xf32, #tpu.memory_space<vmem>>, vector<16xf32>,
    %get3A_1397 = arith.constant 2128 : index
    %get3A_1398 = tpu.vector_load %arg6[%get3A_1397] {strides = array<i32>} : memref<3136xi32, #tpu.memory_space<vmem>>, vector<16xi32>,
    %get3A_1399 = vector.shape_cast %get3A_1398 : vector<16xi32> to vector<16xi32>
    %broadcast_in_dim3A_1400 = vector.shape_cast %get3A_1399 : vector<16xi32> to vector<16x1xi32>
    %gather3A_1401 = vector.shape_cast %broadcast_in_dim3A_1400 : vector<16x1xi32> to vector<16xi32>
    %gather3A_1402 = tpu.dynamic_gather %mul3A_25[%gather3A_1401] in [0] : vector<16xf32>, vector<16xi32> -> vector<16xf32>
    %swap3A_1403 = arith.constant 2128 : index
    %swap3A_1404 = tpu.vector_load %arg7[%swap3A_1403] {strides = array<i32>} : memref<3136xf32, #tpu.memory_space<vmem>>, vector<16xf32>,
    %swap3A_1405 = vector.shape_cast %swap3A_1404 : vector<16xf32> to vector<16xf32>
    %swap3A_1406 = vector.shape_cast %gather3A_1402 : vector<16xf32> to vector<16xf32>
    tpu.vector_store %arg7[%swap3A_1403], %swap3A_1406 {strides = array<i32>} : memref<3136xf32, #tpu.memory_space<vmem>>, vector<16xf32>,
    %get3A_1407 = arith.constant 2144 : index
    %get3A_1408 = tpu.vector_load %arg6[%get3A_1407] {strides = array<i32>} : memref<3136xi32, #tpu.memory_space<vmem>>, vector<16xi32>,
    %get3A_1409 = vector.shape_cast %get3A_1408 : vector<16xi32> to vector<16xi32>
    %broadcast_in_dim3A_1410 = vector.shape_cast %get3A_1409 : vector<16xi32> to vector<16x1xi32>
    %gather3A_1411 = vector.shape_cast %broadcast_in_dim3A_1410 : vector<16x1xi32> to vector<16xi32>
    %gather3A_1412 = tpu.dynamic_gather %mul3A_25[%gather3A_1411] in [0] : vector<16xf32>, vector<16xi32> -> vector<16xf32>
    %swap3A_1413 = arith.constant 2144 : index
    %swap3A_1414 = tpu.vector_load %arg7[%swap3A_1413] {strides = array<i32>} : memref<3136xf32, #tpu.memory_space<vmem>>, vector<16xf32>,
    %swap3A_1415 = vector.shape_cast %swap3A_1414 : vector<16xf32> to vector<16xf32>
    %swap3A_1416 = vector.shape_cast %gather3A_1412 : vector<16xf32> to vector<16xf32>
    tpu.vector_store %arg7[%swap3A_1413], %swap3A_1416 {strides = array<i32>} : memref<3136xf32, #tpu.memory_space<vmem>>, vector<16xf32>,
    %get3A_1417 = arith.constant 2160 : index
    %get3A_1418 = tpu.vector_load %arg6[%get3A_1417] {strides = array<i32>} : memref<3136xi32, #tpu.memory_space<vmem>>, vector<16xi32>,
    %get3A_1419 = vector.shape_cast %get3A_1418 : vector<16xi32> to vector<16xi32>
    %broadcast_in_dim3A_1420 = vector.shape_cast %get3A_1419 : vector<16xi32> to vector<16x1xi32>
    %gather3A_1421 = vector.shape_cast %broadcast_in_dim3A_1420 : vector<16x1xi32> to vector<16xi32>
    %gather3A_1422 = tpu.dynamic_gather %mul3A_25[%gather3A_1421] in [0] : vector<16xf32>, vector<16xi32> -> vector<16xf32>
    %swap3A_1423 = arith.constant 2160 : index
    %swap3A_1424 = tpu.vector_load %arg7[%swap3A_1423] {strides = array<i32>} : memref<3136xf32, #tpu.memory_space<vmem>>, vector<16xf32>,
    %swap3A_1425 = vector.shape_cast %swap3A_1424 : vector<16xf32> to vector<16xf32>
    %swap3A_1426 = vector.shape_cast %gather3A_1422 : vector<16xf32> to vector<16xf32>
    tpu.vector_store %arg7[%swap3A_1423], %swap3A_1426 {strides = array<i32>} : memref<3136xf32, #tpu.memory_space<vmem>>, vector<16xf32>,
    %get3A_1427 = arith.constant 2176 : index
    %get3A_1428 = tpu.vector_load %arg6[%get3A_1427] {strides = array<i32>} : memref<3136xi32, #tpu.memory_space<vmem>>, vector<16xi32>,
    %get3A_1429 = vector.shape_cast %get3A_1428 : vector<16xi32> to vector<16xi32>
    %broadcast_in_dim3A_1430 = vector.shape_cast %get3A_1429 : vector<16xi32> to vector<16x1xi32>
    %gather3A_1431 = vector.shape_cast %broadcast_in_dim3A_1430 : vector<16x1xi32> to vector<16xi32>
    %gather3A_1432 = tpu.dynamic_gather %mul3A_25[%gather3A_1431] in [0] : vector<16xf32>, vector<16xi32> -> vector<16xf32>
    %swap3A_1433 = arith.constant 2176 : index
    %swap3A_1434 = tpu.vector_load %arg7[%swap3A_1433] {strides = array<i32>} : memref<3136xf32, #tpu.memory_space<vmem>>, vector<16xf32>,
    %swap3A_1435 = vector.shape_cast %swap3A_1434 : vector<16xf32> to vector<16xf32>
    %swap3A_1436 = vector.shape_cast %gather3A_1432 : vector<16xf32> to vector<16xf32>
    tpu.vector_store %arg7[%swap3A_1433], %swap3A_1436 {strides = array<i32>} : memref<3136xf32, #tpu.memory_space<vmem>>, vector<16xf32>,
    %get3A_1437 = arith.constant 2192 : index
    %get3A_1438 = tpu.vector_load %arg6[%get3A_1437] {strides = array<i32>} : memref<3136xi32, #tpu.memory_space<vmem>>, vector<16xi32>,
    %get3A_1439 = vector.shape_cast %get3A_1438 : vector<16xi32> to vector<16xi32>
    %broadcast_in_dim3A_1440 = vector.shape_cast %get3A_1439 : vector<16xi32> to vector<16x1xi32>
    %gather3A_1441 = vector.shape_cast %broadcast_in_dim3A_1440 : vector<16x1xi32> to vector<16xi32>
    %gather3A_1442 = tpu.dynamic_gather %mul3A_25[%gather3A_1441] in [0] : vector<16xf32>, vector<16xi32> -> vector<16xf32>
    %swap3A_1443 = arith.constant 2192 : index
    %swap3A_1444 = tpu.vector_load %arg7[%swap3A_1443] {strides = array<i32>} : memref<3136xf32, #tpu.memory_space<vmem>>, vector<16xf32>,
    %swap3A_1445 = vector.shape_cast %swap3A_1444 : vector<16xf32> to vector<16xf32>
    %swap3A_1446 = vector.shape_cast %gather3A_1442 : vector<16xf32> to vector<16xf32>
    tpu.vector_store %arg7[%swap3A_1443], %swap3A_1446 {strides = array<i32>} : memref<3136xf32, #tpu.memory_space<vmem>>, vector<16xf32>,
    %get3A_1447 = arith.constant 2208 : index
    %get3A_1448 = tpu.vector_load %arg6[%get3A_1447] {strides = array<i32>} : memref<3136xi32, #tpu.memory_space<vmem>>, vector<16xi32>,
    %get3A_1449 = vector.shape_cast %get3A_1448 : vector<16xi32> to vector<16xi32>
    %broadcast_in_dim3A_1450 = vector.shape_cast %get3A_1449 : vector<16xi32> to vector<16x1xi32>
    %gather3A_1451 = vector.shape_cast %broadcast_in_dim3A_1450 : vector<16x1xi32> to vector<16xi32>
    %gather3A_1452 = tpu.dynamic_gather %mul3A_25[%gather3A_1451] in [0] : vector<16xf32>, vector<16xi32> -> vector<16xf32>
    %swap3A_1453 = arith.constant 2208 : index
    %swap3A_1454 = tpu.vector_load %arg7[%swap3A_1453] {strides = array<i32>} : memref<3136xf32, #tpu.memory_space<vmem>>, vector<16xf32>,
    %swap3A_1455 = vector.shape_cast %swap3A_1454 : vector<16xf32> to vector<16xf32>
    %swap3A_1456 = vector.shape_cast %gather3A_1452 : vector<16xf32> to vector<16xf32>
    tpu.vector_store %arg7[%swap3A_1453], %swap3A_1456 {strides = array<i32>} : memref<3136xf32, #tpu.memory_space<vmem>>, vector<16xf32>,
    %get3A_1457 = arith.constant 2224 : index
    %get3A_1458 = tpu.vector_load %arg6[%get3A_1457] {strides = array<i32>} : memref<3136xi32, #tpu.memory_space<vmem>>, vector<16xi32>,
    %get3A_1459 = vector.shape_cast %get3A_1458 : vector<16xi32> to vector<16xi32>
    %broadcast_in_dim3A_1460 = vector.shape_cast %get3A_1459 : vector<16xi32> to vector<16x1xi32>
    %gather3A_1461 = vector.shape_cast %broadcast_in_dim3A_1460 : vector<16x1xi32> to vector<16xi32>
    %gather3A_1462 = tpu.dynamic_gather %mul3A_25[%gather3A_1461] in [0] : vector<16xf32>, vector<16xi32> -> vector<16xf32>
    %swap3A_1463 = arith.constant 2224 : index
    %swap3A_1464 = tpu.vector_load %arg7[%swap3A_1463] {strides = array<i32>} : memref<3136xf32, #tpu.memory_space<vmem>>, vector<16xf32>,
    %swap3A_1465 = vector.shape_cast %swap3A_1464 : vector<16xf32> to vector<16xf32>
    %swap3A_1466 = vector.shape_cast %gather3A_1462 : vector<16xf32> to vector<16xf32>
    tpu.vector_store %arg7[%swap3A_1463], %swap3A_1466 {strides = array<i32>} : memref<3136xf32, #tpu.memory_space<vmem>>, vector<16xf32>,
    %add3A_1467 = arith.constant 1792 : i32
    %add3A_1468 = arith.addi %select_n3A, %add3A_1467 : i32
    %dma_start3A_1469 = arith.constant 1792 : i32
    %dma_start3A_1470 = tpu.memref_slice %arg7[%dma_start3A_1469] : memref<3136xf32, #tpu.memory_space<vmem>> -> memref<448xf32, #tpu.memory_space<vmem>>
    %dma_start3A_1471 = tpu.memref_slice %arg4[%add3A_1468] : memref<50000xf32, #tpu.memory_space<hbm>> -> memref<448xf32, #tpu.memory_space<hbm>>
    %dma_start3A_1472 = tpu.memref_slice %arg4[%add3A_1468] : memref<50000xf32, #tpu.memory_space<hbm>> -> memref<448xf32, #tpu.memory_space<hbm>>
    %dma_start3A_1473 = arith.constant 1792 : i32
    %dma_start3A_1474 = tpu.memref_slice %arg7[%dma_start3A_1473] : memref<3136xf32, #tpu.memory_space<vmem>> -> memref<448xf32, #tpu.memory_space<vmem>>
    tpu.enqueue_dma source(%dma_start3A_1474 : memref<448xf32, #tpu.memory_space<vmem>>) target(%dma_start3A_1472 : memref<448xf32, #tpu.memory_space<hbm>>) target_semaphore(%arg11 : memref<!tpu.dma_semaphore, #tpu.memory_space<semaphore_mem>>)
    %get3A_1475 = arith.constant 2240 : index
    %get3A_1476 = tpu.vector_load %arg6[%get3A_1475] {strides = array<i32>} : memref<3136xi32, #tpu.memory_space<vmem>>, vector<16xi32>,
    %get3A_1477 = vector.shape_cast %get3A_1476 : vector<16xi32> to vector<16xi32>
    %broadcast_in_dim3A_1478 = vector.shape_cast %get3A_1477 : vector<16xi32> to vector<16x1xi32>
    %gather3A_1479 = vector.shape_cast %broadcast_in_dim3A_1478 : vector<16x1xi32> to vector<16xi32>
    %gather3A_1480 = tpu.dynamic_gather %mul3A_25[%gather3A_1479] in [0] : vector<16xf32>, vector<16xi32> -> vector<16xf32>
    %swap3A_1481 = arith.constant 2240 : index
    %swap3A_1482 = tpu.vector_load %arg7[%swap3A_1481] {strides = array<i32>} : memref<3136xf32, #tpu.memory_space<vmem>>, vector<16xf32>,
    %swap3A_1483 = vector.shape_cast %swap3A_1482 : vector<16xf32> to vector<16xf32>
    %swap3A_1484 = vector.shape_cast %gather3A_1480 : vector<16xf32> to vector<16xf32>
    tpu.vector_store %arg7[%swap3A_1481], %swap3A_1484 {strides = array<i32>} : memref<3136xf32, #tpu.memory_space<vmem>>, vector<16xf32>,
    %get3A_1485 = arith.constant 2256 : index
    %get3A_1486 = tpu.vector_load %arg6[%get3A_1485] {strides = array<i32>} : memref<3136xi32, #tpu.memory_space<vmem>>, vector<16xi32>,
    %get3A_1487 = vector.shape_cast %get3A_1486 : vector<16xi32> to vector<16xi32>
    %broadcast_in_dim3A_1488 = vector.shape_cast %get3A_1487 : vector<16xi32> to vector<16x1xi32>
    %gather3A_1489 = vector.shape_cast %broadcast_in_dim3A_1488 : vector<16x1xi32> to vector<16xi32>
    %gather3A_1490 = tpu.dynamic_gather %mul3A_25[%gather3A_1489] in [0] : vector<16xf32>, vector<16xi32> -> vector<16xf32>
    %swap3A_1491 = arith.constant 2256 : index
    %swap3A_1492 = tpu.vector_load %arg7[%swap3A_1491] {strides = array<i32>} : memref<3136xf32, #tpu.memory_space<vmem>>, vector<16xf32>,
    %swap3A_1493 = vector.shape_cast %swap3A_1492 : vector<16xf32> to vector<16xf32>
    %swap3A_1494 = vector.shape_cast %gather3A_1490 : vector<16xf32> to vector<16xf32>
    tpu.vector_store %arg7[%swap3A_1491], %swap3A_1494 {strides = array<i32>} : memref<3136xf32, #tpu.memory_space<vmem>>, vector<16xf32>,
    %get3A_1495 = arith.constant 2272 : index
    %get3A_1496 = tpu.vector_load %arg6[%get3A_1495] {strides = array<i32>} : memref<3136xi32, #tpu.memory_space<vmem>>, vector<16xi32>,
    %get3A_1497 = vector.shape_cast %get3A_1496 : vector<16xi32> to vector<16xi32>
    %broadcast_in_dim3A_1498 = vector.shape_cast %get3A_1497 : vector<16xi32> to vector<16x1xi32>
    %gather3A_1499 = vector.shape_cast %broadcast_in_dim3A_1498 : vector<16x1xi32> to vector<16xi32>
    %gather3A_1500 = tpu.dynamic_gather %mul3A_25[%gather3A_1499] in [0] : vector<16xf32>, vector<16xi32> -> vector<16xf32>
    %swap3A_1501 = arith.constant 2272 : index
    %swap3A_1502 = tpu.vector_load %arg7[%swap3A_1501] {strides = array<i32>} : memref<3136xf32, #tpu.memory_space<vmem>>, vector<16xf32>,
    %swap3A_1503 = vector.shape_cast %swap3A_1502 : vector<16xf32> to vector<16xf32>
    %swap3A_1504 = vector.shape_cast %gather3A_1500 : vector<16xf32> to vector<16xf32>
    tpu.vector_store %arg7[%swap3A_1501], %swap3A_1504 {strides = array<i32>} : memref<3136xf32, #tpu.memory_space<vmem>>, vector<16xf32>,
    %get3A_1505 = arith.constant 2288 : index
    %get3A_1506 = tpu.vector_load %arg6[%get3A_1505] {strides = array<i32>} : memref<3136xi32, #tpu.memory_space<vmem>>, vector<16xi32>,
    %get3A_1507 = vector.shape_cast %get3A_1506 : vector<16xi32> to vector<16xi32>
    %broadcast_in_dim3A_1508 = vector.shape_cast %get3A_1507 : vector<16xi32> to vector<16x1xi32>
    %gather3A_1509 = vector.shape_cast %broadcast_in_dim3A_1508 : vector<16x1xi32> to vector<16xi32>
    %gather3A_1510 = tpu.dynamic_gather %mul3A_25[%gather3A_1509] in [0] : vector<16xf32>, vector<16xi32> -> vector<16xf32>
    %swap3A_1511 = arith.constant 2288 : index
    %swap3A_1512 = tpu.vector_load %arg7[%swap3A_1511] {strides = array<i32>} : memref<3136xf32, #tpu.memory_space<vmem>>, vector<16xf32>,
    %swap3A_1513 = vector.shape_cast %swap3A_1512 : vector<16xf32> to vector<16xf32>
    %swap3A_1514 = vector.shape_cast %gather3A_1510 : vector<16xf32> to vector<16xf32>
    tpu.vector_store %arg7[%swap3A_1511], %swap3A_1514 {strides = array<i32>} : memref<3136xf32, #tpu.memory_space<vmem>>, vector<16xf32>,
    %get3A_1515 = arith.constant 2304 : index
    %get3A_1516 = tpu.vector_load %arg6[%get3A_1515] {strides = array<i32>} : memref<3136xi32, #tpu.memory_space<vmem>>, vector<16xi32>,
    %get3A_1517 = vector.shape_cast %get3A_1516 : vector<16xi32> to vector<16xi32>
    %broadcast_in_dim3A_1518 = vector.shape_cast %get3A_1517 : vector<16xi32> to vector<16x1xi32>
    %gather3A_1519 = vector.shape_cast %broadcast_in_dim3A_1518 : vector<16x1xi32> to vector<16xi32>
    %gather3A_1520 = tpu.dynamic_gather %mul3A_25[%gather3A_1519] in [0] : vector<16xf32>, vector<16xi32> -> vector<16xf32>
    %swap3A_1521 = arith.constant 2304 : index
    %swap3A_1522 = tpu.vector_load %arg7[%swap3A_1521] {strides = array<i32>} : memref<3136xf32, #tpu.memory_space<vmem>>, vector<16xf32>,
    %swap3A_1523 = vector.shape_cast %swap3A_1522 : vector<16xf32> to vector<16xf32>
    %swap3A_1524 = vector.shape_cast %gather3A_1520 : vector<16xf32> to vector<16xf32>
    tpu.vector_store %arg7[%swap3A_1521], %swap3A_1524 {strides = array<i32>} : memref<3136xf32, #tpu.memory_space<vmem>>, vector<16xf32>,
    %get3A_1525 = arith.constant 2320 : index
    %get3A_1526 = tpu.vector_load %arg6[%get3A_1525] {strides = array<i32>} : memref<3136xi32, #tpu.memory_space<vmem>>, vector<16xi32>,
    %get3A_1527 = vector.shape_cast %get3A_1526 : vector<16xi32> to vector<16xi32>
    %broadcast_in_dim3A_1528 = vector.shape_cast %get3A_1527 : vector<16xi32> to vector<16x1xi32>
    %gather3A_1529 = vector.shape_cast %broadcast_in_dim3A_1528 : vector<16x1xi32> to vector<16xi32>
    %gather3A_1530 = tpu.dynamic_gather %mul3A_25[%gather3A_1529] in [0] : vector<16xf32>, vector<16xi32> -> vector<16xf32>
    %swap3A_1531 = arith.constant 2320 : index
    %swap3A_1532 = tpu.vector_load %arg7[%swap3A_1531] {strides = array<i32>} : memref<3136xf32, #tpu.memory_space<vmem>>, vector<16xf32>,
    %swap3A_1533 = vector.shape_cast %swap3A_1532 : vector<16xf32> to vector<16xf32>
    %swap3A_1534 = vector.shape_cast %gather3A_1530 : vector<16xf32> to vector<16xf32>
    tpu.vector_store %arg7[%swap3A_1531], %swap3A_1534 {strides = array<i32>} : memref<3136xf32, #tpu.memory_space<vmem>>, vector<16xf32>,
    %get3A_1535 = arith.constant 2336 : index
    %get3A_1536 = tpu.vector_load %arg6[%get3A_1535] {strides = array<i32>} : memref<3136xi32, #tpu.memory_space<vmem>>, vector<16xi32>,
    %get3A_1537 = vector.shape_cast %get3A_1536 : vector<16xi32> to vector<16xi32>
    %broadcast_in_dim3A_1538 = vector.shape_cast %get3A_1537 : vector<16xi32> to vector<16x1xi32>
    %gather3A_1539 = vector.shape_cast %broadcast_in_dim3A_1538 : vector<16x1xi32> to vector<16xi32>
    %gather3A_1540 = tpu.dynamic_gather %mul3A_25[%gather3A_1539] in [0] : vector<16xf32>, vector<16xi32> -> vector<16xf32>
    %swap3A_1541 = arith.constant 2336 : index
    %swap3A_1542 = tpu.vector_load %arg7[%swap3A_1541] {strides = array<i32>} : memref<3136xf32, #tpu.memory_space<vmem>>, vector<16xf32>,
    %swap3A_1543 = vector.shape_cast %swap3A_1542 : vector<16xf32> to vector<16xf32>
    %swap3A_1544 = vector.shape_cast %gather3A_1540 : vector<16xf32> to vector<16xf32>
    tpu.vector_store %arg7[%swap3A_1541], %swap3A_1544 {strides = array<i32>} : memref<3136xf32, #tpu.memory_space<vmem>>, vector<16xf32>,
    %get3A_1545 = arith.constant 2352 : index
    %get3A_1546 = tpu.vector_load %arg6[%get3A_1545] {strides = array<i32>} : memref<3136xi32, #tpu.memory_space<vmem>>, vector<16xi32>,
    %get3A_1547 = vector.shape_cast %get3A_1546 : vector<16xi32> to vector<16xi32>
    %broadcast_in_dim3A_1548 = vector.shape_cast %get3A_1547 : vector<16xi32> to vector<16x1xi32>
    %gather3A_1549 = vector.shape_cast %broadcast_in_dim3A_1548 : vector<16x1xi32> to vector<16xi32>
    %gather3A_1550 = tpu.dynamic_gather %mul3A_25[%gather3A_1549] in [0] : vector<16xf32>, vector<16xi32> -> vector<16xf32>
    %swap3A_1551 = arith.constant 2352 : index
    %swap3A_1552 = tpu.vector_load %arg7[%swap3A_1551] {strides = array<i32>} : memref<3136xf32, #tpu.memory_space<vmem>>, vector<16xf32>,
    %swap3A_1553 = vector.shape_cast %swap3A_1552 : vector<16xf32> to vector<16xf32>
    %swap3A_1554 = vector.shape_cast %gather3A_1550 : vector<16xf32> to vector<16xf32>
    tpu.vector_store %arg7[%swap3A_1551], %swap3A_1554 {strides = array<i32>} : memref<3136xf32, #tpu.memory_space<vmem>>, vector<16xf32>,
    %get3A_1555 = arith.constant 2368 : index
    %get3A_1556 = tpu.vector_load %arg6[%get3A_1555] {strides = array<i32>} : memref<3136xi32, #tpu.memory_space<vmem>>, vector<16xi32>,
    %get3A_1557 = vector.shape_cast %get3A_1556 : vector<16xi32> to vector<16xi32>
    %broadcast_in_dim3A_1558 = vector.shape_cast %get3A_1557 : vector<16xi32> to vector<16x1xi32>
    %gather3A_1559 = vector.shape_cast %broadcast_in_dim3A_1558 : vector<16x1xi32> to vector<16xi32>
    %gather3A_1560 = tpu.dynamic_gather %mul3A_25[%gather3A_1559] in [0] : vector<16xf32>, vector<16xi32> -> vector<16xf32>
    %swap3A_1561 = arith.constant 2368 : index
    %swap3A_1562 = tpu.vector_load %arg7[%swap3A_1561] {strides = array<i32>} : memref<3136xf32, #tpu.memory_space<vmem>>, vector<16xf32>,
    %swap3A_1563 = vector.shape_cast %swap3A_1562 : vector<16xf32> to vector<16xf32>
    %swap3A_1564 = vector.shape_cast %gather3A_1560 : vector<16xf32> to vector<16xf32>
    tpu.vector_store %arg7[%swap3A_1561], %swap3A_1564 {strides = array<i32>} : memref<3136xf32, #tpu.memory_space<vmem>>, vector<16xf32>,
    %get3A_1565 = arith.constant 2384 : index
    %get3A_1566 = tpu.vector_load %arg6[%get3A_1565] {strides = array<i32>} : memref<3136xi32, #tpu.memory_space<vmem>>, vector<16xi32>,
    %get3A_1567 = vector.shape_cast %get3A_1566 : vector<16xi32> to vector<16xi32>
    %broadcast_in_dim3A_1568 = vector.shape_cast %get3A_1567 : vector<16xi32> to vector<16x1xi32>
    %gather3A_1569 = vector.shape_cast %broadcast_in_dim3A_1568 : vector<16x1xi32> to vector<16xi32>
    %gather3A_1570 = tpu.dynamic_gather %mul3A_25[%gather3A_1569] in [0] : vector<16xf32>, vector<16xi32> -> vector<16xf32>
    %swap3A_1571 = arith.constant 2384 : index
    %swap3A_1572 = tpu.vector_load %arg7[%swap3A_1571] {strides = array<i32>} : memref<3136xf32, #tpu.memory_space<vmem>>, vector<16xf32>,
    %swap3A_1573 = vector.shape_cast %swap3A_1572 : vector<16xf32> to vector<16xf32>
    %swap3A_1574 = vector.shape_cast %gather3A_1570 : vector<16xf32> to vector<16xf32>
    tpu.vector_store %arg7[%swap3A_1571], %swap3A_1574 {strides = array<i32>} : memref<3136xf32, #tpu.memory_space<vmem>>, vector<16xf32>,
    %get3A_1575 = arith.constant 2400 : index
    %get3A_1576 = tpu.vector_load %arg6[%get3A_1575] {strides = array<i32>} : memref<3136xi32, #tpu.memory_space<vmem>>, vector<16xi32>,
    %get3A_1577 = vector.shape_cast %get3A_1576 : vector<16xi32> to vector<16xi32>
    %broadcast_in_dim3A_1578 = vector.shape_cast %get3A_1577 : vector<16xi32> to vector<16x1xi32>
    %gather3A_1579 = vector.shape_cast %broadcast_in_dim3A_1578 : vector<16x1xi32> to vector<16xi32>
    %gather3A_1580 = tpu.dynamic_gather %mul3A_25[%gather3A_1579] in [0] : vector<16xf32>, vector<16xi32> -> vector<16xf32>
    %swap3A_1581 = arith.constant 2400 : index
    %swap3A_1582 = tpu.vector_load %arg7[%swap3A_1581] {strides = array<i32>} : memref<3136xf32, #tpu.memory_space<vmem>>, vector<16xf32>,
    %swap3A_1583 = vector.shape_cast %swap3A_1582 : vector<16xf32> to vector<16xf32>
    %swap3A_1584 = vector.shape_cast %gather3A_1580 : vector<16xf32> to vector<16xf32>
    tpu.vector_store %arg7[%swap3A_1581], %swap3A_1584 {strides = array<i32>} : memref<3136xf32, #tpu.memory_space<vmem>>, vector<16xf32>,
    %get3A_1585 = arith.constant 2416 : index
    %get3A_1586 = tpu.vector_load %arg6[%get3A_1585] {strides = array<i32>} : memref<3136xi32, #tpu.memory_space<vmem>>, vector<16xi32>,
    %get3A_1587 = vector.shape_cast %get3A_1586 : vector<16xi32> to vector<16xi32>
    %broadcast_in_dim3A_1588 = vector.shape_cast %get3A_1587 : vector<16xi32> to vector<16x1xi32>
    %gather3A_1589 = vector.shape_cast %broadcast_in_dim3A_1588 : vector<16x1xi32> to vector<16xi32>
    %gather3A_1590 = tpu.dynamic_gather %mul3A_25[%gather3A_1589] in [0] : vector<16xf32>, vector<16xi32> -> vector<16xf32>
    %swap3A_1591 = arith.constant 2416 : index
    %swap3A_1592 = tpu.vector_load %arg7[%swap3A_1591] {strides = array<i32>} : memref<3136xf32, #tpu.memory_space<vmem>>, vector<16xf32>,
    %swap3A_1593 = vector.shape_cast %swap3A_1592 : vector<16xf32> to vector<16xf32>
    %swap3A_1594 = vector.shape_cast %gather3A_1590 : vector<16xf32> to vector<16xf32>
    tpu.vector_store %arg7[%swap3A_1591], %swap3A_1594 {strides = array<i32>} : memref<3136xf32, #tpu.memory_space<vmem>>, vector<16xf32>,
    %get3A_1595 = arith.constant 2432 : index
    %get3A_1596 = tpu.vector_load %arg6[%get3A_1595] {strides = array<i32>} : memref<3136xi32, #tpu.memory_space<vmem>>, vector<16xi32>,
    %get3A_1597 = vector.shape_cast %get3A_1596 : vector<16xi32> to vector<16xi32>
    %broadcast_in_dim3A_1598 = vector.shape_cast %get3A_1597 : vector<16xi32> to vector<16x1xi32>
    %gather3A_1599 = vector.shape_cast %broadcast_in_dim3A_1598 : vector<16x1xi32> to vector<16xi32>
    %gather3A_1600 = tpu.dynamic_gather %mul3A_25[%gather3A_1599] in [0] : vector<16xf32>, vector<16xi32> -> vector<16xf32>
    %swap3A_1601 = arith.constant 2432 : index
    %swap3A_1602 = tpu.vector_load %arg7[%swap3A_1601] {strides = array<i32>} : memref<3136xf32, #tpu.memory_space<vmem>>, vector<16xf32>,
    %swap3A_1603 = vector.shape_cast %swap3A_1602 : vector<16xf32> to vector<16xf32>
    %swap3A_1604 = vector.shape_cast %gather3A_1600 : vector<16xf32> to vector<16xf32>
    tpu.vector_store %arg7[%swap3A_1601], %swap3A_1604 {strides = array<i32>} : memref<3136xf32, #tpu.memory_space<vmem>>, vector<16xf32>,
    %get3A_1605 = arith.constant 2448 : index
    %get3A_1606 = tpu.vector_load %arg6[%get3A_1605] {strides = array<i32>} : memref<3136xi32, #tpu.memory_space<vmem>>, vector<16xi32>,
    %get3A_1607 = vector.shape_cast %get3A_1606 : vector<16xi32> to vector<16xi32>
    %broadcast_in_dim3A_1608 = vector.shape_cast %get3A_1607 : vector<16xi32> to vector<16x1xi32>
    %gather3A_1609 = vector.shape_cast %broadcast_in_dim3A_1608 : vector<16x1xi32> to vector<16xi32>
    %gather3A_1610 = tpu.dynamic_gather %mul3A_25[%gather3A_1609] in [0] : vector<16xf32>, vector<16xi32> -> vector<16xf32>
    %swap3A_1611 = arith.constant 2448 : index
    %swap3A_1612 = tpu.vector_load %arg7[%swap3A_1611] {strides = array<i32>} : memref<3136xf32, #tpu.memory_space<vmem>>, vector<16xf32>,
    %swap3A_1613 = vector.shape_cast %swap3A_1612 : vector<16xf32> to vector<16xf32>
    %swap3A_1614 = vector.shape_cast %gather3A_1610 : vector<16xf32> to vector<16xf32>
    tpu.vector_store %arg7[%swap3A_1611], %swap3A_1614 {strides = array<i32>} : memref<3136xf32, #tpu.memory_space<vmem>>, vector<16xf32>,
    %get3A_1615 = arith.constant 2464 : index
    %get3A_1616 = tpu.vector_load %arg6[%get3A_1615] {strides = array<i32>} : memref<3136xi32, #tpu.memory_space<vmem>>, vector<16xi32>,
    %get3A_1617 = vector.shape_cast %get3A_1616 : vector<16xi32> to vector<16xi32>
    %broadcast_in_dim3A_1618 = vector.shape_cast %get3A_1617 : vector<16xi32> to vector<16x1xi32>
    %gather3A_1619 = vector.shape_cast %broadcast_in_dim3A_1618 : vector<16x1xi32> to vector<16xi32>
    %gather3A_1620 = tpu.dynamic_gather %mul3A_25[%gather3A_1619] in [0] : vector<16xf32>, vector<16xi32> -> vector<16xf32>
    %swap3A_1621 = arith.constant 2464 : index
    %swap3A_1622 = tpu.vector_load %arg7[%swap3A_1621] {strides = array<i32>} : memref<3136xf32, #tpu.memory_space<vmem>>, vector<16xf32>,
    %swap3A_1623 = vector.shape_cast %swap3A_1622 : vector<16xf32> to vector<16xf32>
    %swap3A_1624 = vector.shape_cast %gather3A_1620 : vector<16xf32> to vector<16xf32>
    tpu.vector_store %arg7[%swap3A_1621], %swap3A_1624 {strides = array<i32>} : memref<3136xf32, #tpu.memory_space<vmem>>, vector<16xf32>,
    %get3A_1625 = arith.constant 2480 : index
    %get3A_1626 = tpu.vector_load %arg6[%get3A_1625] {strides = array<i32>} : memref<3136xi32, #tpu.memory_space<vmem>>, vector<16xi32>,
    %get3A_1627 = vector.shape_cast %get3A_1626 : vector<16xi32> to vector<16xi32>
    %broadcast_in_dim3A_1628 = vector.shape_cast %get3A_1627 : vector<16xi32> to vector<16x1xi32>
    %gather3A_1629 = vector.shape_cast %broadcast_in_dim3A_1628 : vector<16x1xi32> to vector<16xi32>
    %gather3A_1630 = tpu.dynamic_gather %mul3A_25[%gather3A_1629] in [0] : vector<16xf32>, vector<16xi32> -> vector<16xf32>
    %swap3A_1631 = arith.constant 2480 : index
    %swap3A_1632 = tpu.vector_load %arg7[%swap3A_1631] {strides = array<i32>} : memref<3136xf32, #tpu.memory_space<vmem>>, vector<16xf32>,
    %swap3A_1633 = vector.shape_cast %swap3A_1632 : vector<16xf32> to vector<16xf32>
    %swap3A_1634 = vector.shape_cast %gather3A_1630 : vector<16xf32> to vector<16xf32>
    tpu.vector_store %arg7[%swap3A_1631], %swap3A_1634 {strides = array<i32>} : memref<3136xf32, #tpu.memory_space<vmem>>, vector<16xf32>,
    %get3A_1635 = arith.constant 2496 : index
    %get3A_1636 = tpu.vector_load %arg6[%get3A_1635] {strides = array<i32>} : memref<3136xi32, #tpu.memory_space<vmem>>, vector<16xi32>,
    %get3A_1637 = vector.shape_cast %get3A_1636 : vector<16xi32> to vector<16xi32>
    %broadcast_in_dim3A_1638 = vector.shape_cast %get3A_1637 : vector<16xi32> to vector<16x1xi32>
    %gather3A_1639 = vector.shape_cast %broadcast_in_dim3A_1638 : vector<16x1xi32> to vector<16xi32>
    %gather3A_1640 = tpu.dynamic_gather %mul3A_25[%gather3A_1639] in [0] : vector<16xf32>, vector<16xi32> -> vector<16xf32>
    %swap3A_1641 = arith.constant 2496 : index
    %swap3A_1642 = tpu.vector_load %arg7[%swap3A_1641] {strides = array<i32>} : memref<3136xf32, #tpu.memory_space<vmem>>, vector<16xf32>,
    %swap3A_1643 = vector.shape_cast %swap3A_1642 : vector<16xf32> to vector<16xf32>
    %swap3A_1644 = vector.shape_cast %gather3A_1640 : vector<16xf32> to vector<16xf32>
    tpu.vector_store %arg7[%swap3A_1641], %swap3A_1644 {strides = array<i32>} : memref<3136xf32, #tpu.memory_space<vmem>>, vector<16xf32>,
    %get3A_1645 = arith.constant 2512 : index
    %get3A_1646 = tpu.vector_load %arg6[%get3A_1645] {strides = array<i32>} : memref<3136xi32, #tpu.memory_space<vmem>>, vector<16xi32>,
    %get3A_1647 = vector.shape_cast %get3A_1646 : vector<16xi32> to vector<16xi32>
    %broadcast_in_dim3A_1648 = vector.shape_cast %get3A_1647 : vector<16xi32> to vector<16x1xi32>
    %gather3A_1649 = vector.shape_cast %broadcast_in_dim3A_1648 : vector<16x1xi32> to vector<16xi32>
    %gather3A_1650 = tpu.dynamic_gather %mul3A_25[%gather3A_1649] in [0] : vector<16xf32>, vector<16xi32> -> vector<16xf32>
    %swap3A_1651 = arith.constant 2512 : index
    %swap3A_1652 = tpu.vector_load %arg7[%swap3A_1651] {strides = array<i32>} : memref<3136xf32, #tpu.memory_space<vmem>>, vector<16xf32>,
    %swap3A_1653 = vector.shape_cast %swap3A_1652 : vector<16xf32> to vector<16xf32>
    %swap3A_1654 = vector.shape_cast %gather3A_1650 : vector<16xf32> to vector<16xf32>
    tpu.vector_store %arg7[%swap3A_1651], %swap3A_1654 {strides = array<i32>} : memref<3136xf32, #tpu.memory_space<vmem>>, vector<16xf32>,
    %get3A_1655 = arith.constant 2528 : index
    %get3A_1656 = tpu.vector_load %arg6[%get3A_1655] {strides = array<i32>} : memref<3136xi32, #tpu.memory_space<vmem>>, vector<16xi32>,
    %get3A_1657 = vector.shape_cast %get3A_1656 : vector<16xi32> to vector<16xi32>
    %broadcast_in_dim3A_1658 = vector.shape_cast %get3A_1657 : vector<16xi32> to vector<16x1xi32>
    %gather3A_1659 = vector.shape_cast %broadcast_in_dim3A_1658 : vector<16x1xi32> to vector<16xi32>
    %gather3A_1660 = tpu.dynamic_gather %mul3A_25[%gather3A_1659] in [0] : vector<16xf32>, vector<16xi32> -> vector<16xf32>
    %swap3A_1661 = arith.constant 2528 : index
    %swap3A_1662 = tpu.vector_load %arg7[%swap3A_1661] {strides = array<i32>} : memref<3136xf32, #tpu.memory_space<vmem>>, vector<16xf32>,
    %swap3A_1663 = vector.shape_cast %swap3A_1662 : vector<16xf32> to vector<16xf32>
    %swap3A_1664 = vector.shape_cast %gather3A_1660 : vector<16xf32> to vector<16xf32>
    tpu.vector_store %arg7[%swap3A_1661], %swap3A_1664 {strides = array<i32>} : memref<3136xf32, #tpu.memory_space<vmem>>, vector<16xf32>,
    %get3A_1665 = arith.constant 2544 : index
    %get3A_1666 = tpu.vector_load %arg6[%get3A_1665] {strides = array<i32>} : memref<3136xi32, #tpu.memory_space<vmem>>, vector<16xi32>,
    %get3A_1667 = vector.shape_cast %get3A_1666 : vector<16xi32> to vector<16xi32>
    %broadcast_in_dim3A_1668 = vector.shape_cast %get3A_1667 : vector<16xi32> to vector<16x1xi32>
    %gather3A_1669 = vector.shape_cast %broadcast_in_dim3A_1668 : vector<16x1xi32> to vector<16xi32>
    %gather3A_1670 = tpu.dynamic_gather %mul3A_25[%gather3A_1669] in [0] : vector<16xf32>, vector<16xi32> -> vector<16xf32>
    %swap3A_1671 = arith.constant 2544 : index
    %swap3A_1672 = tpu.vector_load %arg7[%swap3A_1671] {strides = array<i32>} : memref<3136xf32, #tpu.memory_space<vmem>>, vector<16xf32>,
    %swap3A_1673 = vector.shape_cast %swap3A_1672 : vector<16xf32> to vector<16xf32>
    %swap3A_1674 = vector.shape_cast %gather3A_1670 : vector<16xf32> to vector<16xf32>
    tpu.vector_store %arg7[%swap3A_1671], %swap3A_1674 {strides = array<i32>} : memref<3136xf32, #tpu.memory_space<vmem>>, vector<16xf32>,
    %get3A_1675 = arith.constant 2560 : index
    %get3A_1676 = tpu.vector_load %arg6[%get3A_1675] {strides = array<i32>} : memref<3136xi32, #tpu.memory_space<vmem>>, vector<16xi32>,
    %get3A_1677 = vector.shape_cast %get3A_1676 : vector<16xi32> to vector<16xi32>
    %broadcast_in_dim3A_1678 = vector.shape_cast %get3A_1677 : vector<16xi32> to vector<16x1xi32>
    %gather3A_1679 = vector.shape_cast %broadcast_in_dim3A_1678 : vector<16x1xi32> to vector<16xi32>
    %gather3A_1680 = tpu.dynamic_gather %mul3A_25[%gather3A_1679] in [0] : vector<16xf32>, vector<16xi32> -> vector<16xf32>
    %swap3A_1681 = arith.constant 2560 : index
    %swap3A_1682 = tpu.vector_load %arg7[%swap3A_1681] {strides = array<i32>} : memref<3136xf32, #tpu.memory_space<vmem>>, vector<16xf32>,
    %swap3A_1683 = vector.shape_cast %swap3A_1682 : vector<16xf32> to vector<16xf32>
    %swap3A_1684 = vector.shape_cast %gather3A_1680 : vector<16xf32> to vector<16xf32>
    tpu.vector_store %arg7[%swap3A_1681], %swap3A_1684 {strides = array<i32>} : memref<3136xf32, #tpu.memory_space<vmem>>, vector<16xf32>,
    %get3A_1685 = arith.constant 2576 : index
    %get3A_1686 = tpu.vector_load %arg6[%get3A_1685] {strides = array<i32>} : memref<3136xi32, #tpu.memory_space<vmem>>, vector<16xi32>,
    %get3A_1687 = vector.shape_cast %get3A_1686 : vector<16xi32> to vector<16xi32>
    %broadcast_in_dim3A_1688 = vector.shape_cast %get3A_1687 : vector<16xi32> to vector<16x1xi32>
    %gather3A_1689 = vector.shape_cast %broadcast_in_dim3A_1688 : vector<16x1xi32> to vector<16xi32>
    %gather3A_1690 = tpu.dynamic_gather %mul3A_25[%gather3A_1689] in [0] : vector<16xf32>, vector<16xi32> -> vector<16xf32>
    %swap3A_1691 = arith.constant 2576 : index
    %swap3A_1692 = tpu.vector_load %arg7[%swap3A_1691] {strides = array<i32>} : memref<3136xf32, #tpu.memory_space<vmem>>, vector<16xf32>,
    %swap3A_1693 = vector.shape_cast %swap3A_1692 : vector<16xf32> to vector<16xf32>
    %swap3A_1694 = vector.shape_cast %gather3A_1690 : vector<16xf32> to vector<16xf32>
    tpu.vector_store %arg7[%swap3A_1691], %swap3A_1694 {strides = array<i32>} : memref<3136xf32, #tpu.memory_space<vmem>>, vector<16xf32>,
    %get3A_1695 = arith.constant 2592 : index
    %get3A_1696 = tpu.vector_load %arg6[%get3A_1695] {strides = array<i32>} : memref<3136xi32, #tpu.memory_space<vmem>>, vector<16xi32>,
    %get3A_1697 = vector.shape_cast %get3A_1696 : vector<16xi32> to vector<16xi32>
    %broadcast_in_dim3A_1698 = vector.shape_cast %get3A_1697 : vector<16xi32> to vector<16x1xi32>
    %gather3A_1699 = vector.shape_cast %broadcast_in_dim3A_1698 : vector<16x1xi32> to vector<16xi32>
    %gather3A_1700 = tpu.dynamic_gather %mul3A_25[%gather3A_1699] in [0] : vector<16xf32>, vector<16xi32> -> vector<16xf32>
    %swap3A_1701 = arith.constant 2592 : index
    %swap3A_1702 = tpu.vector_load %arg7[%swap3A_1701] {strides = array<i32>} : memref<3136xf32, #tpu.memory_space<vmem>>, vector<16xf32>,
    %swap3A_1703 = vector.shape_cast %swap3A_1702 : vector<16xf32> to vector<16xf32>
    %swap3A_1704 = vector.shape_cast %gather3A_1700 : vector<16xf32> to vector<16xf32>
    tpu.vector_store %arg7[%swap3A_1701], %swap3A_1704 {strides = array<i32>} : memref<3136xf32, #tpu.memory_space<vmem>>, vector<16xf32>,
    %get3A_1705 = arith.constant 2608 : index
    %get3A_1706 = tpu.vector_load %arg6[%get3A_1705] {strides = array<i32>} : memref<3136xi32, #tpu.memory_space<vmem>>, vector<16xi32>,
    %get3A_1707 = vector.shape_cast %get3A_1706 : vector<16xi32> to vector<16xi32>
    %broadcast_in_dim3A_1708 = vector.shape_cast %get3A_1707 : vector<16xi32> to vector<16x1xi32>
    %gather3A_1709 = vector.shape_cast %broadcast_in_dim3A_1708 : vector<16x1xi32> to vector<16xi32>
    %gather3A_1710 = tpu.dynamic_gather %mul3A_25[%gather3A_1709] in [0] : vector<16xf32>, vector<16xi32> -> vector<16xf32>
    %swap3A_1711 = arith.constant 2608 : index
    %swap3A_1712 = tpu.vector_load %arg7[%swap3A_1711] {strides = array<i32>} : memref<3136xf32, #tpu.memory_space<vmem>>, vector<16xf32>,
    %swap3A_1713 = vector.shape_cast %swap3A_1712 : vector<16xf32> to vector<16xf32>
    %swap3A_1714 = vector.shape_cast %gather3A_1710 : vector<16xf32> to vector<16xf32>
    tpu.vector_store %arg7[%swap3A_1711], %swap3A_1714 {strides = array<i32>} : memref<3136xf32, #tpu.memory_space<vmem>>, vector<16xf32>,
    %get3A_1715 = arith.constant 2624 : index
    %get3A_1716 = tpu.vector_load %arg6[%get3A_1715] {strides = array<i32>} : memref<3136xi32, #tpu.memory_space<vmem>>, vector<16xi32>,
    %get3A_1717 = vector.shape_cast %get3A_1716 : vector<16xi32> to vector<16xi32>
    %broadcast_in_dim3A_1718 = vector.shape_cast %get3A_1717 : vector<16xi32> to vector<16x1xi32>
    %gather3A_1719 = vector.shape_cast %broadcast_in_dim3A_1718 : vector<16x1xi32> to vector<16xi32>
    %gather3A_1720 = tpu.dynamic_gather %mul3A_25[%gather3A_1719] in [0] : vector<16xf32>, vector<16xi32> -> vector<16xf32>
    %swap3A_1721 = arith.constant 2624 : index
    %swap3A_1722 = tpu.vector_load %arg7[%swap3A_1721] {strides = array<i32>} : memref<3136xf32, #tpu.memory_space<vmem>>, vector<16xf32>,
    %swap3A_1723 = vector.shape_cast %swap3A_1722 : vector<16xf32> to vector<16xf32>
    %swap3A_1724 = vector.shape_cast %gather3A_1720 : vector<16xf32> to vector<16xf32>
    tpu.vector_store %arg7[%swap3A_1721], %swap3A_1724 {strides = array<i32>} : memref<3136xf32, #tpu.memory_space<vmem>>, vector<16xf32>,
    %get3A_1725 = arith.constant 2640 : index
    %get3A_1726 = tpu.vector_load %arg6[%get3A_1725] {strides = array<i32>} : memref<3136xi32, #tpu.memory_space<vmem>>, vector<16xi32>,
    %get3A_1727 = vector.shape_cast %get3A_1726 : vector<16xi32> to vector<16xi32>
    %broadcast_in_dim3A_1728 = vector.shape_cast %get3A_1727 : vector<16xi32> to vector<16x1xi32>
    %gather3A_1729 = vector.shape_cast %broadcast_in_dim3A_1728 : vector<16x1xi32> to vector<16xi32>
    %gather3A_1730 = tpu.dynamic_gather %mul3A_25[%gather3A_1729] in [0] : vector<16xf32>, vector<16xi32> -> vector<16xf32>
    %swap3A_1731 = arith.constant 2640 : index
    %swap3A_1732 = tpu.vector_load %arg7[%swap3A_1731] {strides = array<i32>} : memref<3136xf32, #tpu.memory_space<vmem>>, vector<16xf32>,
    %swap3A_1733 = vector.shape_cast %swap3A_1732 : vector<16xf32> to vector<16xf32>
    %swap3A_1734 = vector.shape_cast %gather3A_1730 : vector<16xf32> to vector<16xf32>
    tpu.vector_store %arg7[%swap3A_1731], %swap3A_1734 {strides = array<i32>} : memref<3136xf32, #tpu.memory_space<vmem>>, vector<16xf32>,
    %get3A_1735 = arith.constant 2656 : index
    %get3A_1736 = tpu.vector_load %arg6[%get3A_1735] {strides = array<i32>} : memref<3136xi32, #tpu.memory_space<vmem>>, vector<16xi32>,
    %get3A_1737 = vector.shape_cast %get3A_1736 : vector<16xi32> to vector<16xi32>
    %broadcast_in_dim3A_1738 = vector.shape_cast %get3A_1737 : vector<16xi32> to vector<16x1xi32>
    %gather3A_1739 = vector.shape_cast %broadcast_in_dim3A_1738 : vector<16x1xi32> to vector<16xi32>
    %gather3A_1740 = tpu.dynamic_gather %mul3A_25[%gather3A_1739] in [0] : vector<16xf32>, vector<16xi32> -> vector<16xf32>
    %swap3A_1741 = arith.constant 2656 : index
    %swap3A_1742 = tpu.vector_load %arg7[%swap3A_1741] {strides = array<i32>} : memref<3136xf32, #tpu.memory_space<vmem>>, vector<16xf32>,
    %swap3A_1743 = vector.shape_cast %swap3A_1742 : vector<16xf32> to vector<16xf32>
    %swap3A_1744 = vector.shape_cast %gather3A_1740 : vector<16xf32> to vector<16xf32>
    tpu.vector_store %arg7[%swap3A_1741], %swap3A_1744 {strides = array<i32>} : memref<3136xf32, #tpu.memory_space<vmem>>, vector<16xf32>,
    %get3A_1745 = arith.constant 2672 : index
    %get3A_1746 = tpu.vector_load %arg6[%get3A_1745] {strides = array<i32>} : memref<3136xi32, #tpu.memory_space<vmem>>, vector<16xi32>,
    %get3A_1747 = vector.shape_cast %get3A_1746 : vector<16xi32> to vector<16xi32>
    %broadcast_in_dim3A_1748 = vector.shape_cast %get3A_1747 : vector<16xi32> to vector<16x1xi32>
    %gather3A_1749 = vector.shape_cast %broadcast_in_dim3A_1748 : vector<16x1xi32> to vector<16xi32>
    %gather3A_1750 = tpu.dynamic_gather %mul3A_25[%gather3A_1749] in [0] : vector<16xf32>, vector<16xi32> -> vector<16xf32>
    %swap3A_1751 = arith.constant 2672 : index
    %swap3A_1752 = tpu.vector_load %arg7[%swap3A_1751] {strides = array<i32>} : memref<3136xf32, #tpu.memory_space<vmem>>, vector<16xf32>,
    %swap3A_1753 = vector.shape_cast %swap3A_1752 : vector<16xf32> to vector<16xf32>
    %swap3A_1754 = vector.shape_cast %gather3A_1750 : vector<16xf32> to vector<16xf32>
    tpu.vector_store %arg7[%swap3A_1751], %swap3A_1754 {strides = array<i32>} : memref<3136xf32, #tpu.memory_space<vmem>>, vector<16xf32>,
    %add3A_1755 = arith.constant 2240 : i32
    %add3A_1756 = arith.addi %select_n3A, %add3A_1755 : i32
    %dma_start3A_1757 = arith.constant 2240 : i32
    %dma_start3A_1758 = tpu.memref_slice %arg7[%dma_start3A_1757] : memref<3136xf32, #tpu.memory_space<vmem>> -> memref<448xf32, #tpu.memory_space<vmem>>
    %dma_start3A_1759 = tpu.memref_slice %arg4[%add3A_1756] : memref<50000xf32, #tpu.memory_space<hbm>> -> memref<448xf32, #tpu.memory_space<hbm>>
    %dma_start3A_1760 = tpu.memref_slice %arg4[%add3A_1756] : memref<50000xf32, #tpu.memory_space<hbm>> -> memref<448xf32, #tpu.memory_space<hbm>>
    %dma_start3A_1761 = arith.constant 2240 : i32
    %dma_start3A_1762 = tpu.memref_slice %arg7[%dma_start3A_1761] : memref<3136xf32, #tpu.memory_space<vmem>> -> memref<448xf32, #tpu.memory_space<vmem>>
    tpu.enqueue_dma source(%dma_start3A_1762 : memref<448xf32, #tpu.memory_space<vmem>>) target(%dma_start3A_1760 : memref<448xf32, #tpu.memory_space<hbm>>) target_semaphore(%arg11 : memref<!tpu.dma_semaphore, #tpu.memory_space<semaphore_mem>>)
    %get3A_1763 = arith.constant 2688 : index
    %get3A_1764 = tpu.vector_load %arg6[%get3A_1763] {strides = array<i32>} : memref<3136xi32, #tpu.memory_space<vmem>>, vector<16xi32>,
    %get3A_1765 = vector.shape_cast %get3A_1764 : vector<16xi32> to vector<16xi32>
    %broadcast_in_dim3A_1766 = vector.shape_cast %get3A_1765 : vector<16xi32> to vector<16x1xi32>
    %gather3A_1767 = vector.shape_cast %broadcast_in_dim3A_1766 : vector<16x1xi32> to vector<16xi32>
    %gather3A_1768 = tpu.dynamic_gather %mul3A_25[%gather3A_1767] in [0] : vector<16xf32>, vector<16xi32> -> vector<16xf32>
    %swap3A_1769 = arith.constant 2688 : index
    %swap3A_1770 = tpu.vector_load %arg7[%swap3A_1769] {strides = array<i32>} : memref<3136xf32, #tpu.memory_space<vmem>>, vector<16xf32>,
    %swap3A_1771 = vector.shape_cast %swap3A_1770 : vector<16xf32> to vector<16xf32>
    %swap3A_1772 = vector.shape_cast %gather3A_1768 : vector<16xf32> to vector<16xf32>
    tpu.vector_store %arg7[%swap3A_1769], %swap3A_1772 {strides = array<i32>} : memref<3136xf32, #tpu.memory_space<vmem>>, vector<16xf32>,
    %get3A_1773 = arith.constant 2704 : index
    %get3A_1774 = tpu.vector_load %arg6[%get3A_1773] {strides = array<i32>} : memref<3136xi32, #tpu.memory_space<vmem>>, vector<16xi32>,
    %get3A_1775 = vector.shape_cast %get3A_1774 : vector<16xi32> to vector<16xi32>
    %broadcast_in_dim3A_1776 = vector.shape_cast %get3A_1775 : vector<16xi32> to vector<16x1xi32>
    %gather3A_1777 = vector.shape_cast %broadcast_in_dim3A_1776 : vector<16x1xi32> to vector<16xi32>
    %gather3A_1778 = tpu.dynamic_gather %mul3A_25[%gather3A_1777] in [0] : vector<16xf32>, vector<16xi32> -> vector<16xf32>
    %swap3A_1779 = arith.constant 2704 : index
    %swap3A_1780 = tpu.vector_load %arg7[%swap3A_1779] {strides = array<i32>} : memref<3136xf32, #tpu.memory_space<vmem>>, vector<16xf32>,
    %swap3A_1781 = vector.shape_cast %swap3A_1780 : vector<16xf32> to vector<16xf32>
    %swap3A_1782 = vector.shape_cast %gather3A_1778 : vector<16xf32> to vector<16xf32>
    tpu.vector_store %arg7[%swap3A_1779], %swap3A_1782 {strides = array<i32>} : memref<3136xf32, #tpu.memory_space<vmem>>, vector<16xf32>,
    %get3A_1783 = arith.constant 2720 : index
    %get3A_1784 = tpu.vector_load %arg6[%get3A_1783] {strides = array<i32>} : memref<3136xi32, #tpu.memory_space<vmem>>, vector<16xi32>,
    %get3A_1785 = vector.shape_cast %get3A_1784 : vector<16xi32> to vector<16xi32>
    %broadcast_in_dim3A_1786 = vector.shape_cast %get3A_1785 : vector<16xi32> to vector<16x1xi32>
    %gather3A_1787 = vector.shape_cast %broadcast_in_dim3A_1786 : vector<16x1xi32> to vector<16xi32>
    %gather3A_1788 = tpu.dynamic_gather %mul3A_25[%gather3A_1787] in [0] : vector<16xf32>, vector<16xi32> -> vector<16xf32>
    %swap3A_1789 = arith.constant 2720 : index
    %swap3A_1790 = tpu.vector_load %arg7[%swap3A_1789] {strides = array<i32>} : memref<3136xf32, #tpu.memory_space<vmem>>, vector<16xf32>,
    %swap3A_1791 = vector.shape_cast %swap3A_1790 : vector<16xf32> to vector<16xf32>
    %swap3A_1792 = vector.shape_cast %gather3A_1788 : vector<16xf32> to vector<16xf32>
    tpu.vector_store %arg7[%swap3A_1789], %swap3A_1792 {strides = array<i32>} : memref<3136xf32, #tpu.memory_space<vmem>>, vector<16xf32>,
    %get3A_1793 = arith.constant 2736 : index
    %get3A_1794 = tpu.vector_load %arg6[%get3A_1793] {strides = array<i32>} : memref<3136xi32, #tpu.memory_space<vmem>>, vector<16xi32>,
    %get3A_1795 = vector.shape_cast %get3A_1794 : vector<16xi32> to vector<16xi32>
    %broadcast_in_dim3A_1796 = vector.shape_cast %get3A_1795 : vector<16xi32> to vector<16x1xi32>
    %gather3A_1797 = vector.shape_cast %broadcast_in_dim3A_1796 : vector<16x1xi32> to vector<16xi32>
    %gather3A_1798 = tpu.dynamic_gather %mul3A_25[%gather3A_1797] in [0] : vector<16xf32>, vector<16xi32> -> vector<16xf32>
    %swap3A_1799 = arith.constant 2736 : index
    %swap3A_1800 = tpu.vector_load %arg7[%swap3A_1799] {strides = array<i32>} : memref<3136xf32, #tpu.memory_space<vmem>>, vector<16xf32>,
    %swap3A_1801 = vector.shape_cast %swap3A_1800 : vector<16xf32> to vector<16xf32>
    %swap3A_1802 = vector.shape_cast %gather3A_1798 : vector<16xf32> to vector<16xf32>
    tpu.vector_store %arg7[%swap3A_1799], %swap3A_1802 {strides = array<i32>} : memref<3136xf32, #tpu.memory_space<vmem>>, vector<16xf32>,
    %get3A_1803 = arith.constant 2752 : index
    %get3A_1804 = tpu.vector_load %arg6[%get3A_1803] {strides = array<i32>} : memref<3136xi32, #tpu.memory_space<vmem>>, vector<16xi32>,
    %get3A_1805 = vector.shape_cast %get3A_1804 : vector<16xi32> to vector<16xi32>
    %broadcast_in_dim3A_1806 = vector.shape_cast %get3A_1805 : vector<16xi32> to vector<16x1xi32>
    %gather3A_1807 = vector.shape_cast %broadcast_in_dim3A_1806 : vector<16x1xi32> to vector<16xi32>
    %gather3A_1808 = tpu.dynamic_gather %mul3A_25[%gather3A_1807] in [0] : vector<16xf32>, vector<16xi32> -> vector<16xf32>
    %swap3A_1809 = arith.constant 2752 : index
    %swap3A_1810 = tpu.vector_load %arg7[%swap3A_1809] {strides = array<i32>} : memref<3136xf32, #tpu.memory_space<vmem>>, vector<16xf32>,
    %swap3A_1811 = vector.shape_cast %swap3A_1810 : vector<16xf32> to vector<16xf32>
    %swap3A_1812 = vector.shape_cast %gather3A_1808 : vector<16xf32> to vector<16xf32>
    tpu.vector_store %arg7[%swap3A_1809], %swap3A_1812 {strides = array<i32>} : memref<3136xf32, #tpu.memory_space<vmem>>, vector<16xf32>,
    %get3A_1813 = arith.constant 2768 : index
    %get3A_1814 = tpu.vector_load %arg6[%get3A_1813] {strides = array<i32>} : memref<3136xi32, #tpu.memory_space<vmem>>, vector<16xi32>,
    %get3A_1815 = vector.shape_cast %get3A_1814 : vector<16xi32> to vector<16xi32>
    %broadcast_in_dim3A_1816 = vector.shape_cast %get3A_1815 : vector<16xi32> to vector<16x1xi32>
    %gather3A_1817 = vector.shape_cast %broadcast_in_dim3A_1816 : vector<16x1xi32> to vector<16xi32>
    %gather3A_1818 = tpu.dynamic_gather %mul3A_25[%gather3A_1817] in [0] : vector<16xf32>, vector<16xi32> -> vector<16xf32>
    %swap3A_1819 = arith.constant 2768 : index
    %swap3A_1820 = tpu.vector_load %arg7[%swap3A_1819] {strides = array<i32>} : memref<3136xf32, #tpu.memory_space<vmem>>, vector<16xf32>,
    %swap3A_1821 = vector.shape_cast %swap3A_1820 : vector<16xf32> to vector<16xf32>
    %swap3A_1822 = vector.shape_cast %gather3A_1818 : vector<16xf32> to vector<16xf32>
    tpu.vector_store %arg7[%swap3A_1819], %swap3A_1822 {strides = array<i32>} : memref<3136xf32, #tpu.memory_space<vmem>>, vector<16xf32>,
    %get3A_1823 = arith.constant 2784 : index
    %get3A_1824 = tpu.vector_load %arg6[%get3A_1823] {strides = array<i32>} : memref<3136xi32, #tpu.memory_space<vmem>>, vector<16xi32>,
    %get3A_1825 = vector.shape_cast %get3A_1824 : vector<16xi32> to vector<16xi32>
    %broadcast_in_dim3A_1826 = vector.shape_cast %get3A_1825 : vector<16xi32> to vector<16x1xi32>
    %gather3A_1827 = vector.shape_cast %broadcast_in_dim3A_1826 : vector<16x1xi32> to vector<16xi32>
    %gather3A_1828 = tpu.dynamic_gather %mul3A_25[%gather3A_1827] in [0] : vector<16xf32>, vector<16xi32> -> vector<16xf32>
    %swap3A_1829 = arith.constant 2784 : index
    %swap3A_1830 = tpu.vector_load %arg7[%swap3A_1829] {strides = array<i32>} : memref<3136xf32, #tpu.memory_space<vmem>>, vector<16xf32>,
    %swap3A_1831 = vector.shape_cast %swap3A_1830 : vector<16xf32> to vector<16xf32>
    %swap3A_1832 = vector.shape_cast %gather3A_1828 : vector<16xf32> to vector<16xf32>
    tpu.vector_store %arg7[%swap3A_1829], %swap3A_1832 {strides = array<i32>} : memref<3136xf32, #tpu.memory_space<vmem>>, vector<16xf32>,
    %get3A_1833 = arith.constant 2800 : index
    %get3A_1834 = tpu.vector_load %arg6[%get3A_1833] {strides = array<i32>} : memref<3136xi32, #tpu.memory_space<vmem>>, vector<16xi32>,
    %get3A_1835 = vector.shape_cast %get3A_1834 : vector<16xi32> to vector<16xi32>
    %broadcast_in_dim3A_1836 = vector.shape_cast %get3A_1835 : vector<16xi32> to vector<16x1xi32>
    %gather3A_1837 = vector.shape_cast %broadcast_in_dim3A_1836 : vector<16x1xi32> to vector<16xi32>
    %gather3A_1838 = tpu.dynamic_gather %mul3A_25[%gather3A_1837] in [0] : vector<16xf32>, vector<16xi32> -> vector<16xf32>
    %swap3A_1839 = arith.constant 2800 : index
    %swap3A_1840 = tpu.vector_load %arg7[%swap3A_1839] {strides = array<i32>} : memref<3136xf32, #tpu.memory_space<vmem>>, vector<16xf32>,
    %swap3A_1841 = vector.shape_cast %swap3A_1840 : vector<16xf32> to vector<16xf32>
    %swap3A_1842 = vector.shape_cast %gather3A_1838 : vector<16xf32> to vector<16xf32>
    tpu.vector_store %arg7[%swap3A_1839], %swap3A_1842 {strides = array<i32>} : memref<3136xf32, #tpu.memory_space<vmem>>, vector<16xf32>,
    %get3A_1843 = arith.constant 2816 : index
    %get3A_1844 = tpu.vector_load %arg6[%get3A_1843] {strides = array<i32>} : memref<3136xi32, #tpu.memory_space<vmem>>, vector<16xi32>,
    %get3A_1845 = vector.shape_cast %get3A_1844 : vector<16xi32> to vector<16xi32>
    %broadcast_in_dim3A_1846 = vector.shape_cast %get3A_1845 : vector<16xi32> to vector<16x1xi32>
    %gather3A_1847 = vector.shape_cast %broadcast_in_dim3A_1846 : vector<16x1xi32> to vector<16xi32>
    %gather3A_1848 = tpu.dynamic_gather %mul3A_25[%gather3A_1847] in [0] : vector<16xf32>, vector<16xi32> -> vector<16xf32>
    %swap3A_1849 = arith.constant 2816 : index
    %swap3A_1850 = tpu.vector_load %arg7[%swap3A_1849] {strides = array<i32>} : memref<3136xf32, #tpu.memory_space<vmem>>, vector<16xf32>,
    %swap3A_1851 = vector.shape_cast %swap3A_1850 : vector<16xf32> to vector<16xf32>
    %swap3A_1852 = vector.shape_cast %gather3A_1848 : vector<16xf32> to vector<16xf32>
    tpu.vector_store %arg7[%swap3A_1849], %swap3A_1852 {strides = array<i32>} : memref<3136xf32, #tpu.memory_space<vmem>>, vector<16xf32>,
    %get3A_1853 = arith.constant 2832 : index
    %get3A_1854 = tpu.vector_load %arg6[%get3A_1853] {strides = array<i32>} : memref<3136xi32, #tpu.memory_space<vmem>>, vector<16xi32>,
    %get3A_1855 = vector.shape_cast %get3A_1854 : vector<16xi32> to vector<16xi32>
    %broadcast_in_dim3A_1856 = vector.shape_cast %get3A_1855 : vector<16xi32> to vector<16x1xi32>
    %gather3A_1857 = vector.shape_cast %broadcast_in_dim3A_1856 : vector<16x1xi32> to vector<16xi32>
    %gather3A_1858 = tpu.dynamic_gather %mul3A_25[%gather3A_1857] in [0] : vector<16xf32>, vector<16xi32> -> vector<16xf32>
    %swap3A_1859 = arith.constant 2832 : index
    %swap3A_1860 = tpu.vector_load %arg7[%swap3A_1859] {strides = array<i32>} : memref<3136xf32, #tpu.memory_space<vmem>>, vector<16xf32>,
    %swap3A_1861 = vector.shape_cast %swap3A_1860 : vector<16xf32> to vector<16xf32>
    %swap3A_1862 = vector.shape_cast %gather3A_1858 : vector<16xf32> to vector<16xf32>
    tpu.vector_store %arg7[%swap3A_1859], %swap3A_1862 {strides = array<i32>} : memref<3136xf32, #tpu.memory_space<vmem>>, vector<16xf32>,
    %get3A_1863 = arith.constant 2848 : index
    %get3A_1864 = tpu.vector_load %arg6[%get3A_1863] {strides = array<i32>} : memref<3136xi32, #tpu.memory_space<vmem>>, vector<16xi32>,
    %get3A_1865 = vector.shape_cast %get3A_1864 : vector<16xi32> to vector<16xi32>
    %broadcast_in_dim3A_1866 = vector.shape_cast %get3A_1865 : vector<16xi32> to vector<16x1xi32>
    %gather3A_1867 = vector.shape_cast %broadcast_in_dim3A_1866 : vector<16x1xi32> to vector<16xi32>
    %gather3A_1868 = tpu.dynamic_gather %mul3A_25[%gather3A_1867] in [0] : vector<16xf32>, vector<16xi32> -> vector<16xf32>
    %swap3A_1869 = arith.constant 2848 : index
    %swap3A_1870 = tpu.vector_load %arg7[%swap3A_1869] {strides = array<i32>} : memref<3136xf32, #tpu.memory_space<vmem>>, vector<16xf32>,
    %swap3A_1871 = vector.shape_cast %swap3A_1870 : vector<16xf32> to vector<16xf32>
    %swap3A_1872 = vector.shape_cast %gather3A_1868 : vector<16xf32> to vector<16xf32>
    tpu.vector_store %arg7[%swap3A_1869], %swap3A_1872 {strides = array<i32>} : memref<3136xf32, #tpu.memory_space<vmem>>, vector<16xf32>,
    %get3A_1873 = arith.constant 2864 : index
    %get3A_1874 = tpu.vector_load %arg6[%get3A_1873] {strides = array<i32>} : memref<3136xi32, #tpu.memory_space<vmem>>, vector<16xi32>,
    %get3A_1875 = vector.shape_cast %get3A_1874 : vector<16xi32> to vector<16xi32>
    %broadcast_in_dim3A_1876 = vector.shape_cast %get3A_1875 : vector<16xi32> to vector<16x1xi32>
    %gather3A_1877 = vector.shape_cast %broadcast_in_dim3A_1876 : vector<16x1xi32> to vector<16xi32>
    %gather3A_1878 = tpu.dynamic_gather %mul3A_25[%gather3A_1877] in [0] : vector<16xf32>, vector<16xi32> -> vector<16xf32>
    %swap3A_1879 = arith.constant 2864 : index
    %swap3A_1880 = tpu.vector_load %arg7[%swap3A_1879] {strides = array<i32>} : memref<3136xf32, #tpu.memory_space<vmem>>, vector<16xf32>,
    %swap3A_1881 = vector.shape_cast %swap3A_1880 : vector<16xf32> to vector<16xf32>
    %swap3A_1882 = vector.shape_cast %gather3A_1878 : vector<16xf32> to vector<16xf32>
    tpu.vector_store %arg7[%swap3A_1879], %swap3A_1882 {strides = array<i32>} : memref<3136xf32, #tpu.memory_space<vmem>>, vector<16xf32>,
    %get3A_1883 = arith.constant 2880 : index
    %get3A_1884 = tpu.vector_load %arg6[%get3A_1883] {strides = array<i32>} : memref<3136xi32, #tpu.memory_space<vmem>>, vector<16xi32>,
    %get3A_1885 = vector.shape_cast %get3A_1884 : vector<16xi32> to vector<16xi32>
    %broadcast_in_dim3A_1886 = vector.shape_cast %get3A_1885 : vector<16xi32> to vector<16x1xi32>
    %gather3A_1887 = vector.shape_cast %broadcast_in_dim3A_1886 : vector<16x1xi32> to vector<16xi32>
    %gather3A_1888 = tpu.dynamic_gather %mul3A_25[%gather3A_1887] in [0] : vector<16xf32>, vector<16xi32> -> vector<16xf32>
    %swap3A_1889 = arith.constant 2880 : index
    %swap3A_1890 = tpu.vector_load %arg7[%swap3A_1889] {strides = array<i32>} : memref<3136xf32, #tpu.memory_space<vmem>>, vector<16xf32>,
    %swap3A_1891 = vector.shape_cast %swap3A_1890 : vector<16xf32> to vector<16xf32>
    %swap3A_1892 = vector.shape_cast %gather3A_1888 : vector<16xf32> to vector<16xf32>
    tpu.vector_store %arg7[%swap3A_1889], %swap3A_1892 {strides = array<i32>} : memref<3136xf32, #tpu.memory_space<vmem>>, vector<16xf32>,
    %get3A_1893 = arith.constant 2896 : index
    %get3A_1894 = tpu.vector_load %arg6[%get3A_1893] {strides = array<i32>} : memref<3136xi32, #tpu.memory_space<vmem>>, vector<16xi32>,
    %get3A_1895 = vector.shape_cast %get3A_1894 : vector<16xi32> to vector<16xi32>
    %broadcast_in_dim3A_1896 = vector.shape_cast %get3A_1895 : vector<16xi32> to vector<16x1xi32>
    %gather3A_1897 = vector.shape_cast %broadcast_in_dim3A_1896 : vector<16x1xi32> to vector<16xi32>
    %gather3A_1898 = tpu.dynamic_gather %mul3A_25[%gather3A_1897] in [0] : vector<16xf32>, vector<16xi32> -> vector<16xf32>
    %swap3A_1899 = arith.constant 2896 : index
    %swap3A_1900 = tpu.vector_load %arg7[%swap3A_1899] {strides = array<i32>} : memref<3136xf32, #tpu.memory_space<vmem>>, vector<16xf32>,
    %swap3A_1901 = vector.shape_cast %swap3A_1900 : vector<16xf32> to vector<16xf32>
    %swap3A_1902 = vector.shape_cast %gather3A_1898 : vector<16xf32> to vector<16xf32>
    tpu.vector_store %arg7[%swap3A_1899], %swap3A_1902 {strides = array<i32>} : memref<3136xf32, #tpu.memory_space<vmem>>, vector<16xf32>,
    %get3A_1903 = arith.constant 2912 : index
    %get3A_1904 = tpu.vector_load %arg6[%get3A_1903] {strides = array<i32>} : memref<3136xi32, #tpu.memory_space<vmem>>, vector<16xi32>,
    %get3A_1905 = vector.shape_cast %get3A_1904 : vector<16xi32> to vector<16xi32>
    %broadcast_in_dim3A_1906 = vector.shape_cast %get3A_1905 : vector<16xi32> to vector<16x1xi32>
    %gather3A_1907 = vector.shape_cast %broadcast_in_dim3A_1906 : vector<16x1xi32> to vector<16xi32>
    %gather3A_1908 = tpu.dynamic_gather %mul3A_25[%gather3A_1907] in [0] : vector<16xf32>, vector<16xi32> -> vector<16xf32>
    %swap3A_1909 = arith.constant 2912 : index
    %swap3A_1910 = tpu.vector_load %arg7[%swap3A_1909] {strides = array<i32>} : memref<3136xf32, #tpu.memory_space<vmem>>, vector<16xf32>,
    %swap3A_1911 = vector.shape_cast %swap3A_1910 : vector<16xf32> to vector<16xf32>
    %swap3A_1912 = vector.shape_cast %gather3A_1908 : vector<16xf32> to vector<16xf32>
    tpu.vector_store %arg7[%swap3A_1909], %swap3A_1912 {strides = array<i32>} : memref<3136xf32, #tpu.memory_space<vmem>>, vector<16xf32>,
    %get3A_1913 = arith.constant 2928 : index
    %get3A_1914 = tpu.vector_load %arg6[%get3A_1913] {strides = array<i32>} : memref<3136xi32, #tpu.memory_space<vmem>>, vector<16xi32>,
    %get3A_1915 = vector.shape_cast %get3A_1914 : vector<16xi32> to vector<16xi32>
    %broadcast_in_dim3A_1916 = vector.shape_cast %get3A_1915 : vector<16xi32> to vector<16x1xi32>
    %gather3A_1917 = vector.shape_cast %broadcast_in_dim3A_1916 : vector<16x1xi32> to vector<16xi32>
    %gather3A_1918 = tpu.dynamic_gather %mul3A_25[%gather3A_1917] in [0] : vector<16xf32>, vector<16xi32> -> vector<16xf32>
    %swap3A_1919 = arith.constant 2928 : index
    %swap3A_1920 = tpu.vector_load %arg7[%swap3A_1919] {strides = array<i32>} : memref<3136xf32, #tpu.memory_space<vmem>>, vector<16xf32>,
    %swap3A_1921 = vector.shape_cast %swap3A_1920 : vector<16xf32> to vector<16xf32>
    %swap3A_1922 = vector.shape_cast %gather3A_1918 : vector<16xf32> to vector<16xf32>
    tpu.vector_store %arg7[%swap3A_1919], %swap3A_1922 {strides = array<i32>} : memref<3136xf32, #tpu.memory_space<vmem>>, vector<16xf32>,
    %get3A_1923 = arith.constant 2944 : index
    %get3A_1924 = tpu.vector_load %arg6[%get3A_1923] {strides = array<i32>} : memref<3136xi32, #tpu.memory_space<vmem>>, vector<16xi32>,
    %get3A_1925 = vector.shape_cast %get3A_1924 : vector<16xi32> to vector<16xi32>
    %broadcast_in_dim3A_1926 = vector.shape_cast %get3A_1925 : vector<16xi32> to vector<16x1xi32>
    %gather3A_1927 = vector.shape_cast %broadcast_in_dim3A_1926 : vector<16x1xi32> to vector<16xi32>
    %gather3A_1928 = tpu.dynamic_gather %mul3A_25[%gather3A_1927] in [0] : vector<16xf32>, vector<16xi32> -> vector<16xf32>
    %swap3A_1929 = arith.constant 2944 : index
    %swap3A_1930 = tpu.vector_load %arg7[%swap3A_1929] {strides = array<i32>} : memref<3136xf32, #tpu.memory_space<vmem>>, vector<16xf32>,
    %swap3A_1931 = vector.shape_cast %swap3A_1930 : vector<16xf32> to vector<16xf32>
    %swap3A_1932 = vector.shape_cast %gather3A_1928 : vector<16xf32> to vector<16xf32>
    tpu.vector_store %arg7[%swap3A_1929], %swap3A_1932 {strides = array<i32>} : memref<3136xf32, #tpu.memory_space<vmem>>, vector<16xf32>,
    %get3A_1933 = arith.constant 2960 : index
    %get3A_1934 = tpu.vector_load %arg6[%get3A_1933] {strides = array<i32>} : memref<3136xi32, #tpu.memory_space<vmem>>, vector<16xi32>,
    %get3A_1935 = vector.shape_cast %get3A_1934 : vector<16xi32> to vector<16xi32>
    %broadcast_in_dim3A_1936 = vector.shape_cast %get3A_1935 : vector<16xi32> to vector<16x1xi32>
    %gather3A_1937 = vector.shape_cast %broadcast_in_dim3A_1936 : vector<16x1xi32> to vector<16xi32>
    %gather3A_1938 = tpu.dynamic_gather %mul3A_25[%gather3A_1937] in [0] : vector<16xf32>, vector<16xi32> -> vector<16xf32>
    %swap3A_1939 = arith.constant 2960 : index
    %swap3A_1940 = tpu.vector_load %arg7[%swap3A_1939] {strides = array<i32>} : memref<3136xf32, #tpu.memory_space<vmem>>, vector<16xf32>,
    %swap3A_1941 = vector.shape_cast %swap3A_1940 : vector<16xf32> to vector<16xf32>
    %swap3A_1942 = vector.shape_cast %gather3A_1938 : vector<16xf32> to vector<16xf32>
    tpu.vector_store %arg7[%swap3A_1939], %swap3A_1942 {strides = array<i32>} : memref<3136xf32, #tpu.memory_space<vmem>>, vector<16xf32>,
    %get3A_1943 = arith.constant 2976 : index
    %get3A_1944 = tpu.vector_load %arg6[%get3A_1943] {strides = array<i32>} : memref<3136xi32, #tpu.memory_space<vmem>>, vector<16xi32>,
    %get3A_1945 = vector.shape_cast %get3A_1944 : vector<16xi32> to vector<16xi32>
    %broadcast_in_dim3A_1946 = vector.shape_cast %get3A_1945 : vector<16xi32> to vector<16x1xi32>
    %gather3A_1947 = vector.shape_cast %broadcast_in_dim3A_1946 : vector<16x1xi32> to vector<16xi32>
    %gather3A_1948 = tpu.dynamic_gather %mul3A_25[%gather3A_1947] in [0] : vector<16xf32>, vector<16xi32> -> vector<16xf32>
    %swap3A_1949 = arith.constant 2976 : index
    %swap3A_1950 = tpu.vector_load %arg7[%swap3A_1949] {strides = array<i32>} : memref<3136xf32, #tpu.memory_space<vmem>>, vector<16xf32>,
    %swap3A_1951 = vector.shape_cast %swap3A_1950 : vector<16xf32> to vector<16xf32>
    %swap3A_1952 = vector.shape_cast %gather3A_1948 : vector<16xf32> to vector<16xf32>
    tpu.vector_store %arg7[%swap3A_1949], %swap3A_1952 {strides = array<i32>} : memref<3136xf32, #tpu.memory_space<vmem>>, vector<16xf32>,
    %get3A_1953 = arith.constant 2992 : index
    %get3A_1954 = tpu.vector_load %arg6[%get3A_1953] {strides = array<i32>} : memref<3136xi32, #tpu.memory_space<vmem>>, vector<16xi32>,
    %get3A_1955 = vector.shape_cast %get3A_1954 : vector<16xi32> to vector<16xi32>
    %broadcast_in_dim3A_1956 = vector.shape_cast %get3A_1955 : vector<16xi32> to vector<16x1xi32>
    %gather3A_1957 = vector.shape_cast %broadcast_in_dim3A_1956 : vector<16x1xi32> to vector<16xi32>
    %gather3A_1958 = tpu.dynamic_gather %mul3A_25[%gather3A_1957] in [0] : vector<16xf32>, vector<16xi32> -> vector<16xf32>
    %swap3A_1959 = arith.constant 2992 : index
    %swap3A_1960 = tpu.vector_load %arg7[%swap3A_1959] {strides = array<i32>} : memref<3136xf32, #tpu.memory_space<vmem>>, vector<16xf32>,
    %swap3A_1961 = vector.shape_cast %swap3A_1960 : vector<16xf32> to vector<16xf32>
    %swap3A_1962 = vector.shape_cast %gather3A_1958 : vector<16xf32> to vector<16xf32>
    tpu.vector_store %arg7[%swap3A_1959], %swap3A_1962 {strides = array<i32>} : memref<3136xf32, #tpu.memory_space<vmem>>, vector<16xf32>,
    %get3A_1963 = arith.constant 3008 : index
    %get3A_1964 = tpu.vector_load %arg6[%get3A_1963] {strides = array<i32>} : memref<3136xi32, #tpu.memory_space<vmem>>, vector<16xi32>,
    %get3A_1965 = vector.shape_cast %get3A_1964 : vector<16xi32> to vector<16xi32>
    %broadcast_in_dim3A_1966 = vector.shape_cast %get3A_1965 : vector<16xi32> to vector<16x1xi32>
    %gather3A_1967 = vector.shape_cast %broadcast_in_dim3A_1966 : vector<16x1xi32> to vector<16xi32>
    %gather3A_1968 = tpu.dynamic_gather %mul3A_25[%gather3A_1967] in [0] : vector<16xf32>, vector<16xi32> -> vector<16xf32>
    %swap3A_1969 = arith.constant 3008 : index
    %swap3A_1970 = tpu.vector_load %arg7[%swap3A_1969] {strides = array<i32>} : memref<3136xf32, #tpu.memory_space<vmem>>, vector<16xf32>,
    %swap3A_1971 = vector.shape_cast %swap3A_1970 : vector<16xf32> to vector<16xf32>
    %swap3A_1972 = vector.shape_cast %gather3A_1968 : vector<16xf32> to vector<16xf32>
    tpu.vector_store %arg7[%swap3A_1969], %swap3A_1972 {strides = array<i32>} : memref<3136xf32, #tpu.memory_space<vmem>>, vector<16xf32>,
    %get3A_1973 = arith.constant 3024 : index
    %get3A_1974 = tpu.vector_load %arg6[%get3A_1973] {strides = array<i32>} : memref<3136xi32, #tpu.memory_space<vmem>>, vector<16xi32>,
    %get3A_1975 = vector.shape_cast %get3A_1974 : vector<16xi32> to vector<16xi32>
    %broadcast_in_dim3A_1976 = vector.shape_cast %get3A_1975 : vector<16xi32> to vector<16x1xi32>
    %gather3A_1977 = vector.shape_cast %broadcast_in_dim3A_1976 : vector<16x1xi32> to vector<16xi32>
    %gather3A_1978 = tpu.dynamic_gather %mul3A_25[%gather3A_1977] in [0] : vector<16xf32>, vector<16xi32> -> vector<16xf32>
    %swap3A_1979 = arith.constant 3024 : index
    %swap3A_1980 = tpu.vector_load %arg7[%swap3A_1979] {strides = array<i32>} : memref<3136xf32, #tpu.memory_space<vmem>>, vector<16xf32>,
    %swap3A_1981 = vector.shape_cast %swap3A_1980 : vector<16xf32> to vector<16xf32>
    %swap3A_1982 = vector.shape_cast %gather3A_1978 : vector<16xf32> to vector<16xf32>
    tpu.vector_store %arg7[%swap3A_1979], %swap3A_1982 {strides = array<i32>} : memref<3136xf32, #tpu.memory_space<vmem>>, vector<16xf32>,
    %get3A_1983 = arith.constant 3040 : index
    %get3A_1984 = tpu.vector_load %arg6[%get3A_1983] {strides = array<i32>} : memref<3136xi32, #tpu.memory_space<vmem>>, vector<16xi32>,
    %get3A_1985 = vector.shape_cast %get3A_1984 : vector<16xi32> to vector<16xi32>
    %broadcast_in_dim3A_1986 = vector.shape_cast %get3A_1985 : vector<16xi32> to vector<16x1xi32>
    %gather3A_1987 = vector.shape_cast %broadcast_in_dim3A_1986 : vector<16x1xi32> to vector<16xi32>
    %gather3A_1988 = tpu.dynamic_gather %mul3A_25[%gather3A_1987] in [0] : vector<16xf32>, vector<16xi32> -> vector<16xf32>
    %swap3A_1989 = arith.constant 3040 : index
    %swap3A_1990 = tpu.vector_load %arg7[%swap3A_1989] {strides = array<i32>} : memref<3136xf32, #tpu.memory_space<vmem>>, vector<16xf32>,
    %swap3A_1991 = vector.shape_cast %swap3A_1990 : vector<16xf32> to vector<16xf32>
    %swap3A_1992 = vector.shape_cast %gather3A_1988 : vector<16xf32> to vector<16xf32>
    tpu.vector_store %arg7[%swap3A_1989], %swap3A_1992 {strides = array<i32>} : memref<3136xf32, #tpu.memory_space<vmem>>, vector<16xf32>,
    %get3A_1993 = arith.constant 3056 : index
    %get3A_1994 = tpu.vector_load %arg6[%get3A_1993] {strides = array<i32>} : memref<3136xi32, #tpu.memory_space<vmem>>, vector<16xi32>,
    %get3A_1995 = vector.shape_cast %get3A_1994 : vector<16xi32> to vector<16xi32>
    %broadcast_in_dim3A_1996 = vector.shape_cast %get3A_1995 : vector<16xi32> to vector<16x1xi32>
    %gather3A_1997 = vector.shape_cast %broadcast_in_dim3A_1996 : vector<16x1xi32> to vector<16xi32>
    %gather3A_1998 = tpu.dynamic_gather %mul3A_25[%gather3A_1997] in [0] : vector<16xf32>, vector<16xi32> -> vector<16xf32>
    %swap3A_1999 = arith.constant 3056 : index
    %swap3A_2000 = tpu.vector_load %arg7[%swap3A_1999] {strides = array<i32>} : memref<3136xf32, #tpu.memory_space<vmem>>, vector<16xf32>,
    %swap3A_2001 = vector.shape_cast %swap3A_2000 : vector<16xf32> to vector<16xf32>
    %swap3A_2002 = vector.shape_cast %gather3A_1998 : vector<16xf32> to vector<16xf32>
    tpu.vector_store %arg7[%swap3A_1999], %swap3A_2002 {strides = array<i32>} : memref<3136xf32, #tpu.memory_space<vmem>>, vector<16xf32>,
    %get3A_2003 = arith.constant 3072 : index
    %get3A_2004 = tpu.vector_load %arg6[%get3A_2003] {strides = array<i32>} : memref<3136xi32, #tpu.memory_space<vmem>>, vector<16xi32>,
    %get3A_2005 = vector.shape_cast %get3A_2004 : vector<16xi32> to vector<16xi32>
    %broadcast_in_dim3A_2006 = vector.shape_cast %get3A_2005 : vector<16xi32> to vector<16x1xi32>
    %gather3A_2007 = vector.shape_cast %broadcast_in_dim3A_2006 : vector<16x1xi32> to vector<16xi32>
    %gather3A_2008 = tpu.dynamic_gather %mul3A_25[%gather3A_2007] in [0] : vector<16xf32>, vector<16xi32> -> vector<16xf32>
    %swap3A_2009 = arith.constant 3072 : index
    %swap3A_2010 = tpu.vector_load %arg7[%swap3A_2009] {strides = array<i32>} : memref<3136xf32, #tpu.memory_space<vmem>>, vector<16xf32>,
    %swap3A_2011 = vector.shape_cast %swap3A_2010 : vector<16xf32> to vector<16xf32>
    %swap3A_2012 = vector.shape_cast %gather3A_2008 : vector<16xf32> to vector<16xf32>
    tpu.vector_store %arg7[%swap3A_2009], %swap3A_2012 {strides = array<i32>} : memref<3136xf32, #tpu.memory_space<vmem>>, vector<16xf32>,
    %get3A_2013 = arith.constant 3088 : index
    %get3A_2014 = tpu.vector_load %arg6[%get3A_2013] {strides = array<i32>} : memref<3136xi32, #tpu.memory_space<vmem>>, vector<16xi32>,
    %get3A_2015 = vector.shape_cast %get3A_2014 : vector<16xi32> to vector<16xi32>
    %broadcast_in_dim3A_2016 = vector.shape_cast %get3A_2015 : vector<16xi32> to vector<16x1xi32>
    %gather3A_2017 = vector.shape_cast %broadcast_in_dim3A_2016 : vector<16x1xi32> to vector<16xi32>
    %gather3A_2018 = tpu.dynamic_gather %mul3A_25[%gather3A_2017] in [0] : vector<16xf32>, vector<16xi32> -> vector<16xf32>
    %swap3A_2019 = arith.constant 3088 : index
    %swap3A_2020 = tpu.vector_load %arg7[%swap3A_2019] {strides = array<i32>} : memref<3136xf32, #tpu.memory_space<vmem>>, vector<16xf32>,
    %swap3A_2021 = vector.shape_cast %swap3A_2020 : vector<16xf32> to vector<16xf32>
    %swap3A_2022 = vector.shape_cast %gather3A_2018 : vector<16xf32> to vector<16xf32>
    tpu.vector_store %arg7[%swap3A_2019], %swap3A_2022 {strides = array<i32>} : memref<3136xf32, #tpu.memory_space<vmem>>, vector<16xf32>,
    %get3A_2023 = arith.constant 3104 : index
    %get3A_2024 = tpu.vector_load %arg6[%get3A_2023] {strides = array<i32>} : memref<3136xi32, #tpu.memory_space<vmem>>, vector<16xi32>,
    %get3A_2025 = vector.shape_cast %get3A_2024 : vector<16xi32> to vector<16xi32>
    %broadcast_in_dim3A_2026 = vector.shape_cast %get3A_2025 : vector<16xi32> to vector<16x1xi32>
    %gather3A_2027 = vector.shape_cast %broadcast_in_dim3A_2026 : vector<16x1xi32> to vector<16xi32>
    %gather3A_2028 = tpu.dynamic_gather %mul3A_25[%gather3A_2027] in [0] : vector<16xf32>, vector<16xi32> -> vector<16xf32>
    %swap3A_2029 = arith.constant 3104 : index
    %swap3A_2030 = tpu.vector_load %arg7[%swap3A_2029] {strides = array<i32>} : memref<3136xf32, #tpu.memory_space<vmem>>, vector<16xf32>,
    %swap3A_2031 = vector.shape_cast %swap3A_2030 : vector<16xf32> to vector<16xf32>
    %swap3A_2032 = vector.shape_cast %gather3A_2028 : vector<16xf32> to vector<16xf32>
    tpu.vector_store %arg7[%swap3A_2029], %swap3A_2032 {strides = array<i32>} : memref<3136xf32, #tpu.memory_space<vmem>>, vector<16xf32>,
    %get3A_2033 = arith.constant 3120 : index
    %get3A_2034 = tpu.vector_load %arg6[%get3A_2033] {strides = array<i32>} : memref<3136xi32, #tpu.memory_space<vmem>>, vector<16xi32>,
    %get3A_2035 = vector.shape_cast %get3A_2034 : vector<16xi32> to vector<16xi32>
    %broadcast_in_dim3A_2036 = vector.shape_cast %get3A_2035 : vector<16xi32> to vector<16x1xi32>
    %gather3A_2037 = vector.shape_cast %broadcast_in_dim3A_2036 : vector<16x1xi32> to vector<16xi32>
    %gather3A_2038 = tpu.dynamic_gather %mul3A_25[%gather3A_2037] in [0] : vector<16xf32>, vector<16xi32> -> vector<16xf32>
    %swap3A_2039 = arith.constant 3120 : index
    %swap3A_2040 = tpu.vector_load %arg7[%swap3A_2039] {strides = array<i32>} : memref<3136xf32, #tpu.memory_space<vmem>>, vector<16xf32>,
    %swap3A_2041 = vector.shape_cast %swap3A_2040 : vector<16xf32> to vector<16xf32>
    %swap3A_2042 = vector.shape_cast %gather3A_2038 : vector<16xf32> to vector<16xf32>
    tpu.vector_store %arg7[%swap3A_2039], %swap3A_2042 {strides = array<i32>} : memref<3136xf32, #tpu.memory_space<vmem>>, vector<16xf32>,
    %add3A_2043 = arith.constant 2688 : i32
    %add3A_2044 = arith.addi %select_n3A, %add3A_2043 : i32
    %dma_start3A_2045 = arith.constant 2688 : i32
    %dma_start3A_2046 = tpu.memref_slice %arg7[%dma_start3A_2045] : memref<3136xf32, #tpu.memory_space<vmem>> -> memref<448xf32, #tpu.memory_space<vmem>>
    %dma_start3A_2047 = tpu.memref_slice %arg4[%add3A_2044] : memref<50000xf32, #tpu.memory_space<hbm>> -> memref<448xf32, #tpu.memory_space<hbm>>
    %dma_start3A_2048 = tpu.memref_slice %arg4[%add3A_2044] : memref<50000xf32, #tpu.memory_space<hbm>> -> memref<448xf32, #tpu.memory_space<hbm>>
    %dma_start3A_2049 = arith.constant 2688 : i32
    %dma_start3A_2050 = tpu.memref_slice %arg7[%dma_start3A_2049] : memref<3136xf32, #tpu.memory_space<vmem>> -> memref<448xf32, #tpu.memory_space<vmem>>
    tpu.enqueue_dma source(%dma_start3A_2050 : memref<448xf32, #tpu.memory_space<vmem>>) target(%dma_start3A_2048 : memref<448xf32, #tpu.memory_space<hbm>>) target_semaphore(%arg11 : memref<!tpu.dma_semaphore, #tpu.memory_space<semaphore_mem>>)
    %dma_wait3A_2051 = arith.constant 0 : i32
    %dma_wait3A_2052 = tpu.memref_slice %arg7[%dma_wait3A_2051] : memref<3136xf32, #tpu.memory_space<vmem>> -> memref<448xf32, #tpu.memory_space<vmem>>
    %dma_wait3A_2053 = tpu.memref_slice %arg4[%add3A_310] : memref<50000xf32, #tpu.memory_space<hbm>> -> memref<448xf32, #tpu.memory_space<hbm>>
    %dma_wait3A_2054 = tpu.memref_slice %arg4[%add3A_310] : memref<50000xf32, #tpu.memory_space<hbm>> -> memref<448xf32, #tpu.memory_space<hbm>>
    %dma_wait3A_2055 = arith.constant 0 : i32
    %dma_wait3A_2056 = tpu.memref_slice %arg7[%dma_wait3A_2055] : memref<3136xf32, #tpu.memory_space<vmem>> -> memref<448xf32, #tpu.memory_space<vmem>>
    tpu.wait_dma2 semaphore(%arg11 : memref<!tpu.dma_semaphore, #tpu.memory_space<semaphore_mem>>) src(%dma_wait3A_2056 : memref<448xf32, #tpu.memory_space<vmem>>) dst(%dma_wait3A_2054 : memref<448xf32, #tpu.memory_space<hbm>>)
    %dma_wait3A_2057 = arith.constant 448 : i32
    %dma_wait3A_2058 = tpu.memref_slice %arg7[%dma_wait3A_2057] : memref<3136xf32, #tpu.memory_space<vmem>> -> memref<448xf32, #tpu.memory_space<vmem>>
    %dma_wait3A_2059 = tpu.memref_slice %arg4[%add3A_598] : memref<50000xf32, #tpu.memory_space<hbm>> -> memref<448xf32, #tpu.memory_space<hbm>>
    %dma_wait3A_2060 = tpu.memref_slice %arg4[%add3A_598] : memref<50000xf32, #tpu.memory_space<hbm>> -> memref<448xf32, #tpu.memory_space<hbm>>
    %dma_wait3A_2061 = arith.constant 448 : i32
    %dma_wait3A_2062 = tpu.memref_slice %arg7[%dma_wait3A_2061] : memref<3136xf32, #tpu.memory_space<vmem>> -> memref<448xf32, #tpu.memory_space<vmem>>
    tpu.wait_dma2 semaphore(%arg11 : memref<!tpu.dma_semaphore, #tpu.memory_space<semaphore_mem>>) src(%dma_wait3A_2062 : memref<448xf32, #tpu.memory_space<vmem>>) dst(%dma_wait3A_2060 : memref<448xf32, #tpu.memory_space<hbm>>)
    %dma_wait3A_2063 = arith.constant 896 : i32
    %dma_wait3A_2064 = tpu.memref_slice %arg7[%dma_wait3A_2063] : memref<3136xf32, #tpu.memory_space<vmem>> -> memref<448xf32, #tpu.memory_space<vmem>>
    %dma_wait3A_2065 = tpu.memref_slice %arg4[%add3A_886] : memref<50000xf32, #tpu.memory_space<hbm>> -> memref<448xf32, #tpu.memory_space<hbm>>
    %dma_wait3A_2066 = tpu.memref_slice %arg4[%add3A_886] : memref<50000xf32, #tpu.memory_space<hbm>> -> memref<448xf32, #tpu.memory_space<hbm>>
    %dma_wait3A_2067 = arith.constant 896 : i32
    %dma_wait3A_2068 = tpu.memref_slice %arg7[%dma_wait3A_2067] : memref<3136xf32, #tpu.memory_space<vmem>> -> memref<448xf32, #tpu.memory_space<vmem>>
    tpu.wait_dma2 semaphore(%arg11 : memref<!tpu.dma_semaphore, #tpu.memory_space<semaphore_mem>>) src(%dma_wait3A_2068 : memref<448xf32, #tpu.memory_space<vmem>>) dst(%dma_wait3A_2066 : memref<448xf32, #tpu.memory_space<hbm>>)
    %dma_wait3A_2069 = arith.constant 1344 : i32
    %dma_wait3A_2070 = tpu.memref_slice %arg7[%dma_wait3A_2069] : memref<3136xf32, #tpu.memory_space<vmem>> -> memref<448xf32, #tpu.memory_space<vmem>>
    %dma_wait3A_2071 = tpu.memref_slice %arg4[%add3A_1180] : memref<50000xf32, #tpu.memory_space<hbm>> -> memref<448xf32, #tpu.memory_space<hbm>>
    %dma_wait3A_2072 = tpu.memref_slice %arg4[%add3A_1180] : memref<50000xf32, #tpu.memory_space<hbm>> -> memref<448xf32, #tpu.memory_space<hbm>>
    %dma_wait3A_2073 = arith.constant 1344 : i32
    %dma_wait3A_2074 = tpu.memref_slice %arg7[%dma_wait3A_2073] : memref<3136xf32, #tpu.memory_space<vmem>> -> memref<448xf32, #tpu.memory_space<vmem>>
    tpu.wait_dma2 semaphore(%arg11 : memref<!tpu.dma_semaphore, #tpu.memory_space<semaphore_mem>>) src(%dma_wait3A_2074 : memref<448xf32, #tpu.memory_space<vmem>>) dst(%dma_wait3A_2072 : memref<448xf32, #tpu.memory_space<hbm>>)
    %dma_wait3A_2075 = arith.constant 1792 : i32
    %dma_wait3A_2076 = tpu.memref_slice %arg7[%dma_wait3A_2075] : memref<3136xf32, #tpu.memory_space<vmem>> -> memref<448xf32, #tpu.memory_space<vmem>>
    %dma_wait3A_2077 = tpu.memref_slice %arg4[%add3A_1468] : memref<50000xf32, #tpu.memory_space<hbm>> -> memref<448xf32, #tpu.memory_space<hbm>>
    %dma_wait3A_2078 = tpu.memref_slice %arg4[%add3A_1468] : memref<50000xf32, #tpu.memory_space<hbm>> -> memref<448xf32, #tpu.memory_space<hbm>>
    %dma_wait3A_2079 = arith.constant 1792 : i32
    %dma_wait3A_2080 = tpu.memref_slice %arg7[%dma_wait3A_2079] : memref<3136xf32, #tpu.memory_space<vmem>> -> memref<448xf32, #tpu.memory_space<vmem>>
    tpu.wait_dma2 semaphore(%arg11 : memref<!tpu.dma_semaphore, #tpu.memory_space<semaphore_mem>>) src(%dma_wait3A_2080 : memref<448xf32, #tpu.memory_space<vmem>>) dst(%dma_wait3A_2078 : memref<448xf32, #tpu.memory_space<hbm>>)
    %dma_wait3A_2081 = arith.constant 2240 : i32
    %dma_wait3A_2082 = tpu.memref_slice %arg7[%dma_wait3A_2081] : memref<3136xf32, #tpu.memory_space<vmem>> -> memref<448xf32, #tpu.memory_space<vmem>>
    %dma_wait3A_2083 = tpu.memref_slice %arg4[%add3A_1756] : memref<50000xf32, #tpu.memory_space<hbm>> -> memref<448xf32, #tpu.memory_space<hbm>>
    %dma_wait3A_2084 = tpu.memref_slice %arg4[%add3A_1756] : memref<50000xf32, #tpu.memory_space<hbm>> -> memref<448xf32, #tpu.memory_space<hbm>>
    %dma_wait3A_2085 = arith.constant 2240 : i32
    %dma_wait3A_2086 = tpu.memref_slice %arg7[%dma_wait3A_2085] : memref<3136xf32, #tpu.memory_space<vmem>> -> memref<448xf32, #tpu.memory_space<vmem>>
    tpu.wait_dma2 semaphore(%arg11 : memref<!tpu.dma_semaphore, #tpu.memory_space<semaphore_mem>>) src(%dma_wait3A_2086 : memref<448xf32, #tpu.memory_space<vmem>>) dst(%dma_wait3A_2084 : memref<448xf32, #tpu.memory_space<hbm>>)
    %dma_wait3A_2087 = arith.constant 2688 : i32
    %dma_wait3A_2088 = tpu.memref_slice %arg7[%dma_wait3A_2087] : memref<3136xf32, #tpu.memory_space<vmem>> -> memref<448xf32, #tpu.memory_space<vmem>>
    %dma_wait3A_2089 = tpu.memref_slice %arg4[%add3A_2044] : memref<50000xf32, #tpu.memory_space<hbm>> -> memref<448xf32, #tpu.memory_space<hbm>>
    %dma_wait3A_2090 = tpu.memref_slice %arg4[%add3A_2044] : memref<50000xf32, #tpu.memory_space<hbm>> -> memref<448xf32, #tpu.memory_space<hbm>>
    %dma_wait3A_2091 = arith.constant 2688 : i32
    %dma_wait3A_2092 = tpu.memref_slice %arg7[%dma_wait3A_2091] : memref<3136xf32, #tpu.memory_space<vmem>> -> memref<448xf32, #tpu.memory_space<vmem>>
    tpu.wait_dma2 semaphore(%arg11 : memref<!tpu.dma_semaphore, #tpu.memory_space<semaphore_mem>>) src(%dma_wait3A_2092 : memref<448xf32, #tpu.memory_space<vmem>>) dst(%dma_wait3A_2090 : memref<448xf32, #tpu.memory_space<hbm>>)
    return
  }
}

</mosaic_0001>

<sc_bundles>
// kernel: kernel.3.cloned.1.call-start
scs
__scs_entry_jumppad:
0x0: {  	(pc) =	sbr.rel $0x88, $3  }
0x1: {  	(tag) =	ssettag $0x0;
	lr =	simm.s32 $0x1  }
0x2: {  	[smem:$0x3F9F] =	sst lr;
	_ =	strace $0xD0000000  }
0x3: {  	_ = 	snop  }
0x4: {  	_ = 	snop  }
0x5: {  	_ = 	snop  }
0x6: {  	_ = 	snop  }
0x7: {  	_ = 	snop  }
__scs_overlays_trampoline_lowered:
0x8: {  	[smem:$0x3FAE] =	sst s0  }
0x9: {  	[smem:$0x3FAF] =	sst s1  }
0xa: {  	[smem:$0x3FB0] =	sst s2  }
0xb: {  	[smem:$0x3FB1] =	sst s3  }
0xc: {  	[smem:$0x3FB2] =	sst s4  }
0xd: {  	[smem:$0x3FB3] =	sst s5  }
0xe: {  	[smem:$0x3FB4] =	sst s6  }
0xf: {  	[smem:$0x3FB5] =	sst s7  }
0x10: {  	[smem:$0x3FB6] =	sst s8  }
0x11: {  	[smem:$0x3FB7] =	sst s9;
	s0 =	simm.s32 @!p0 $0x0  }
0x12: {  	s1 =	sld [smem:$0x3F9D];
	s0 =	simm.s32 @p0 $0x1  }
0x13: {  	[smem:$0x3FB8] =	sst s0;
	s0 =	simm.s32 @!p1 $0x0  }
0x14: {  	s2 =	sld [smem:$0x3F9C];
	s0 =	simm.s32 @p1 $0x1  }
0x15: {  	[smem:$0x3FB9] =	sst s0;
	s0 =	simm.s32 @!p2 $0x0  }
0x16: {  	s3 =	sld [smem:$0x3FDB];
	s0 =	simm.s32 @p2 $0x1  }
0x17: {  	s4 =	simm.s32 $0x1BF5;
	[smem:$0x3FBB] =	sst s0  }
0x18: {  	s0 =	sld [smem:$0x3F9E];
	_ =	swait.ge [sflag:s4], $0x0  }
0x19: {  	s7 =	sld [smem:$0x3F9F]  }
0x1a: {  	s8 =	sadd.s32 $0xFFFFE003, lr  }
0x1b: {  	s9 =	sadd.s32 $0xFFFFFEF7, lr;
	s5 =	simm.s32 $0xFFFFFFFF;
	p2 =	slt.u32 s8, $0xFFFFF086  }
0x1c: {  	p1 =	slt.u32 s9, $0xF7A;
	s5 =	simm.s32 @!p2 $0x0  }
0x1d: {  	s5 =	simm.s32 @p1 $0x1;
	p0 =	seq.s32 s7, s2  }
0x1e: {  	s7 =	smul.u32 @!p0 $0xF7A, s2;
	p2 =	seq.s32 @!p0 s5, $0x0  }
0x1f: {  	s9 =	smul.u32 $0xF7A, s1;
	s8 =	simm.s32 @!p0 $0x1BF5;
	p2 =	por !p2, p0  }
0x20: {  	[sflag:s8] =	ssyncset.s32 @!p0 $0xFFFFF086;
	s6 =	sadd.s32 @!p0 s3, s7;
	s7 =	simm.s32 @!p0 $0x108  }
0x21: {  	s3 =	sadd.s32 s3, s9;
	s6 =	sadd.s32 @!p0 $0x88, s6;
	s7 =	simm.s32 @p2 $0x1082  }
0x22: {  	[simem:s7], [sflag:s8] =	dma.local @!p0 [hbm:s6], $0xF7A  }
0x23: {  	s9 =	sor.u32 $0xD0000000, s2;
	s6 =	simm.s32 $0x108;
	_ =	swait.ge @!p0 [sflag:s8], $0x0  }
0x24: {  	s3 =	sadd.s32 $0x88, s3;
	s6 =	simm.s32 @!p1 $0x1082;
	[sflag:s4] =	ssyncset.s32 $0xFFFFF086  }
0x25: {  	[simem:s6], [sflag:s4] =	dma.local [hbm:s3], $0xF7A  }
0x26: {  	[smem:$0x3F9F] =	sst s1;
	(tag) =	ssettag s2;
	_ =	strace s9  }
0x27: {  	s1 =	sld [smem:$0x3FAF]  }
0x28: {  	s2 =	sld [smem:$0x3FB0]  }
0x29: {  	s4 =	sld [smem:$0x3FB2]  }
0x2a: {  	p0 =	seq.s32 s5, $0x0;
	s5 =	sld [smem:$0x3FB3]  }
0x2b: {  	s6 =	sld [smem:$0x3FB4]  }
0x2c: {  	s7 =	sld [smem:$0x3FB5]  }
0x2d: {  	s3 =	simm.s32 $0x108;
	s8 =	sld [smem:$0x3FB6]  }
0x2e: {  	s3 =	simm.s32 @!p0 $0x1082;
	s9 =	sld [smem:$0x3FB7]  }
0x2f: {  	lr =	sadd.s32 s0, s3;
	s0 =	sld [smem:$0x3FAE]  }
0x30: {  	s3 =	sld [smem:$0x3FB1]  }
0x31: {  	[smem:$0x3FBA] =	sst s10  }
0x32: {  	s10 =	sld [smem:$0x3FB8];
	_ =	sdelay $0x3  }
0x33: {  	p0 =	seq.s32 s10, $0x1;
	s10 =	sld [smem:$0x3FBA];
	_ =	sdelay $0x3  }
0x34: {  	[smem:$0x3FBA] =	sst s10  }
0x35: {  	s10 =	sld [smem:$0x3FB9];
	_ =	sdelay $0x3  }
0x36: {  	p1 =	seq.s32 s10, $0x1;
	s10 =	sld [smem:$0x3FBA];
	_ =	sdelay $0x3  }
0x37: {  	[smem:$0x3FBA] =	sst s10  }
0x38: {  	s10 =	sld [smem:$0x3FBB]  }
0x39: {  	_ = 	snop;
	(pc) =	sbr.ind lr, $3  }
0x3a: {  	_ = 	snop  }
0x3b: {  	_ = 	snop  }
0x3c: {  	p2 =	seq.s32 s10, $0x1;
	s10 =	sld [smem:$0x3FBA]  }
0x3d: {  	_ =	shalt  }
0x3e: {  	_ =	shalt  }
0x3f: {  	_ =	shalt  }
0x40: {  	_ =	shalt  }
0x41: {  	_ =	shalt  }
0x42: {  	_ =	shalt  }
0x43: {  	_ =	shalt  }
0x44: {  	_ =	shalt  }
0x45: {  	_ =	shalt  }
0x46: {  	_ =	shalt  }
0x47: {  	_ =	shalt  }
0x48: {  	_ =	shalt  }
0x49: {  	_ =	shalt  }
0x4a: {  	_ =	shalt  }
0x4b: {  	_ =	shalt  }
0x4c: {  	_ =	shalt  }
0x4d: {  	_ =	shalt  }
0x4e: {  	_ =	shalt  }
0x4f: {  	_ =	shalt  }
0x50: {  	_ =	shalt  }
0x51: {  	_ =	shalt  }
0x52: {  	_ =	shalt  }
0x53: {  	_ =	shalt  }
0x54: {  	_ =	shalt  }
0x55: {  	_ =	shalt  }
0x56: {  	_ =	shalt  }
0x57: {  	_ =	shalt  }
0x58: {  	_ =	shalt  }
0x59: {  	_ =	shalt  }
0x5a: {  	_ =	shalt  }
0x5b: {  	_ =	shalt  }
0x5c: {  	_ =	shalt  }
0x5d: {  	_ =	shalt  }
0x5e: {  	_ =	shalt  }
0x5f: {  	_ =	shalt  }
0x60: {  	_ =	shalt  }
0x61: {  	_ =	shalt  }
0x62: {  	_ =	shalt  }
0x63: {  	_ =	shalt  }
0x64: {  	_ =	shalt  }
0x65: {  	_ =	shalt  }
0x66: {  	_ =	shalt  }
0x67: {  	_ =	shalt  }
0x68: {  	_ =	shalt  }
0x69: {  	_ =	shalt  }
0x6a: {  	_ =	shalt  }
0x6b: {  	_ =	shalt  }
0x6c: {  	_ =	shalt  }
0x6d: {  	_ =	shalt  }
0x6e: {  	_ =	shalt  }
0x6f: {  	_ =	shalt  }
0x70: {  	_ =	shalt  }
0x71: {  	_ =	shalt  }
0x72: {  	_ =	shalt  }
0x73: {  	_ =	shalt  }
0x74: {  	_ =	shalt  }
0x75: {  	_ =	shalt  }
0x76: {  	_ =	shalt  }
0x77: {  	_ =	shalt  }
0x78: {  	_ =	shalt  }
0x79: {  	_ =	shalt  }
0x7a: {  	_ =	shalt  }
0x7b: {  	_ =	shalt  }
0x7c: {  	_ =	shalt  }
0x7d: {  	_ =	shalt  }
0x7e: {  	_ =	shalt  }
0x7f: {  	_ =	shalt  }
0x80: {  	_ =	shalt  }
0x81: {  	_ =	shalt  }
0x82: {  	_ =	shalt  }
0x83: {  	_ =	shalt  }
0x84: {  	_ =	shalt  }
0x85: {  	_ =	shalt  }
0x86: {  	_ =	shalt  }
0x87: {  	_ =	shalt  }
.Lfunc_end0:
.L_simem_size_0:
called_computation_lowered:
.L_overlay_start_0:
0x88: {  	s0 =	sld [smem:$0x3FD9]  }
0x89: {  	s1 =	sld [smem:$0x3FFE];
	_ =	sdelay $0x3  }
0x8a: {  	s0 =	sadd.s32 s1, s0  }
0x8b: {  	[smem:$0x3FC6] =	sst s0  }
0x8c: {  	_ = 	snop  }
0x8d: {  	s0 =	sld [smem:$0x3FC9]  }
0x8e: {  	s16 =	sld [smem:$0x3FC8];
	(tm) =	ssettm $0x1  }
0x8f: {  	s2 =	sld [smem:$0x3FFB];
	_ =	sdelay $0x3  }
0x90: {  	_ =	strace s2  }
0x91: {  	s2 =	sld [smem:$0x3FFC];
	_ =	sdelay $0x3  }
0x92: {  	_ =	strace s2  }
0x93: {  	s2 =	sld [smem:$0x3FFD];
	_ =	sdelay $0x3  }
0x94: {  	_ =	strace s2  }
0x95: {  	_ =	strace $0x8FFFFFFF  }
0x96: {  	s17 =	sld [smem:$0x3FDB];
	_ =	sdelay $0x1  }
0x97: {  	s3 =	simm.s32 $_scs_section_size  }
0x98: {  	s4 =	simm.s32 $_size__tile_overlayer_lowered;
	s5 =	simm.s32 $_tile_overlayer_lowered  }
0x99: {  	s20 =	simm.s32 $0x1BFF;
	s19 =	sshll.u32 s5, $0x1;
	s2 =	sadd.s32 s3, s17  }
0x9a: {  	s6 =	simm.s32 $0x0;
	s18 =	sshll.u32 s4, $0x1;
	s4 =	sadd.s32 s19, s2  }
0x9b: {  	[timem:s6], [sflag:s20] =	dma.local [hbm:s4], s18  }
0x9c: {  	_ =	swait.ge [sflag:s20], s18  }
0x9d: {  	s3 =	ssub.s32 $0x0, s18;
	[sflag:s20] =	ssyncset.done $0x0  }
0x9e: {  	[sflag:s20] =	ssyncadd.s32 s3;
	_ =	sdelay $0x1  }
0x9f: {  	s21 =	simm.s32 $0x1B8B  }
0xa0: {  	_ =	swait.ge [sflag:s21], $0x1  }
0xa1: {  	[sflag:s21] =	ssyncset.done $0x0  }
0xa2: {  	s23 =	simm.s32 $0x1B8E;
	s22 =	sld [smem:$0x3FFE];
	[sflag:s21] =	ssyncadd.s32 $0xFFFFFFFF  }
0xa3: {  	s24 =	simm.s32 $execute0_lowered;
	[smem:$0x3FD2] =	sst s23  }
0xa4: {  	s4 =	sshll.u32 s24, $0x1;
	_ =	strace $0x80000046;
	[dreg:$0x1] =	wrdreg $0xFFFFFFFF  }
0xa5: {  	s25 =	simm.s32 $_size_execute0_lowered;
	s2 =	sadd.s32 s2, s4;
	[dreg:$0x0] =	wrdreg $0x0  }
0xa6: {  	s4 =	sshll.u32 s25, $0x1;
	[dreg:$0x2] =	wrdreg s2  }
0xa7: {  	[dreg:$0x3] =	wrdreg s4  }
0xa8: {  	[dreg:$0x4] =	wrdreg $0xC0  }
0xa9: {  	_ =	task [dreg:s6], $0x5FFFF  }
0xaa: {  	[dreg:$0x1] =	wrdreg $0xFFFFFFFF  }
0xab: {  	[dreg:$0x0] =	wrdreg $0x60  }
0xac: {  	[dreg:$0x2] =	wrdreg s0  }
0xad: {  	[dreg:$0x3] =	wrdreg s16  }
0xae: {  	[dreg:$0x4] =	wrdreg s22  }
0xaf: {  	[dreg:$0x5] =	wrdreg $0x9  }
0xb0: {  	_ =	task.clear_ibuf [dreg:s6], $0x6FFFF;
	_ =	strace $0x90000046  }
0xb1: {  	s26 =	simm.s32 $0x9;
	_ =	strace $0x80000048  }
0xb2: {  	_ =	swait.ge [sflag:s26], $0x1  }
0xb3: {  	[sflag:s26] =	ssyncadd.s32 $0xFFFFFFFF  }
0xb4: {  	_ =	strace $0x90000048  }
0xb5: {  	_ =	sfence  }
0xb6: {  	s28 =	sld [smem:$0x0];
	_ =	sdelay $0x1  }
0xb7: {  	s29 =	srdreg.scid  }
0xb8: {  	s30 =	sshll.u32 s29, $0xD;
	s31 =	sshrl.u32 s29, $0x2  }
0xb9: {  	s1 =	sand.u32 $0x1, s29;
	s2 =	sand.u32 $0x4000, s30;
	s0 =	sadd.s32 s31, s28  }
0xba: {  	s1 =	sor.u32 s2, s1;
	s0 =	sshll.u32 s0, $0x11  }
0xbb: {  	s0 =	sor.u32 s0, s1  }
0xbc: {  	s0 =	sadd.s32 $0x8F2B, s0  }
0xbd: {  	[sflag:s0] =	ssyncadd.remote.s32 $0x1  }
0xbe: {  	_ =	sfence.sel $0xFFFF  }
0xbf: {  	[dreg:$0x0] =	wrdreg $0xFFFFFFFF;
	(pc) =	sbr.abs _section_cstart, $3  }
0xc0: {  	[dreg:$0x1] =	wrdreg $0xFFFFFFFF  }
0xc1: {  	_ =	task.clear_ibuf [dreg:s6], $0x2FFFF;
	_ =	strace $0x9FFFFFFF  }
0xc2: {  	(tm) =	ssettm $0x7FFFFFFF  }
0xc3: {  	_ =	shalt  }
tec
execute0_lowered:
.L_overlay_start_1:
0x0: {  	(tag) =	ssettag $0x1  }
0x1: {  	s5 =	rddreg [dreg:$0x0]  }
0x2: {  	s6 =	rddreg [dreg:$0x1];
	s0 =	stileid.u32  }
0x3: {  	s3 =	rddreg [dreg:$0x2];
	s2 =	simm.s32 $0x0;
	s4 =	smul.u32 $0xC40, s0  }
0x4: {  	p0 =	seq.s32 s0, $0xF;
	[smem:$0x7FF] =	sst s2  }
0x5: {  	s1 =	rddreg [dreg:$0x3];
	_ =	strace $0x80000047;
	s4 =	simm.s32 @p0 $0xB710  }
0x6: {  	[tilespmem:s2], [sflag:$0x1] =	stream.linear.gather [hbm4b:s6+s2], $0xA, $0x38;
	[tilespmem:$0x1980] =	vst v63  }
0x7: {  	s4 =	sshrl.u32 s4, $0x3  }
0x8: {  	s13 =	simm.s32 $0x80;
	s5 =	sadd.s32 s5, s4  }
0x9: {  	[tilespmem:s13], [sflag:$0x2] =	stream.linear.gather [hbm4b:s5+s2], $0x620, $0x38;
	[tilespmem:$0x1980] =	vst v63  }
0xa: {  	s14 =	simm.s32 $0x6A0;
	s15 =	simm.s32 $0x1;
	s5 =	sadd.s32 $0xC4, s5  }
0xb: {  	[tilespmem:s14], [sflag:$0x3] =	stream.linear.gather [hbm4b:s5+s2], $0x620, $0x38;
	[tilespmem:$0x1980] =	vst v63  }
0xc: {  	_ =	swait.ge [sflag:s15], $0xA  }
0xd: {  	[sflag:s15] =	ssyncset.done $0x0  }
0xe: {  	s16 =	simm.s32 $0x2;
	[sflag:s15] =	ssyncadd.s32 $0xFFFFFFF6  }
0xf: {  	v0 =	vld [tilespmem:$0x0];
	_ =	swait.ge [sflag:s16], $0x620  }
0x10: {  	[sflag:s16] =	ssyncset.done $0x0  }
0x11: {  	[sflag:s16] =	ssyncadd.s32 $0xFFFFF9E0  }
0x12: {  	v1 =	vld [tilespmem:$0x80]  }
0x13: {  	v2 =	vld [tilespmem:$0x90]  }
0x14: {  	v3 =	vld [tilespmem:$0xA0]  }
0x15: {  	v4 =	vld [tilespmem:$0xB0];
	v0 =	vmul.f32 $9.489330290e+00, v0  }
0x16: {  	v5 =	vld [tilespmem:$0xC0]  }
0x17: {  	v6 =	vld [tilespmem:$0xD0];
	v1 =	vperm.xlane v0, v1  }
0x18: {  	v7 =	vld [tilespmem:$0xE0];
	v2 =	vperm.xlane v0, v2  }
0x19: {  	v29 =	vld [tilespmem:$0xF0];
	v28 =	vperm.xlane v0, v3;
	[tilespmem:$0xD00] =	vst v1  }
0x1a: {  	v31 =	vld [tilespmem:$0x100];
	v30 =	vperm.xlane v0, v4;
	[tilespmem:$0xD10] =	vst v2  }
0x1b: {  	v33 =	vld [tilespmem:$0x110];
	v32 =	vperm.xlane v0, v5;
	[tilespmem:$0xD20] =	vst v28  }
0x1c: {  	v35 =	vld [tilespmem:$0x120];
	v34 =	vperm.xlane v0, v6;
	[tilespmem:$0xD30] =	vst v30  }
0x1d: {  	v37 =	vld [tilespmem:$0x130];
	v36 =	vperm.xlane v0, v7;
	[tilespmem:$0xD40] =	vst v32  }
0x1e: {  	v39 =	vld [tilespmem:$0x140];
	v38 =	vperm.xlane v0, v29;
	[tilespmem:$0xD50] =	vst v34  }
0x1f: {  	v41 =	vld [tilespmem:$0x150];
	v40 =	vperm.xlane v0, v31;
	[tilespmem:$0xD60] =	vst v36  }
0x20: {  	v43 =	vld [tilespmem:$0x160];
	v42 =	vperm.xlane v0, v33;
	[tilespmem:$0xD70] =	vst v38  }
0x21: {  	v45 =	vld [tilespmem:$0x170];
	v44 =	vperm.xlane v0, v35;
	[tilespmem:$0xD80] =	vst v40  }
0x22: {  	v47 =	vld [tilespmem:$0x180];
	v46 =	vperm.xlane v0, v37;
	[tilespmem:$0xD90] =	vst v42  }
0x23: {  	v49 =	vld [tilespmem:$0x190];
	v48 =	vperm.xlane v0, v39;
	[tilespmem:$0xDA0] =	vst v44  }
0x24: {  	v51 =	vld [tilespmem:$0x1A0];
	v50 =	vperm.xlane v0, v41;
	[tilespmem:$0xDB0] =	vst v46  }
0x25: {  	v53 =	vld [tilespmem:$0x1B0];
	v52 =	vperm.xlane v0, v43;
	[tilespmem:$0xDC0] =	vst v48  }
0x26: {  	v55 =	vld [tilespmem:$0x1C0];
	v54 =	vperm.xlane v0, v45;
	[tilespmem:$0xDD0] =	vst v50  }
0x27: {  	v57 =	vld [tilespmem:$0x1D0];
	v56 =	vperm.xlane v0, v47;
	[tilespmem:$0xDE0] =	vst v52  }
0x28: {  	v59 =	vld [tilespmem:$0x1E0];
	v58 =	vperm.xlane v0, v49;
	[tilespmem:$0xDF0] =	vst v54  }
0x29: {  	v61 =	vld [tilespmem:$0x1F0];
	v60 =	vperm.xlane v0, v51;
	[tilespmem:$0xE00] =	vst v56  }
0x2a: {  	v63 =	vld [tilespmem:$0x200];
	v62 =	vperm.xlane v0, v53;
	[tilespmem:$0xE10] =	vst v58  }
0x2b: {  	v10 =	vld [tilespmem:$0x210];
	v9 =	vperm.xlane v0, v55;
	[tilespmem:$0xE20] =	vst v60  }
0x2c: {  	v12 =	vld [tilespmem:$0x220];
	v11 =	vperm.xlane v0, v57;
	[tilespmem:$0xE30] =	vst v62  }
0x2d: {  	v14 =	vld [tilespmem:$0x230];
	v13 =	vperm.xlane v0, v59;
	[tilespmem:$0xE40] =	vst v9  }
0x2e: {  	v15 =	vperm.xlane v0, v61;
	[tilespmem:$0xE50] =	vst v11  }
0x2f: {  	v16 =	vperm.xlane v0, v63;
	[tilespmem:$0xE60] =	vst v13  }
0x30: {  	v17 =	vperm.xlane v0, v10;
	[tilespmem:$0xE70] =	vst v15  }
0x31: {  	v18 =	vperm.xlane v0, v12;
	[tilespmem:$0xE80] =	vst v16  }
0x32: {  	v19 =	vperm.xlane v0, v14;
	[tilespmem:$0xE90] =	vst v17  }
0x33: {  	s3 =	sadd.s32 s4, s3;
	[tilespmem:$0xEA0] =	vst v18  }
0x34: {  	s17 =	simm.s32 $0xD00;
	s4 =	sadd.s32 $0x400, s3;
	[tilespmem:$0xEB0] =	vst v19  }
0x35: {  	[hbm4b:s4+s2] =	stream.linear.scatter [tilespmem:s17], [sflag:$0x4], $0x1C0, $0x38;
	[tilespmem:$0x1980] =	vst v63  }
0x36: {  	v20 =	vld [tilespmem:$0x240]  }
0x37: {  	v21 =	vld [tilespmem:$0x250]  }
0x38: {  	v22 =	vld [tilespmem:$0x260]  }
0x39: {  	v23 =	vld [tilespmem:$0x270]  }
0x3a: {  	v24 =	vld [tilespmem:$0x280]  }
0x3b: {  	v25 =	vld [tilespmem:$0x290];
	v1 =	vperm.xlane v0, v20  }
0x3c: {  	v26 =	vld [tilespmem:$0x2A0];
	v2 =	vperm.xlane v0, v21  }
0x3d: {  	v28 =	vld [tilespmem:$0x2B0];
	v27 =	vperm.xlane v0, v22;
	[tilespmem:$0xEC0] =	vst v1  }
0x3e: {  	v30 =	vld [tilespmem:$0x2C0];
	v29 =	vperm.xlane v0, v23;
	[tilespmem:$0xED0] =	vst v2  }
0x3f: {  	v32 =	vld [tilespmem:$0x2D0];
	v31 =	vperm.xlane v0, v24;
	[tilespmem:$0xEE0] =	vst v27  }
0x40: {  	v34 =	vld [tilespmem:$0x2E0];
	v33 =	vperm.xlane v0, v25;
	[tilespmem:$0xEF0] =	vst v29  }
0x41: {  	v36 =	vld [tilespmem:$0x2F0];
	v35 =	vperm.xlane v0, v26;
	[tilespmem:$0xF00] =	vst v31  }
0x42: {  	v38 =	vld [tilespmem:$0x300];
	v37 =	vperm.xlane v0, v28;
	[tilespmem:$0xF10] =	vst v33  }
0x43: {  	v40 =	vld [tilespmem:$0x310];
	v39 =	vperm.xlane v0, v30;
	[tilespmem:$0xF20] =	vst v35  }
0x44: {  	v42 =	vld [tilespmem:$0x320];
	v41 =	vperm.xlane v0, v32;
	[tilespmem:$0xF30] =	vst v37  }
0x45: {  	v44 =	vld [tilespmem:$0x330];
	v43 =	vperm.xlane v0, v34;
	[tilespmem:$0xF40] =	vst v39  }
0x46: {  	v46 =	vld [tilespmem:$0x340];
	v45 =	vperm.xlane v0, v36;
	[tilespmem:$0xF50] =	vst v41  }
0x47: {  	v48 =	vld [tilespmem:$0x350];
	v47 =	vperm.xlane v0, v38;
	[tilespmem:$0xF60] =	vst v43  }
0x48: {  	v50 =	vld [tilespmem:$0x360];
	v49 =	vperm.xlane v0, v40;
	[tilespmem:$0xF70] =	vst v45  }
0x49: {  	v52 =	vld [tilespmem:$0x370];
	v51 =	vperm.xlane v0, v42;
	[tilespmem:$0xF80] =	vst v47  }
0x4a: {  	v54 =	vld [tilespmem:$0x380];
	v53 =	vperm.xlane v0, v44;
	[tilespmem:$0xF90] =	vst v49  }
0x4b: {  	v56 =	vld [tilespmem:$0x390];
	v55 =	vperm.xlane v0, v46;
	[tilespmem:$0xFA0] =	vst v51  }
0x4c: {  	v58 =	vld [tilespmem:$0x3A0];
	v57 =	vperm.xlane v0, v48;
	[tilespmem:$0xFB0] =	vst v53  }
0x4d: {  	v60 =	vld [tilespmem:$0x3B0];
	v59 =	vperm.xlane v0, v50;
	[tilespmem:$0xFC0] =	vst v55  }
0x4e: {  	v62 =	vld [tilespmem:$0x3C0];
	v61 =	vperm.xlane v0, v52;
	[tilespmem:$0xFD0] =	vst v57  }
0x4f: {  	v9 =	vld [tilespmem:$0x3D0];
	v63 =	vperm.xlane v0, v54;
	[tilespmem:$0xFE0] =	vst v59  }
0x50: {  	v11 =	vld [tilespmem:$0x3E0];
	v10 =	vperm.xlane v0, v56;
	[tilespmem:$0xFF0] =	vst v61  }
0x51: {  	v13 =	vld [tilespmem:$0x3F0];
	v12 =	vperm.xlane v0, v58;
	[tilespmem:$0x1000] =	vst v63  }
0x52: {  	v14 =	vperm.xlane v0, v60;
	[tilespmem:$0x1010] =	vst v10  }
0x53: {  	v15 =	vperm.xlane v0, v62;
	[tilespmem:$0x1020] =	vst v12  }
0x54: {  	v16 =	vperm.xlane v0, v9;
	[tilespmem:$0x1030] =	vst v14  }
0x55: {  	v17 =	vperm.xlane v0, v11;
	[tilespmem:$0x1040] =	vst v15  }
0x56: {  	v18 =	vperm.xlane v0, v13;
	[tilespmem:$0x1050] =	vst v16  }
0x57: {  	[tilespmem:$0x1060] =	vst v17  }
0x58: {  	s19 =	simm.s32 $0xEC0;
	s18 =	sadd.s32 $0x438, s3;
	[tilespmem:$0x1070] =	vst v18  }
0x59: {  	[hbm4b:s18+s2] =	stream.linear.scatter [tilespmem:s19], [sflag:$0x4], $0x1C0, $0x38;
	[tilespmem:$0x1980] =	vst v63  }
0x5a: {  	v19 =	vld [tilespmem:$0x400]  }
0x5b: {  	v20 =	vld [tilespmem:$0x410]  }
0x5c: {  	v21 =	vld [tilespmem:$0x420]  }
0x5d: {  	v22 =	vld [tilespmem:$0x430]  }
0x5e: {  	v23 =	vld [tilespmem:$0x440]  }
0x5f: {  	v24 =	vld [tilespmem:$0x450];
	v1 =	vperm.xlane v0, v19  }
0x60: {  	v25 =	vld [tilespmem:$0x460];
	v2 =	vperm.xlane v0, v20  }
0x61: {  	v27 =	vld [tilespmem:$0x470];
	v26 =	vperm.xlane v0, v21;
	[tilespmem:$0x1080] =	vst v1  }
0x62: {  	v29 =	vld [tilespmem:$0x480];
	v28 =	vperm.xlane v0, v22;
	[tilespmem:$0x1090] =	vst v2  }
0x63: {  	v31 =	vld [tilespmem:$0x490];
	v30 =	vperm.xlane v0, v23;
	[tilespmem:$0x10A0] =	vst v26  }
0x64: {  	v33 =	vld [tilespmem:$0x4A0];
	v32 =	vperm.xlane v0, v24;
	[tilespmem:$0x10B0] =	vst v28  }
0x65: {  	v35 =	vld [tilespmem:$0x4B0];
	v34 =	vperm.xlane v0, v25;
	[tilespmem:$0x10C0] =	vst v30  }
0x66: {  	v37 =	vld [tilespmem:$0x4C0];
	v36 =	vperm.xlane v0, v27;
	[tilespmem:$0x10D0] =	vst v32  }
0x67: {  	v39 =	vld [tilespmem:$0x4D0];
	v38 =	vperm.xlane v0, v29;
	[tilespmem:$0x10E0] =	vst v34  }
0x68: {  	v41 =	vld [tilespmem:$0x4E0];
	v40 =	vperm.xlane v0, v31;
	[tilespmem:$0x10F0] =	vst v36  }
0x69: {  	v43 =	vld [tilespmem:$0x4F0];
	v42 =	vperm.xlane v0, v33;
	[tilespmem:$0x1100] =	vst v38  }
0x6a: {  	v45 =	vld [tilespmem:$0x500];
	v44 =	vperm.xlane v0, v35;
	[tilespmem:$0x1110] =	vst v40  }
0x6b: {  	v47 =	vld [tilespmem:$0x510];
	v46 =	vperm.xlane v0, v37;
	[tilespmem:$0x1120] =	vst v42  }
0x6c: {  	v49 =	vld [tilespmem:$0x520];
	v48 =	vperm.xlane v0, v39;
	[tilespmem:$0x1130] =	vst v44  }
0x6d: {  	v51 =	vld [tilespmem:$0x530];
	v50 =	vperm.xlane v0, v41;
	[tilespmem:$0x1140] =	vst v46  }
0x6e: {  	v53 =	vld [tilespmem:$0x540];
	v52 =	vperm.xlane v0, v43;
	[tilespmem:$0x1150] =	vst v48  }
0x6f: {  	v55 =	vld [tilespmem:$0x550];
	v54 =	vperm.xlane v0, v45;
	[tilespmem:$0x1160] =	vst v50  }
0x70: {  	v57 =	vld [tilespmem:$0x560];
	v56 =	vperm.xlane v0, v47;
	[tilespmem:$0x1170] =	vst v52  }
0x71: {  	v59 =	vld [tilespmem:$0x570];
	v58 =	vperm.xlane v0, v49;
	[tilespmem:$0x1180] =	vst v54  }
0x72: {  	v61 =	vld [tilespmem:$0x580];
	v60 =	vperm.xlane v0, v51;
	[tilespmem:$0x1190] =	vst v56  }
0x73: {  	v63 =	vld [tilespmem:$0x590];
	v62 =	vperm.xlane v0, v53;
	[tilespmem:$0x11A0] =	vst v58  }
0x74: {  	v10 =	vld [tilespmem:$0x5A0];
	v9 =	vperm.xlane v0, v55;
	[tilespmem:$0x11B0] =	vst v60  }
0x75: {  	v12 =	vld [tilespmem:$0x5B0];
	v11 =	vperm.xlane v0, v57;
	[tilespmem:$0x11C0] =	vst v62  }
0x76: {  	v13 =	vperm.xlane v0, v59;
	[tilespmem:$0x11D0] =	vst v9  }
0x77: {  	v14 =	vperm.xlane v0, v61;
	[tilespmem:$0x11E0] =	vst v11  }
0x78: {  	v15 =	vperm.xlane v0, v63;
	[tilespmem:$0x11F0] =	vst v13  }
0x79: {  	v16 =	vperm.xlane v0, v10;
	[tilespmem:$0x1200] =	vst v14  }
0x7a: {  	v17 =	vperm.xlane v0, v12;
	[tilespmem:$0x1210] =	vst v15  }
0x7b: {  	[tilespmem:$0x1220] =	vst v16  }
0x7c: {  	s21 =	simm.s32 $0x1080;
	s22 =	simm.s32 $0x3;
	s20 =	sadd.s32 $0x470, s3;
	[tilespmem:$0x1230] =	vst v17  }
0x7d: {  	[hbm4b:s20+s2] =	stream.linear.scatter [tilespmem:s21], [sflag:$0x4], $0x1C0, $0x38;
	[tilespmem:$0x1980] =	vst v63  }
0x7e: {  	_ =	swait.ge [sflag:s22], $0x620  }
0x7f: {  	[sflag:s22] =	ssyncset.done $0x0  }
0x80: {  	[sflag:s22] =	ssyncadd.s32 $0xFFFFF9E0  }
0x81: {  	v18 =	vld [tilespmem:$0x5C0]  }
0x82: {  	v19 =	vld [tilespmem:$0x5D0]  }
0x83: {  	v20 =	vld [tilespmem:$0x5E0]  }
0x84: {  	v21 =	vld [tilespmem:$0x5F0]  }
0x85: {  	v22 =	vld [tilespmem:$0x600]  }
0x86: {  	v23 =	vld [tilespmem:$0x610];
	v1 =	vperm.xlane v0, v18  }
0x87: {  	v24 =	vld [tilespmem:$0x620];
	v2 =	vperm.xlane v0, v19  }
0x88: {  	v26 =	vld [tilespmem:$0x630];
	v25 =	vperm.xlane v0, v20;
	[tilespmem:$0x1240] =	vst v1  }
0x89: {  	v28 =	vld [tilespmem:$0x640];
	v27 =	vperm.xlane v0, v21;
	[tilespmem:$0x1250] =	vst v2  }
0x8a: {  	v30 =	vld [tilespmem:$0x650];
	v29 =	vperm.xlane v0, v22;
	[tilespmem:$0x1260] =	vst v25  }
0x8b: {  	v32 =	vld [tilespmem:$0x660];
	v31 =	vperm.xlane v0, v23;
	[tilespmem:$0x1270] =	vst v27  }
0x8c: {  	v34 =	vld [tilespmem:$0x670];
	v33 =	vperm.xlane v0, v24;
	[tilespmem:$0x1280] =	vst v29  }
0x8d: {  	v36 =	vld [tilespmem:$0x680];
	v35 =	vperm.xlane v0, v26;
	[tilespmem:$0x1290] =	vst v31  }
0x8e: {  	v38 =	vld [tilespmem:$0x690];
	v37 =	vperm.xlane v0, v28;
	[tilespmem:$0x12A0] =	vst v33  }
0x8f: {  	v40 =	vld [tilespmem:$0x6A0];
	v39 =	vperm.xlane v0, v30;
	[tilespmem:$0x12B0] =	vst v35  }
0x90: {  	v42 =	vld [tilespmem:$0x6B0];
	v41 =	vperm.xlane v0, v32;
	[tilespmem:$0x12C0] =	vst v37  }
0x91: {  	v44 =	vld [tilespmem:$0x6C0];
	v43 =	vperm.xlane v0, v34;
	[tilespmem:$0x12D0] =	vst v39  }
0x92: {  	v46 =	vld [tilespmem:$0x6D0];
	v45 =	vperm.xlane v0, v36;
	[tilespmem:$0x12E0] =	vst v41  }
0x93: {  	v48 =	vld [tilespmem:$0x6E0];
	v47 =	vperm.xlane v0, v38;
	[tilespmem:$0x12F0] =	vst v43  }
0x94: {  	v50 =	vld [tilespmem:$0x6F0];
	v49 =	vperm.xlane v0, v40;
	[tilespmem:$0x1300] =	vst v45  }
0x95: {  	v52 =	vld [tilespmem:$0x700];
	v51 =	vperm.xlane v0, v42;
	[tilespmem:$0x1310] =	vst v47  }
0x96: {  	v54 =	vld [tilespmem:$0x710];
	v53 =	vperm.xlane v0, v44;
	[tilespmem:$0x1320] =	vst v49  }
0x97: {  	v56 =	vld [tilespmem:$0x720];
	v55 =	vperm.xlane v0, v46;
	[tilespmem:$0x1330] =	vst v51  }
0x98: {  	v58 =	vld [tilespmem:$0x730];
	v57 =	vperm.xlane v0, v48;
	[tilespmem:$0x1340] =	vst v53  }
0x99: {  	v60 =	vld [tilespmem:$0x740];
	v59 =	vperm.xlane v0, v50;
	[tilespmem:$0x1350] =	vst v55  }
0x9a: {  	v62 =	vld [tilespmem:$0x750];
	v61 =	vperm.xlane v0, v52;
	[tilespmem:$0x1360] =	vst v57  }
0x9b: {  	v9 =	vld [tilespmem:$0x760];
	v63 =	vperm.xlane v0, v54;
	[tilespmem:$0x1370] =	vst v59  }
0x9c: {  	v11 =	vld [tilespmem:$0x770];
	v10 =	vperm.xlane v0, v56;
	[tilespmem:$0x1380] =	vst v61  }
0x9d: {  	v12 =	vperm.xlane v0, v58;
	[tilespmem:$0x1390] =	vst v63  }
0x9e: {  	v13 =	vperm.xlane v0, v60;
	[tilespmem:$0x13A0] =	vst v10  }
0x9f: {  	v14 =	vperm.xlane v0, v62;
	[tilespmem:$0x13B0] =	vst v12  }
0xa0: {  	v15 =	vperm.xlane v0, v9;
	[tilespmem:$0x13C0] =	vst v13  }
0xa1: {  	v16 =	vperm.xlane v0, v11;
	[tilespmem:$0x13D0] =	vst v14  }
0xa2: {  	[tilespmem:$0x13E0] =	vst v15  }
0xa3: {  	s24 =	simm.s32 $0x1240;
	s23 =	sadd.s32 $0x4A8, s3;
	[tilespmem:$0x13F0] =	vst v16  }
0xa4: {  	[hbm4b:s23+s2] =	stream.linear.scatter [tilespmem:s24], [sflag:$0x4], $0x1C0, $0x38;
	[tilespmem:$0x1980] =	vst v63  }
0xa5: {  	v17 =	vld [tilespmem:$0x780]  }
0xa6: {  	v18 =	vld [tilespmem:$0x790]  }
0xa7: {  	v19 =	vld [tilespmem:$0x7A0]  }
0xa8: {  	v20 =	vld [tilespmem:$0x7B0]  }
0xa9: {  	v21 =	vld [tilespmem:$0x7C0]  }
0xaa: {  	v22 =	vld [tilespmem:$0x7D0];
	v1 =	vperm.xlane v0, v17  }
0xab: {  	v23 =	vld [tilespmem:$0x7E0];
	v2 =	vperm.xlane v0, v18  }
0xac: {  	v25 =	vld [tilespmem:$0x7F0];
	v24 =	vperm.xlane v0, v19;
	[tilespmem:$0x1400] =	vst v1  }
0xad: {  	v27 =	vld [tilespmem:$0x800];
	v26 =	vperm.xlane v0, v20;
	[tilespmem:$0x1410] =	vst v2  }
0xae: {  	v29 =	vld [tilespmem:$0x810];
	v28 =	vperm.xlane v0, v21;
	[tilespmem:$0x1420] =	vst v24  }
0xaf: {  	v31 =	vld [tilespmem:$0x820];
	v30 =	vperm.xlane v0, v22;
	[tilespmem:$0x1430] =	vst v26  }
0xb0: {  	v33 =	vld [tilespmem:$0x830];
	v32 =	vperm.xlane v0, v23;
	[tilespmem:$0x1440] =	vst v28  }
0xb1: {  	v35 =	vld [tilespmem:$0x840];
	v34 =	vperm.xlane v0, v25;
	[tilespmem:$0x1450] =	vst v30  }
0xb2: {  	v37 =	vld [tilespmem:$0x850];
	v36 =	vperm.xlane v0, v27;
	[tilespmem:$0x1460] =	vst v32  }
0xb3: {  	v39 =	vld [tilespmem:$0x860];
	v38 =	vperm.xlane v0, v29;
	[tilespmem:$0x1470] =	vst v34  }
0xb4: {  	v41 =	vld [tilespmem:$0x870];
	v40 =	vperm.xlane v0, v31;
	[tilespmem:$0x1480] =	vst v36  }
0xb5: {  	v43 =	vld [tilespmem:$0x880];
	v42 =	vperm.xlane v0, v33;
	[tilespmem:$0x1490] =	vst v38  }
0xb6: {  	v45 =	vld [tilespmem:$0x890];
	v44 =	vperm.xlane v0, v35;
	[tilespmem:$0x14A0] =	vst v40  }
0xb7: {  	v47 =	vld [tilespmem:$0x8A0];
	v46 =	vperm.xlane v0, v37;
	[tilespmem:$0x14B0] =	vst v42  }
0xb8: {  	v49 =	vld [tilespmem:$0x8B0];
	v48 =	vperm.xlane v0, v39;
	[tilespmem:$0x14C0] =	vst v44  }
0xb9: {  	v51 =	vld [tilespmem:$0x8C0];
	v50 =	vperm.xlane v0, v41;
	[tilespmem:$0x14D0] =	vst v46  }
0xba: {  	v53 =	vld [tilespmem:$0x8D0];
	v52 =	vperm.xlane v0, v43;
	[tilespmem:$0x14E0] =	vst v48  }
0xbb: {  	v55 =	vld [tilespmem:$0x8E0];
	v54 =	vperm.xlane v0, v45;
	[tilespmem:$0x14F0] =	vst v50  }
0xbc: {  	v57 =	vld [tilespmem:$0x8F0];
	v56 =	vperm.xlane v0, v47;
	[tilespmem:$0x1500] =	vst v52  }
0xbd: {  	v59 =	vld [tilespmem:$0x900];
	v58 =	vperm.xlane v0, v49;
	[tilespmem:$0x1510] =	vst v54  }
0xbe: {  	v61 =	vld [tilespmem:$0x910];
	v60 =	vperm.xlane v0, v51;
	[tilespmem:$0x1520] =	vst v56  }
0xbf: {  	v63 =	vld [tilespmem:$0x920];
	v62 =	vperm.xlane v0, v53;
	[tilespmem:$0x1530] =	vst v58  }
0xc0: {  	v9 =	vld [tilespmem:$0x930];
	v8 =	vperm.xlane v0, v55;
	[tilespmem:$0x1540] =	vst v60  }
0xc1: {  	v10 =	vperm.xlane v0, v57;
	[tilespmem:$0x1550] =	vst v62  }
0xc2: {  	v11 =	vperm.xlane v0, v59;
	[tilespmem:$0x1560] =	vst v8  }
0xc3: {  	v12 =	vperm.xlane v0, v61;
	[tilespmem:$0x1570] =	vst v10  }
0xc4: {  	v13 =	vperm.xlane v0, v63;
	[tilespmem:$0x1580] =	vst v11  }
0xc5: {  	v14 =	vperm.xlane v0, v9;
	[tilespmem:$0x1590] =	vst v12  }
0xc6: {  	[tilespmem:$0x15A0] =	vst v13  }
0xc7: {  	s26 =	simm.s32 $0x1400;
	s25 =	sadd.s32 $0x4E0, s3;
	[tilespmem:$0x15B0] =	vst v14  }
0xc8: {  	[hbm4b:s25+s2] =	stream.linear.scatter [tilespmem:s26], [sflag:$0x4], $0x1C0, $0x38;
	[tilespmem:$0x1980] =	vst v63  }
0xc9: {  	v15 =	vld [tilespmem:$0x940]  }
0xca: {  	v16 =	vld [tilespmem:$0x950]  }
0xcb: {  	v17 =	vld [tilespmem:$0x960]  }
0xcc: {  	v18 =	vld [tilespmem:$0x970]  }
0xcd: {  	v19 =	vld [tilespmem:$0x980]  }
0xce: {  	v20 =	vld [tilespmem:$0x990];
	v1 =	vperm.xlane v0, v15  }
0xcf: {  	v21 =	vld [tilespmem:$0x9A0];
	v2 =	vperm.xlane v0, v16  }
0xd0: {  	v23 =	vld [tilespmem:$0x9B0];
	v22 =	vperm.xlane v0, v17;
	[tilespmem:$0x15C0] =	vst v1  }
0xd1: {  	v25 =	vld [tilespmem:$0x9C0];
	v24 =	vperm.xlane v0, v18;
	[tilespmem:$0x15D0] =	vst v2  }
0xd2: {  	v27 =	vld [tilespmem:$0x9D0];
	v26 =	vperm.xlane v0, v19;
	[tilespmem:$0x15E0] =	vst v22  }
0xd3: {  	v29 =	vld [tilespmem:$0x9E0];
	v28 =	vperm.xlane v0, v20;
	[tilespmem:$0x15F0] =	vst v24  }
0xd4: {  	v31 =	vld [tilespmem:$0x9F0];
	v30 =	vperm.xlane v0, v21;
	[tilespmem:$0x1600] =	vst v26  }
0xd5: {  	v33 =	vld [tilespmem:$0xA00];
	v32 =	vperm.xlane v0, v23;
	[tilespmem:$0x1610] =	vst v28  }
0xd6: {  	v35 =	vld [tilespmem:$0xA10];
	v34 =	vperm.xlane v0, v25;
	[tilespmem:$0x1620] =	vst v30  }
0xd7: {  	v37 =	vld [tilespmem:$0xA20];
	v36 =	vperm.xlane v0, v27;
	[tilespmem:$0x1630] =	vst v32  }
0xd8: {  	v39 =	vld [tilespmem:$0xA30];
	v38 =	vperm.xlane v0, v29;
	[tilespmem:$0x1640] =	vst v34  }
0xd9: {  	v41 =	vld [tilespmem:$0xA40];
	v40 =	vperm.xlane v0, v31;
	[tilespmem:$0x1650] =	vst v36  }
0xda: {  	v43 =	vld [tilespmem:$0xA50];
	v42 =	vperm.xlane v0, v33;
	[tilespmem:$0x1660] =	vst v38  }
0xdb: {  	v45 =	vld [tilespmem:$0xA60];
	v44 =	vperm.xlane v0, v35;
	[tilespmem:$0x1670] =	vst v40  }
0xdc: {  	v47 =	vld [tilespmem:$0xA70];
	v46 =	vperm.xlane v0, v37;
	[tilespmem:$0x1680] =	vst v42  }
0xdd: {  	v49 =	vld [tilespmem:$0xA80];
	v48 =	vperm.xlane v0, v39;
	[tilespmem:$0x1690] =	vst v44  }
0xde: {  	v51 =	vld [tilespmem:$0xA90];
	v50 =	vperm.xlane v0, v41;
	[tilespmem:$0x16A0] =	vst v46  }
0xdf: {  	v53 =	vld [tilespmem:$0xAA0];
	v52 =	vperm.xlane v0, v43;
	[tilespmem:$0x16B0] =	vst v48  }
0xe0: {  	v55 =	vld [tilespmem:$0xAB0];
	v54 =	vperm.xlane v0, v45;
	[tilespmem:$0x16C0] =	vst v50  }
0xe1: {  	v57 =	vld [tilespmem:$0xAC0];
	v56 =	vperm.xlane v0, v47;
	[tilespmem:$0x16D0] =	vst v52  }
0xe2: {  	v59 =	vld [tilespmem:$0xAD0];
	v58 =	vperm.xlane v0, v49;
	[tilespmem:$0x16E0] =	vst v54  }
0xe3: {  	v61 =	vld [tilespmem:$0xAE0];
	v60 =	vperm.xlane v0, v51;
	[tilespmem:$0x16F0] =	vst v56  }
0xe4: {  	v63 =	vld [tilespmem:$0xAF0];
	v62 =	vperm.xlane v0, v53;
	[tilespmem:$0x1700] =	vst v58  }
0xe5: {  	v4 =	vperm.xlane v0, v55;
	[tilespmem:$0x1710] =	vst v60  }
0xe6: {  	v5 =	vperm.xlane v0, v57;
	[tilespmem:$0x1720] =	vst v62  }
0xe7: {  	v8 =	vperm.xlane v0, v59;
	[tilespmem:$0x1730] =	vst v4  }
0xe8: {  	v9 =	vperm.xlane v0, v61;
	[tilespmem:$0x1740] =	vst v5  }
0xe9: {  	v10 =	vperm.xlane v0, v63;
	[tilespmem:$0x1750] =	vst v8  }
0xea: {  	[tilespmem:$0x1760] =	vst v9  }
0xeb: {  	s29 =	simm.s32 $0x15C0;
	s28 =	sadd.s32 $0x518, s3;
	[tilespmem:$0x1770] =	vst v10  }
0xec: {  	[hbm4b:s28+s2] =	stream.linear.scatter [tilespmem:s29], [sflag:$0x4], $0x1C0, $0x38;
	[tilespmem:$0x1980] =	vst v63  }
0xed: {  	v11 =	vld [tilespmem:$0xB00]  }
0xee: {  	v12 =	vld [tilespmem:$0xB10]  }
0xef: {  	v13 =	vld [tilespmem:$0xB20]  }
0xf0: {  	v14 =	vld [tilespmem:$0xB30]  }
0xf1: {  	v15 =	vld [tilespmem:$0xB40]  }
0xf2: {  	v16 =	vld [tilespmem:$0xB50];
	v1 =	vperm.xlane v0, v11  }
0xf3: {  	v17 =	vld [tilespmem:$0xB60];
	v2 =	vperm.xlane v0, v12  }
0xf4: {  	v19 =	vld [tilespmem:$0xB70];
	v18 =	vperm.xlane v0, v13;
	[tilespmem:$0x1780] =	vst v1  }
0xf5: {  	v21 =	vld [tilespmem:$0xB80];
	v20 =	vperm.xlane v0, v14;
	[tilespmem:$0x1790] =	vst v2  }
0xf6: {  	v23 =	vld [tilespmem:$0xB90];
	v22 =	vperm.xlane v0, v15;
	[tilespmem:$0x17A0] =	vst v18  }
0xf7: {  	v25 =	vld [tilespmem:$0xBA0];
	v24 =	vperm.xlane v0, v16;
	[tilespmem:$0x17B0] =	vst v20  }
0xf8: {  	v27 =	vld [tilespmem:$0xBB0];
	v26 =	vperm.xlane v0, v17;
	[tilespmem:$0x17C0] =	vst v22  }
0xf9: {  	v29 =	vld [tilespmem:$0xBC0];
	v28 =	vperm.xlane v0, v19;
	[tilespmem:$0x17D0] =	vst v24  }
0xfa: {  	v31 =	vld [tilespmem:$0xBD0];
	v30 =	vperm.xlane v0, v21;
	[tilespmem:$0x17E0] =	vst v26  }
0xfb: {  	v33 =	vld [tilespmem:$0xBE0];
	v32 =	vperm.xlane v0, v23;
	[tilespmem:$0x17F0] =	vst v28  }
0xfc: {  	v35 =	vld [tilespmem:$0xBF0];
	v34 =	vperm.xlane v0, v25;
	[tilespmem:$0x1800] =	vst v30  }
0xfd: {  	v37 =	vld [tilespmem:$0xC00];
	v36 =	vperm.xlane v0, v27;
	[tilespmem:$0x1810] =	vst v32  }
0xfe: {  	v39 =	vld [tilespmem:$0xC10];
	v38 =	vperm.xlane v0, v29;
	[tilespmem:$0x1820] =	vst v34  }
0xff: {  	v41 =	vld [tilespmem:$0xC20];
	v40 =	vperm.xlane v0, v31;
	[tilespmem:$0x1830] =	vst v36  }
0x100: {  	v43 =	vld [tilespmem:$0xC30];
	v42 =	vperm.xlane v0, v33;
	[tilespmem:$0x1840] =	vst v38  }
0x101: {  	v45 =	vld [tilespmem:$0xC40];
	v44 =	vperm.xlane v0, v35;
	[tilespmem:$0x1850] =	vst v40  }
0x102: {  	v47 =	vld [tilespmem:$0xC50];
	v46 =	vperm.xlane v0, v37;
	[tilespmem:$0x1860] =	vst v42  }
0x103: {  	v49 =	vld [tilespmem:$0xC60];
	v48 =	vperm.xlane v0, v39;
	[tilespmem:$0x1870] =	vst v44  }
0x104: {  	v51 =	vld [tilespmem:$0xC70];
	v50 =	vperm.xlane v0, v41;
	[tilespmem:$0x1880] =	vst v46  }
0x105: {  	v53 =	vld [tilespmem:$0xC80];
	v52 =	vperm.xlane v0, v43;
	[tilespmem:$0x1890] =	vst v48  }
0x106: {  	v55 =	vld [tilespmem:$0xC90];
	v54 =	vperm.xlane v0, v45;
	[tilespmem:$0x18A0] =	vst v50  }
0x107: {  	v57 =	vld [tilespmem:$0xCA0];
	v56 =	vperm.xlane v0, v47;
	[tilespmem:$0x18B0] =	vst v52  }
0x108: {  	v59 =	vld [tilespmem:$0xCB0];
	v58 =	vperm.xlane v0, v49;
	[tilespmem:$0x18C0] =	vst v54  }
0x109: {  	v60 =	vperm.xlane v0, v51;
	[tilespmem:$0x18D0] =	vst v56  }
0x10a: {  	v61 =	vperm.xlane v0, v53;
	[tilespmem:$0x18E0] =	vst v58  }
0x10b: {  	v62 =	vperm.xlane v0, v55;
	[tilespmem:$0x18F0] =	vst v60  }
0x10c: {  	v63 =	vperm.xlane v0, v57;
	[tilespmem:$0x1900] =	vst v61  }
0x10d: {  	v0 =	vperm.xlane v0, v59;
	[tilespmem:$0x1910] =	vst v62  }
0x10e: {  	[tilespmem:$0x1920] =	vst v63  }
0x10f: {  	s30 =	simm.s32 $0x1780;
	s31 =	simm.s32 $0x4;
	s3 =	sadd.s32 $0x550, s3;
	[tilespmem:$0x1930] =	vst v0  }
0x110: {  	[hbm4b:s3+s2] =	stream.linear.scatter [tilespmem:s30], [sflag:$0x4], $0x1C0, $0x38;
	[tilespmem:$0x1980] =	vst v63  }
0x111: {  	_ =	swait.ge [sflag:s31], $0x1C0  }
0x112: {  	[sflag:s31] =	ssyncset.done $0x0  }
0x113: {  	[sflag:s31] =	ssyncadd.s32 $0xFFFFFE40  }
0x114: {  	_ =	swait.ge [sflag:s31], $0x1C0  }
0x115: {  	[sflag:s31] =	ssyncset.done $0x0  }
0x116: {  	[sflag:s31] =	ssyncadd.s32 $0xFFFFFE40  }
0x117: {  	_ =	swait.ge [sflag:s31], $0x1C0  }
0x118: {  	[sflag:s31] =	ssyncset.done $0x0  }
0x119: {  	[sflag:s31] =	ssyncadd.s32 $0xFFFFFE40  }
0x11a: {  	_ =	swait.ge [sflag:s31], $0x1C0  }
0x11b: {  	[sflag:s31] =	ssyncset.done $0x0  }
0x11c: {  	[sflag:s31] =	ssyncadd.s32 $0xFFFFFE40  }
0x11d: {  	_ =	swait.ge [sflag:s31], $0x1C0  }
0x11e: {  	[sflag:s31] =	ssyncset.done $0x0  }
0x11f: {  	[sflag:s31] =	ssyncadd.s32 $0xFFFFFE40  }
0x120: {  	_ =	swait.ge [sflag:s31], $0x1C0  }
0x121: {  	[sflag:s31] =	ssyncset.done $0x0  }
0x122: {  	[sflag:s31] =	ssyncadd.s32 $0xFFFFFE40  }
0x123: {  	_ =	swait.ge [sflag:s31], $0x1C0  }
0x124: {  	[sflag:s31] =	ssyncset.done $0x0  }
0x125: {  	[sflag:s31] =	ssyncadd.s32 $0xFFFFFE40  }
0x126: {  	_ =	sfence.sel $0x180000  }
0x127: {  	[bflag:$0x0] =	sbarrier.arrive $0xFFFF  }
0x128: {  	p0 =	sne.s32 s0, $0x0;
	_ =	strace $0x90000047  }
0x129: {  	s0 =	sadd.s32 @!p0 $0x100000, s1;
	[bflag:$0x2] =	sbarrier.arrive $0xFFFF  }
0x12a: {  	[sflag:s0] =	ssyncadd.tile.s32 @!p0 $0x1;
	_ =	shalt  }
.Lfunc_end2:
_tile_overlayer_lowered:
.L_overlay_start_2:
0x12b: {  	(tag) =	ssettag $0x2  }
0x12c: {  	s0 =	rddreg [dreg:$0x0];
	s2 =	stileid.u32  }
0x12d: {  	s1 =	rddreg [dreg:$0x1];
	p0 =	sne.s32 s2, $0x0  }
0x12e: {  	s3 =	rddreg [dreg:$0x2];
	[bflag:$0x3] =	sbarrier.arrive $0xFFFF;
	s2 =	simm.s32 @!p0 $0x1C05  }
0x12f: {  	[timem:s3], [sflag:s2] =	dma.local @!p0 [hbm:s0], s1  }
0x130: {  	s0 =	simm.s32 @!p0 $0x5  }
0x131: {  	_ =	swait.ge @!p0 [sflag:s0], s1  }
0x132: {  	s1 =	ssub.s32 @!p0 $0x0, s1;
	[sflag:s0] =	ssyncset.done @!p0 $0x0  }
0x133: {  	[sflag:s0] =	ssyncadd.s32 @!p0 s1  }
0x134: {  	[bflag:$0x3] =	sbarrier.arrive $0xFFFF  }
0x135: {  	_ =	shalt  }

</sc_bundles>
